<compile_context>
chip_gen: v7x
topology: tpu7x:2x2x1
jax: 0.10.2.dev20260603
libtpu: 0.0.44.dev20260713+nightly
codegen_flags: <defaults>
</compile_context>

<pallas_src>
import functools

import jax
import jax.numpy as jnp
from jax import lax
from jax.experimental import pallas as pl
from jax.experimental.pallas import tpu as pltpu
from jax.experimental.pallas import tpu_sc as plsc

N = 16384
EMBED_DIM = 32
_LANES = 128

_info = plsc.get_sparse_core_info()
_NC, _NS = _info.num_cores, _info.num_subcores
_NW = _NC * _NS
_PER_W = N // _NW
_PH = 8
_NPH = _PER_W // _PH


def _make_kernel():
  mesh = plsc.VectorSubcoreMesh(core_axis_name="c", subcore_axis_name="s")

  @functools.partial(
      pl.kernel,
      mesh=mesh,
      out_type=jax.ShapeDtypeStruct((EMBED_DIM, N), jnp.float32),
      compiler_params=pltpu.CompilerParams(needs_layout_passes=False),
      scratch_types=[
          pltpu.VMEM((_PER_W + 16,), jnp.int32),
          pltpu.VMEM((3, _PH, EMBED_DIM, _LANES), jnp.float32),
          pltpu.VMEM((EMBED_DIM, _PER_W), jnp.float32),
          pltpu.SemaphoreType.DMA,
          pltpu.SemaphoreType.DMA,
          pltpu.SemaphoreType.DMA,
      ],
  )
  def gather_kernel(idx_hbm, tt_hbm, out_hbm, idx_v, blk_v, vals_v,
                    sem0, sem1, sem2):
    wid = lax.axis_index("s") * _NC + lax.axis_index("c")
    base = wid * _PER_W
    pltpu.sync_copy(idx_hbm.at[pl.ds(base, _PER_W)],
                    idx_v.at[pl.ds(0, _PER_W)])

    rows_lo = lax.iota(jnp.int32, 16)
    rows_hi = rows_lo + 16

    def issue(p, buf, sem):
      v = idx_v[pl.ds(p * _PH, 16)]
      for j in range(_PH):
        r128 = pl.multiple_of(lax.bitwise_and(v[j], -_LANES), _LANES)
        pltpu.async_copy(
            tt_hbm.at[:, pl.ds(r128, _LANES)], blk_v.at[buf, j], sem
        )

    def drain(buf, sem):
      for j in range(_PH):
        pltpu.make_async_copy(
            tt_hbm.at[:, pl.ds(0, _LANES)], blk_v.at[buf, j], sem
        ).wait()

    def extract(p, buf):
      v = idx_v[pl.ds(p * _PH, 16)]
      cols16 = lax.bitwise_and(v, _LANES - 1)
      g0 = p * _PH
      for j in range(_PH):
        cols = jnp.full((16,), cols16[j], jnp.int32)
        gs = jnp.full((16,), g0 + j, jnp.int32)
        blk = blk_v.at[buf, j]
        v_lo = plsc.load_gather(blk, [rows_lo, cols])
        v_hi = plsc.load_gather(blk, [rows_hi, cols])
        plsc.store_scatter(vals_v, [rows_lo, gs], v_lo)
        plsc.store_scatter(vals_v, [rows_hi, gs], v_hi)

    sems = (sem0, sem1, sem2)

    def phase_triple(k, _):
      p0 = 3 * k
      for d in range(3):
        p = p0 + d

        @pl.when(p + 2 < _NPH)
        def _():
          issue(p + 2, (d + 2) % 3, sems[(d + 2) % 3])

        drain(d, sems[d])
        extract(p, d)
      return ()

    issue(0, 0, sem0)
    issue(1, 1, sem1)
    lax.fori_loop(0, _NPH // 3, phase_triple, ())
    for p in range(_NPH - _NPH % 3, _NPH):
      drain(p % 3, sems[p % 3])
      extract(p, p % 3)

    pltpu.sync_copy(vals_v, out_hbm.at[:, pl.ds(base, _PER_W)])

  return gather_kernel


_gather = _make_kernel()


@jax.jit
def kernel(x, table):
  out_t = _gather(x.astype(jnp.int32), table.T)
  return out_t.T

# --- scband reference (transcript-rebuilt; emitter-appended) ---
"""Pipeline reference for scband-categorical-encoder-80118319940397 (READ-ONLY COPY).

The authoritative reference and input builder live on the scoring server;
editing this copy changes nothing except your own understanding.
"""

import jax, jax.numpy as jnp
import numpy as np

VOCAB = 1000000
EMBED_DIM = 32
N = 16384

def setup_inputs(seed: int = 0) -> dict:
    key = jax.random.key(seed)
    k_idx, k_tab = jax.random.split(key)
    x = jax.random.randint(k_idx, (N,), 0, VOCAB, dtype=jnp.int64) if jax.config.jax_enable_x64 else jax.random.randint(k_idx, (N,), 0, VOCAB, dtype=jnp.int32)
    table = jax.random.normal(k_tab, (VOCAB, EMBED_DIM), dtype=jnp.float32) * 0.01
    return {"x": x, "table": table}

def reference(x, table):
    # nn.Embedding forward: row gather from embedding table
    return jnp.take(table, x, axis=0)

if __name__ == "__main__":
    import jax
    _d = setup_inputs()
    print(jax.jit(kernel)(*tuple(_d.values())))

</pallas_src>

<mosaic_0001>
#map = affine_map<(d0, d1) -> (0)>
#map1 = affine_map<(d0, d1) -> (0, 0)>
module attributes {stable_mosaic.version = 14 : i64} {
  func.func @gather_kernel(%arg0: i32, %arg1: i32, %arg2: memref<16384xi32, #tpu.memory_space<hbm>>, %arg3: memref<32x1000000xf32, #tpu.memory_space<hbm>>, %arg4: memref<32x16384xf32, #tpu.memory_space<hbm>>, %arg5: memref<528xi32, #tpu.memory_space<vmem>>, %arg6: memref<3x8x32x128xf32, #tpu.memory_space<vmem>>, %arg7: memref<32x512xf32, #tpu.memory_space<vmem>>, %arg8: memref<!tpu.dma_semaphore, #tpu.memory_space<semaphore_mem>>, %arg9: memref<!tpu.dma_semaphore, #tpu.memory_space<semaphore_mem>>, %arg10: memref<!tpu.dma_semaphore, #tpu.memory_space<semaphore_mem>>) attributes {dimension_semantics = [#tpu.dimension_semantics<core_parallel>, #tpu.dimension_semantics<subcore_parallel>], iteration_bounds = array<i64: 2, 16>, scalar_prefetch = 0 : i64, scratch_operands = 6 : i64, tpu.core_type = #tpu.core_type<sc_vector_subcore>, window_params = [{transform_indices = #map}, {transform_indices = #map1}, {transform_indices = #map1}]} {
    %mul3A = arith.constant 2 : i32
    %mul3A_0 = arith.muli %arg1, %mul3A : i32
    %add3A = arith.addi %mul3A_0, %arg0 : i32
    %mul3A_1 = arith.constant 512 : i32
    %mul3A_2 = arith.muli %add3A, %mul3A_1 : i32
    "tpu.region"() ({
      %run_scoped3A = tpu.sem_alloc : memref<!tpu.dma_semaphore, #tpu.memory_space<semaphore_mem>>
      %dma_start3A_594 = arith.constant 0 : i32
      %dma_start3A_595 = tpu.memref_slice %arg5[%dma_start3A_594] : memref<528xi32, #tpu.memory_space<vmem>> -> memref<512xi32, #tpu.memory_space<vmem>>
      %dma_start3A_596 = tpu.memref_slice %arg2[%mul3A_2] : memref<16384xi32, #tpu.memory_space<hbm>> -> memref<512xi32, #tpu.memory_space<hbm>>
      %dma_start3A_597 = arith.constant 0 : i32
      %dma_start3A_598 = tpu.memref_slice %arg5[%dma_start3A_597] : memref<528xi32, #tpu.memory_space<vmem>> -> memref<512xi32, #tpu.memory_space<vmem>>
      %dma_start3A_599 = tpu.memref_slice %arg2[%mul3A_2] : memref<16384xi32, #tpu.memory_space<hbm>> -> memref<512xi32, #tpu.memory_space<hbm>>
      tpu.enqueue_dma source(%dma_start3A_599 : memref<512xi32, #tpu.memory_space<hbm>>) target(%dma_start3A_598 : memref<512xi32, #tpu.memory_space<vmem>>) target_semaphore(%run_scoped3A : memref<!tpu.dma_semaphore, #tpu.memory_space<semaphore_mem>>)
      %dma_wait3A_600 = arith.constant 0 : i32
      %dma_wait3A_601 = tpu.memref_slice %arg5[%dma_wait3A_600] : memref<528xi32, #tpu.memory_space<vmem>> -> memref<512xi32, #tpu.memory_space<vmem>>
      %dma_wait3A_602 = tpu.memref_slice %arg2[%mul3A_2] : memref<16384xi32, #tpu.memory_space<hbm>> -> memref<512xi32, #tpu.memory_space<hbm>>
      %dma_wait3A_603 = arith.constant 0 : i32
      %dma_wait3A_604 = tpu.memref_slice %arg5[%dma_wait3A_603] : memref<528xi32, #tpu.memory_space<vmem>> -> memref<512xi32, #tpu.memory_space<vmem>>
      %dma_wait3A_605 = tpu.memref_slice %arg2[%mul3A_2] : memref<16384xi32, #tpu.memory_space<hbm>> -> memref<512xi32, #tpu.memory_space<hbm>>
      tpu.wait_dma2 semaphore(%run_scoped3A : memref<!tpu.dma_semaphore, #tpu.memory_space<semaphore_mem>>) src(%dma_wait3A_605 : memref<512xi32, #tpu.memory_space<hbm>>) dst(%dma_wait3A_604 : memref<512xi32, #tpu.memory_space<vmem>>)
      tpu.yield
    }) : () -> ()
    %iota3A = tpu.iota {dimensions = array<i32: 0>} : vector<16xi32>
    %add3A_3 = arith.constant 16 : i32
    %add3A_4 = vector.broadcast %add3A_3 : i32 to vector<16xi32>
    %add3A_5 = arith.addi %iota3A, %add3A_4 : vector<16xi32>
    %get3A = arith.constant 0 : index
    %get3A_6 = tpu.vector_load %arg5[%get3A] {strides = array<i32>} : memref<528xi32, #tpu.memory_space<vmem>>, vector<16xi32>,
    %slice3A = vector.extract_strided_slice %get3A_6 {offsets = [0], sizes = [1], strides = [1]} : vector<16xi32> to vector<1xi32>
    %squeeze3A = vector.extract %slice3A[0] : i32 from vector<1xi32>
    %and3A = arith.constant -128 : i32
    %and3A_7 = arith.andi %squeeze3A, %and3A : i32
    %multiple_of3A = tpu.assume_multiple %and3A_7, 128 : i32
    %dma_start3A = arith.constant 0 : i32
    %dma_start3A_8 = arith.constant 0 : i32
    %dma_start3A_9 = arith.constant 0 : i32
    %dma_start3A_10 = arith.constant 0 : i32
    %dma_start3A_11 = tpu.memref_slice %arg6[%dma_start3A, %dma_start3A_8, %dma_start3A_9, %dma_start3A_10] : memref<3x8x32x128xf32, #tpu.memory_space<vmem>> -> memref<1x1x32x128xf32, #tpu.memory_space<vmem>>
    %dma_start3A_12 = tpu.memref_squeeze %dma_start3A_11 : memref<1x1x32x128xf32, #tpu.memory_space<vmem>> -> memref<32x128xf32, #tpu.memory_space<vmem>>
    %dma_start3A_13 = arith.constant 0 : i32
    %dma_start3A_14 = tpu.memref_slice %arg3[%dma_start3A_13, %multiple_of3A] : memref<32x1000000xf32, #tpu.memory_space<hbm>> -> memref<32x128xf32, #tpu.memory_space<hbm>>
    %dma_start3A_15 = arith.constant 0 : i32
    %dma_start3A_16 = arith.constant 0 : i32
    %dma_start3A_17 = tpu.memref_slice %arg6[%dma_start3A, %dma_start3A_8, %dma_start3A_15, %dma_start3A_16] : memref<3x8x32x128xf32, #tpu.memory_space<vmem>> -> memref<1x1x32x128xf32, #tpu.memory_space<vmem>>
    %dma_start3A_18 = tpu.memref_squeeze %dma_start3A_17 : memref<1x1x32x128xf32, #tpu.memory_space<vmem>> -> memref<32x128xf32, #tpu.memory_space<vmem>>
    %dma_start3A_19 = arith.constant 0 : i32
    %dma_start3A_20 = tpu.memref_slice %arg3[%dma_start3A_19, %multiple_of3A] : memref<32x1000000xf32, #tpu.memory_space<hbm>> -> memref<32x128xf32, #tpu.memory_space<hbm>>
    tpu.enqueue_dma source(%dma_start3A_20 : memref<32x128xf32, #tpu.memory_space<hbm>>) target(%dma_start3A_18 : memref<32x128xf32, #tpu.memory_space<vmem>>) target_semaphore(%arg8 : memref<!tpu.dma_semaphore, #tpu.memory_space<semaphore_mem>>)
    %slice3A_21 = vector.extract_strided_slice %get3A_6 {offsets = [1], sizes = [1], strides = [1]} : vector<16xi32> to vector<1xi32>
    %squeeze3A_22 = vector.extract %slice3A_21[0] : i32 from vector<1xi32>
    %and3A_23 = arith.constant -128 : i32
    %and3A_24 = arith.andi %squeeze3A_22, %and3A_23 : i32
    %multiple_of3A_25 = tpu.assume_multiple %and3A_24, 128 : i32
    %dma_start3A_26 = arith.constant 0 : i32
    %dma_start3A_27 = arith.constant 1 : i32
    %dma_start3A_28 = arith.constant 0 : i32
    %dma_start3A_29 = arith.constant 0 : i32
    %dma_start3A_30 = tpu.memref_slice %arg6[%dma_start3A_26, %dma_start3A_27, %dma_start3A_28, %dma_start3A_29] : memref<3x8x32x128xf32, #tpu.memory_space<vmem>> -> memref<1x1x32x128xf32, #tpu.memory_space<vmem>>
    %dma_start3A_31 = tpu.memref_squeeze %dma_start3A_30 : memref<1x1x32x128xf32, #tpu.memory_space<vmem>> -> memref<32x128xf32, #tpu.memory_space<vmem>>
    %dma_start3A_32 = arith.constant 0 : i32
    %dma_start3A_33 = tpu.memref_slice %arg3[%dma_start3A_32, %multiple_of3A_25] : memref<32x1000000xf32, #tpu.memory_space<hbm>> -> memref<32x128xf32, #tpu.memory_space<hbm>>
    %dma_start3A_34 = arith.constant 0 : i32
    %dma_start3A_35 = arith.constant 0 : i32
    %dma_start3A_36 = tpu.memref_slice %arg6[%dma_start3A_26, %dma_start3A_27, %dma_start3A_34, %dma_start3A_35] : memref<3x8x32x128xf32, #tpu.memory_space<vmem>> -> memref<1x1x32x128xf32, #tpu.memory_space<vmem>>
    %dma_start3A_37 = tpu.memref_squeeze %dma_start3A_36 : memref<1x1x32x128xf32, #tpu.memory_space<vmem>> -> memref<32x128xf32, #tpu.memory_space<vmem>>
    %dma_start3A_38 = arith.constant 0 : i32
    %dma_start3A_39 = tpu.memref_slice %arg3[%dma_start3A_38, %multiple_of3A_25] : memref<32x1000000xf32, #tpu.memory_space<hbm>> -> memref<32x128xf32, #tpu.memory_space<hbm>>
    tpu.enqueue_dma source(%dma_start3A_39 : memref<32x128xf32, #tpu.memory_space<hbm>>) target(%dma_start3A_37 : memref<32x128xf32, #tpu.memory_space<vmem>>) target_semaphore(%arg8 : memref<!tpu.dma_semaphore, #tpu.memory_space<semaphore_mem>>)
    %slice3A_40 = vector.extract_strided_slice %get3A_6 {offsets = [2], sizes = [1], strides = [1]} : vector<16xi32> to vector<1xi32>
    %squeeze3A_41 = vector.extract %slice3A_40[0] : i32 from vector<1xi32>
    %and3A_42 = arith.constant -128 : i32
    %and3A_43 = arith.andi %squeeze3A_41, %and3A_42 : i32
    %multiple_of3A_44 = tpu.assume_multiple %and3A_43, 128 : i32
    %dma_start3A_45 = arith.constant 0 : i32
    %dma_start3A_46 = arith.constant 2 : i32
    %dma_start3A_47 = arith.constant 0 : i32
    %dma_start3A_48 = arith.constant 0 : i32
    %dma_start3A_49 = tpu.memref_slice %arg6[%dma_start3A_45, %dma_start3A_46, %dma_start3A_47, %dma_start3A_48] : memref<3x8x32x128xf32, #tpu.memory_space<vmem>> -> memref<1x1x32x128xf32, #tpu.memory_space<vmem>>
    %dma_start3A_50 = tpu.memref_squeeze %dma_start3A_49 : memref<1x1x32x128xf32, #tpu.memory_space<vmem>> -> memref<32x128xf32, #tpu.memory_space<vmem>>
    %dma_start3A_51 = arith.constant 0 : i32
    %dma_start3A_52 = tpu.memref_slice %arg3[%dma_start3A_51, %multiple_of3A_44] : memref<32x1000000xf32, #tpu.memory_space<hbm>> -> memref<32x128xf32, #tpu.memory_space<hbm>>
    %dma_start3A_53 = arith.constant 0 : i32
    %dma_start3A_54 = arith.constant 0 : i32
    %dma_start3A_55 = tpu.memref_slice %arg6[%dma_start3A_45, %dma_start3A_46, %dma_start3A_53, %dma_start3A_54] : memref<3x8x32x128xf32, #tpu.memory_space<vmem>> -> memref<1x1x32x128xf32, #tpu.memory_space<vmem>>
    %dma_start3A_56 = tpu.memref_squeeze %dma_start3A_55 : memref<1x1x32x128xf32, #tpu.memory_space<vmem>> -> memref<32x128xf32, #tpu.memory_space<vmem>>
    %dma_start3A_57 = arith.constant 0 : i32
    %dma_start3A_58 = tpu.memref_slice %arg3[%dma_start3A_57, %multiple_of3A_44] : memref<32x1000000xf32, #tpu.memory_space<hbm>> -> memref<32x128xf32, #tpu.memory_space<hbm>>
    tpu.enqueue_dma source(%dma_start3A_58 : memref<32x128xf32, #tpu.memory_space<hbm>>) target(%dma_start3A_56 : memref<32x128xf32, #tpu.memory_space<vmem>>) target_semaphore(%arg8 : memref<!tpu.dma_semaphore, #tpu.memory_space<semaphore_mem>>)
    %slice3A_59 = vector.extract_strided_slice %get3A_6 {offsets = [3], sizes = [1], strides = [1]} : vector<16xi32> to vector<1xi32>
    %squeeze3A_60 = vector.extract %slice3A_59[0] : i32 from vector<1xi32>
    %and3A_61 = arith.constant -128 : i32
    %and3A_62 = arith.andi %squeeze3A_60, %and3A_61 : i32
    %multiple_of3A_63 = tpu.assume_multiple %and3A_62, 128 : i32
    %dma_start3A_64 = arith.constant 0 : i32
    %dma_start3A_65 = arith.constant 3 : i32
    %dma_start3A_66 = arith.constant 0 : i32
    %dma_start3A_67 = arith.constant 0 : i32
    %dma_start3A_68 = tpu.memref_slice %arg6[%dma_start3A_64, %dma_start3A_65, %dma_start3A_66, %dma_start3A_67] : memref<3x8x32x128xf32, #tpu.memory_space<vmem>> -> memref<1x1x32x128xf32, #tpu.memory_space<vmem>>
    %dma_start3A_69 = tpu.memref_squeeze %dma_start3A_68 : memref<1x1x32x128xf32, #tpu.memory_space<vmem>> -> memref<32x128xf32, #tpu.memory_space<vmem>>
    %dma_start3A_70 = arith.constant 0 : i32
    %dma_start3A_71 = tpu.memref_slice %arg3[%dma_start3A_70, %multiple_of3A_63] : memref<32x1000000xf32, #tpu.memory_space<hbm>> -> memref<32x128xf32, #tpu.memory_space<hbm>>
    %dma_start3A_72 = arith.constant 0 : i32
    %dma_start3A_73 = arith.constant 0 : i32
    %dma_start3A_74 = tpu.memref_slice %arg6[%dma_start3A_64, %dma_start3A_65, %dma_start3A_72, %dma_start3A_73] : memref<3x8x32x128xf32, #tpu.memory_space<vmem>> -> memref<1x1x32x128xf32, #tpu.memory_space<vmem>>
    %dma_start3A_75 = tpu.memref_squeeze %dma_start3A_74 : memref<1x1x32x128xf32, #tpu.memory_space<vmem>> -> memref<32x128xf32, #tpu.memory_space<vmem>>
    %dma_start3A_76 = arith.constant 0 : i32
    %dma_start3A_77 = tpu.memref_slice %arg3[%dma_start3A_76, %multiple_of3A_63] : memref<32x1000000xf32, #tpu.memory_space<hbm>> -> memref<32x128xf32, #tpu.memory_space<hbm>>
    tpu.enqueue_dma source(%dma_start3A_77 : memref<32x128xf32, #tpu.memory_space<hbm>>) target(%dma_start3A_75 : memref<32x128xf32, #tpu.memory_space<vmem>>) target_semaphore(%arg8 : memref<!tpu.dma_semaphore, #tpu.memory_space<semaphore_mem>>)
    %slice3A_78 = vector.extract_strided_slice %get3A_6 {offsets = [4], sizes = [1], strides = [1]} : vector<16xi32> to vector<1xi32>
    %squeeze3A_79 = vector.extract %slice3A_78[0] : i32 from vector<1xi32>
    %and3A_80 = arith.constant -128 : i32
    %and3A_81 = arith.andi %squeeze3A_79, %and3A_80 : i32
    %multiple_of3A_82 = tpu.assume_multiple %and3A_81, 128 : i32
    %dma_start3A_83 = arith.constant 0 : i32
    %dma_start3A_84 = arith.constant 4 : i32
    %dma_start3A_85 = arith.constant 0 : i32
    %dma_start3A_86 = arith.constant 0 : i32
    %dma_start3A_87 = tpu.memref_slice %arg6[%dma_start3A_83, %dma_start3A_84, %dma_start3A_85, %dma_start3A_86] : memref<3x8x32x128xf32, #tpu.memory_space<vmem>> -> memref<1x1x32x128xf32, #tpu.memory_space<vmem>>
    %dma_start3A_88 = tpu.memref_squeeze %dma_start3A_87 : memref<1x1x32x128xf32, #tpu.memory_space<vmem>> -> memref<32x128xf32, #tpu.memory_space<vmem>>
    %dma_start3A_89 = arith.constant 0 : i32
    %dma_start3A_90 = tpu.memref_slice %arg3[%dma_start3A_89, %multiple_of3A_82] : memref<32x1000000xf32, #tpu.memory_space<hbm>> -> memref<32x128xf32, #tpu.memory_space<hbm>>
    %dma_start3A_91 = arith.constant 0 : i32
    %dma_start3A_92 = arith.constant 0 : i32
    %dma_start3A_93 = tpu.memref_slice %arg6[%dma_start3A_83, %dma_start3A_84, %dma_start3A_91, %dma_start3A_92] : memref<3x8x32x128xf32, #tpu.memory_space<vmem>> -> memref<1x1x32x128xf32, #tpu.memory_space<vmem>>
    %dma_start3A_94 = tpu.memref_squeeze %dma_start3A_93 : memref<1x1x32x128xf32, #tpu.memory_space<vmem>> -> memref<32x128xf32, #tpu.memory_space<vmem>>
    %dma_start3A_95 = arith.constant 0 : i32
    %dma_start3A_96 = tpu.memref_slice %arg3[%dma_start3A_95, %multiple_of3A_82] : memref<32x1000000xf32, #tpu.memory_space<hbm>> -> memref<32x128xf32, #tpu.memory_space<hbm>>
    tpu.enqueue_dma source(%dma_start3A_96 : memref<32x128xf32, #tpu.memory_space<hbm>>) target(%dma_start3A_94 : memref<32x128xf32, #tpu.memory_space<vmem>>) target_semaphore(%arg8 : memref<!tpu.dma_semaphore, #tpu.memory_space<semaphore_mem>>)
    %slice3A_97 = vector.extract_strided_slice %get3A_6 {offsets = [5], sizes = [1], strides = [1]} : vector<16xi32> to vector<1xi32>
    %squeeze3A_98 = vector.extract %slice3A_97[0] : i32 from vector<1xi32>
    %and3A_99 = arith.constant -128 : i32
    %and3A_100 = arith.andi %squeeze3A_98, %and3A_99 : i32
    %multiple_of3A_101 = tpu.assume_multiple %and3A_100, 128 : i32
    %dma_start3A_102 = arith.constant 0 : i32
    %dma_start3A_103 = arith.constant 5 : i32
    %dma_start3A_104 = arith.constant 0 : i32
    %dma_start3A_105 = arith.constant 0 : i32
    %dma_start3A_106 = tpu.memref_slice %arg6[%dma_start3A_102, %dma_start3A_103, %dma_start3A_104, %dma_start3A_105] : memref<3x8x32x128xf32, #tpu.memory_space<vmem>> -> memref<1x1x32x128xf32, #tpu.memory_space<vmem>>
    %dma_start3A_107 = tpu.memref_squeeze %dma_start3A_106 : memref<1x1x32x128xf32, #tpu.memory_space<vmem>> -> memref<32x128xf32, #tpu.memory_space<vmem>>
    %dma_start3A_108 = arith.constant 0 : i32
    %dma_start3A_109 = tpu.memref_slice %arg3[%dma_start3A_108, %multiple_of3A_101] : memref<32x1000000xf32, #tpu.memory_space<hbm>> -> memref<32x128xf32, #tpu.memory_space<hbm>>
    %dma_start3A_110 = arith.constant 0 : i32
    %dma_start3A_111 = arith.constant 0 : i32
    %dma_start3A_112 = tpu.memref_slice %arg6[%dma_start3A_102, %dma_start3A_103, %dma_start3A_110, %dma_start3A_111] : memref<3x8x32x128xf32, #tpu.memory_space<vmem>> -> memref<1x1x32x128xf32, #tpu.memory_space<vmem>>
    %dma_start3A_113 = tpu.memref_squeeze %dma_start3A_112 : memref<1x1x32x128xf32, #tpu.memory_space<vmem>> -> memref<32x128xf32, #tpu.memory_space<vmem>>
    %dma_start3A_114 = arith.constant 0 : i32
    %dma_start3A_115 = tpu.memref_slice %arg3[%dma_start3A_114, %multiple_of3A_101] : memref<32x1000000xf32, #tpu.memory_space<hbm>> -> memref<32x128xf32, #tpu.memory_space<hbm>>
    tpu.enqueue_dma source(%dma_start3A_115 : memref<32x128xf32, #tpu.memory_space<hbm>>) target(%dma_start3A_113 : memref<32x128xf32, #tpu.memory_space<vmem>>) target_semaphore(%arg8 : memref<!tpu.dma_semaphore, #tpu.memory_space<semaphore_mem>>)
    %slice3A_116 = vector.extract_strided_slice %get3A_6 {offsets = [6], sizes = [1], strides = [1]} : vector<16xi32> to vector<1xi32>
    %squeeze3A_117 = vector.extract %slice3A_116[0] : i32 from vector<1xi32>
    %and3A_118 = arith.constant -128 : i32
    %and3A_119 = arith.andi %squeeze3A_117, %and3A_118 : i32
    %multiple_of3A_120 = tpu.assume_multiple %and3A_119, 128 : i32
    %dma_start3A_121 = arith.constant 0 : i32
    %dma_start3A_122 = arith.constant 6 : i32
    %dma_start3A_123 = arith.constant 0 : i32
    %dma_start3A_124 = arith.constant 0 : i32
    %dma_start3A_125 = tpu.memref_slice %arg6[%dma_start3A_121, %dma_start3A_122, %dma_start3A_123, %dma_start3A_124] : memref<3x8x32x128xf32, #tpu.memory_space<vmem>> -> memref<1x1x32x128xf32, #tpu.memory_space<vmem>>
    %dma_start3A_126 = tpu.memref_squeeze %dma_start3A_125 : memref<1x1x32x128xf32, #tpu.memory_space<vmem>> -> memref<32x128xf32, #tpu.memory_space<vmem>>
    %dma_start3A_127 = arith.constant 0 : i32
    %dma_start3A_128 = tpu.memref_slice %arg3[%dma_start3A_127, %multiple_of3A_120] : memref<32x1000000xf32, #tpu.memory_space<hbm>> -> memref<32x128xf32, #tpu.memory_space<hbm>>
    %dma_start3A_129 = arith.constant 0 : i32
    %dma_start3A_130 = arith.constant 0 : i32
    %dma_start3A_131 = tpu.memref_slice %arg6[%dma_start3A_121, %dma_start3A_122, %dma_start3A_129, %dma_start3A_130] : memref<3x8x32x128xf32, #tpu.memory_space<vmem>> -> memref<1x1x32x128xf32, #tpu.memory_space<vmem>>
    %dma_start3A_132 = tpu.memref_squeeze %dma_start3A_131 : memref<1x1x32x128xf32, #tpu.memory_space<vmem>> -> memref<32x128xf32, #tpu.memory_space<vmem>>
    %dma_start3A_133 = arith.constant 0 : i32
    %dma_start3A_134 = tpu.memref_slice %arg3[%dma_start3A_133, %multiple_of3A_120] : memref<32x1000000xf32, #tpu.memory_space<hbm>> -> memref<32x128xf32, #tpu.memory_space<hbm>>
    tpu.enqueue_dma source(%dma_start3A_134 : memref<32x128xf32, #tpu.memory_space<hbm>>) target(%dma_start3A_132 : memref<32x128xf32, #tpu.memory_space<vmem>>) target_semaphore(%arg8 : memref<!tpu.dma_semaphore, #tpu.memory_space<semaphore_mem>>)
    %slice3A_135 = vector.extract_strided_slice %get3A_6 {offsets = [7], sizes = [1], strides = [1]} : vector<16xi32> to vector<1xi32>
    %squeeze3A_136 = vector.extract %slice3A_135[0] : i32 from vector<1xi32>
    %and3A_137 = arith.constant -128 : i32
    %and3A_138 = arith.andi %squeeze3A_136, %and3A_137 : i32
    %multiple_of3A_139 = tpu.assume_multiple %and3A_138, 128 : i32
    %dma_start3A_140 = arith.constant 0 : i32
    %dma_start3A_141 = arith.constant 7 : i32
    %dma_start3A_142 = arith.constant 0 : i32
    %dma_start3A_143 = arith.constant 0 : i32
    %dma_start3A_144 = tpu.memref_slice %arg6[%dma_start3A_140, %dma_start3A_141, %dma_start3A_142, %dma_start3A_143] : memref<3x8x32x128xf32, #tpu.memory_space<vmem>> -> memref<1x1x32x128xf32, #tpu.memory_space<vmem>>
    %dma_start3A_145 = tpu.memref_squeeze %dma_start3A_144 : memref<1x1x32x128xf32, #tpu.memory_space<vmem>> -> memref<32x128xf32, #tpu.memory_space<vmem>>
    %dma_start3A_146 = arith.constant 0 : i32
    %dma_start3A_147 = tpu.memref_slice %arg3[%dma_start3A_146, %multiple_of3A_139] : memref<32x1000000xf32, #tpu.memory_space<hbm>> -> memref<32x128xf32, #tpu.memory_space<hbm>>
    %dma_start3A_148 = arith.constant 0 : i32
    %dma_start3A_149 = arith.constant 0 : i32
    %dma_start3A_150 = tpu.memref_slice %arg6[%dma_start3A_140, %dma_start3A_141, %dma_start3A_148, %dma_start3A_149] : memref<3x8x32x128xf32, #tpu.memory_space<vmem>> -> memref<1x1x32x128xf32, #tpu.memory_space<vmem>>
    %dma_start3A_151 = tpu.memref_squeeze %dma_start3A_150 : memref<1x1x32x128xf32, #tpu.memory_space<vmem>> -> memref<32x128xf32, #tpu.memory_space<vmem>>
    %dma_start3A_152 = arith.constant 0 : i32
    %dma_start3A_153 = tpu.memref_slice %arg3[%dma_start3A_152, %multiple_of3A_139] : memref<32x1000000xf32, #tpu.memory_space<hbm>> -> memref<32x128xf32, #tpu.memory_space<hbm>>
    tpu.enqueue_dma source(%dma_start3A_153 : memref<32x128xf32, #tpu.memory_space<hbm>>) target(%dma_start3A_151 : memref<32x128xf32, #tpu.memory_space<vmem>>) target_semaphore(%arg8 : memref<!tpu.dma_semaphore, #tpu.memory_space<semaphore_mem>>)
    %get3A_154 = arith.constant 8 : index
    %get3A_155 = tpu.vector_load %arg5[%get3A_154] {strides = array<i32>} : memref<528xi32, #tpu.memory_space<vmem>>, vector<16xi32>,
    %slice3A_156 = vector.extract_strided_slice %get3A_155 {offsets = [0], sizes = [1], strides = [1]} : vector<16xi32> to vector<1xi32>
    %squeeze3A_157 = vector.extract %slice3A_156[0] : i32 from vector<1xi32>
    %and3A_158 = arith.constant -128 : i32
    %and3A_159 = arith.andi %squeeze3A_157, %and3A_158 : i32
    %multiple_of3A_160 = tpu.assume_multiple %and3A_159, 128 : i32
    %dma_start3A_161 = arith.constant 1 : i32
    %dma_start3A_162 = arith.constant 0 : i32
    %dma_start3A_163 = arith.constant 0 : i32
    %dma_start3A_164 = arith.constant 0 : i32
    %dma_start3A_165 = tpu.memref_slice %arg6[%dma_start3A_161, %dma_start3A_162, %dma_start3A_163, %dma_start3A_164] : memref<3x8x32x128xf32, #tpu.memory_space<vmem>> -> memref<1x1x32x128xf32, #tpu.memory_space<vmem>>
    %dma_start3A_166 = tpu.memref_squeeze %dma_start3A_165 : memref<1x1x32x128xf32, #tpu.memory_space<vmem>> -> memref<32x128xf32, #tpu.memory_space<vmem>>
    %dma_start3A_167 = arith.constant 0 : i32
    %dma_start3A_168 = tpu.memref_slice %arg3[%dma_start3A_167, %multiple_of3A_160] : memref<32x1000000xf32, #tpu.memory_space<hbm>> -> memref<32x128xf32, #tpu.memory_space<hbm>>
    %dma_start3A_169 = arith.constant 0 : i32
    %dma_start3A_170 = arith.constant 0 : i32
    %dma_start3A_171 = tpu.memref_slice %arg6[%dma_start3A_161, %dma_start3A_162, %dma_start3A_169, %dma_start3A_170] : memref<3x8x32x128xf32, #tpu.memory_space<vmem>> -> memref<1x1x32x128xf32, #tpu.memory_space<vmem>>
    %dma_start3A_172 = tpu.memref_squeeze %dma_start3A_171 : memref<1x1x32x128xf32, #tpu.memory_space<vmem>> -> memref<32x128xf32, #tpu.memory_space<vmem>>
    %dma_start3A_173 = arith.constant 0 : i32
    %dma_start3A_174 = tpu.memref_slice %arg3[%dma_start3A_173, %multiple_of3A_160] : memref<32x1000000xf32, #tpu.memory_space<hbm>> -> memref<32x128xf32, #tpu.memory_space<hbm>>
    tpu.enqueue_dma source(%dma_start3A_174 : memref<32x128xf32, #tpu.memory_space<hbm>>) target(%dma_start3A_172 : memref<32x128xf32, #tpu.memory_space<vmem>>) target_semaphore(%arg9 : memref<!tpu.dma_semaphore, #tpu.memory_space<semaphore_mem>>)
    %slice3A_175 = vector.extract_strided_slice %get3A_155 {offsets = [1], sizes = [1], strides = [1]} : vector<16xi32> to vector<1xi32>
    %squeeze3A_176 = vector.extract %slice3A_175[0] : i32 from vector<1xi32>
    %and3A_177 = arith.constant -128 : i32
    %and3A_178 = arith.andi %squeeze3A_176, %and3A_177 : i32
    %multiple_of3A_179 = tpu.assume_multiple %and3A_178, 128 : i32
    %dma_start3A_180 = arith.constant 1 : i32
    %dma_start3A_181 = arith.constant 1 : i32
    %dma_start3A_182 = arith.constant 0 : i32
    %dma_start3A_183 = arith.constant 0 : i32
    %dma_start3A_184 = tpu.memref_slice %arg6[%dma_start3A_180, %dma_start3A_181, %dma_start3A_182, %dma_start3A_183] : memref<3x8x32x128xf32, #tpu.memory_space<vmem>> -> memref<1x1x32x128xf32, #tpu.memory_space<vmem>>
    %dma_start3A_185 = tpu.memref_squeeze %dma_start3A_184 : memref<1x1x32x128xf32, #tpu.memory_space<vmem>> -> memref<32x128xf32, #tpu.memory_space<vmem>>
    %dma_start3A_186 = arith.constant 0 : i32
    %dma_start3A_187 = tpu.memref_slice %arg3[%dma_start3A_186, %multiple_of3A_179] : memref<32x1000000xf32, #tpu.memory_space<hbm>> -> memref<32x128xf32, #tpu.memory_space<hbm>>
    %dma_start3A_188 = arith.constant 0 : i32
    %dma_start3A_189 = arith.constant 0 : i32
    %dma_start3A_190 = tpu.memref_slice %arg6[%dma_start3A_180, %dma_start3A_181, %dma_start3A_188, %dma_start3A_189] : memref<3x8x32x128xf32, #tpu.memory_space<vmem>> -> memref<1x1x32x128xf32, #tpu.memory_space<vmem>>
    %dma_start3A_191 = tpu.memref_squeeze %dma_start3A_190 : memref<1x1x32x128xf32, #tpu.memory_space<vmem>> -> memref<32x128xf32, #tpu.memory_space<vmem>>
    %dma_start3A_192 = arith.constant 0 : i32
    %dma_start3A_193 = tpu.memref_slice %arg3[%dma_start3A_192, %multiple_of3A_179] : memref<32x1000000xf32, #tpu.memory_space<hbm>> -> memref<32x128xf32, #tpu.memory_space<hbm>>
    tpu.enqueue_dma source(%dma_start3A_193 : memref<32x128xf32, #tpu.memory_space<hbm>>) target(%dma_start3A_191 : memref<32x128xf32, #tpu.memory_space<vmem>>) target_semaphore(%arg9 : memref<!tpu.dma_semaphore, #tpu.memory_space<semaphore_mem>>)
    %slice3A_194 = vector.extract_strided_slice %get3A_155 {offsets = [2], sizes = [1], strides = [1]} : vector<16xi32> to vector<1xi32>
    %squeeze3A_195 = vector.extract %slice3A_194[0] : i32 from vector<1xi32>
    %and3A_196 = arith.constant -128 : i32
    %and3A_197 = arith.andi %squeeze3A_195, %and3A_196 : i32
    %multiple_of3A_198 = tpu.assume_multiple %and3A_197, 128 : i32
    %dma_start3A_199 = arith.constant 1 : i32
    %dma_start3A_200 = arith.constant 2 : i32
    %dma_start3A_201 = arith.constant 0 : i32
    %dma_start3A_202 = arith.constant 0 : i32
    %dma_start3A_203 = tpu.memref_slice %arg6[%dma_start3A_199, %dma_start3A_200, %dma_start3A_201, %dma_start3A_202] : memref<3x8x32x128xf32, #tpu.memory_space<vmem>> -> memref<1x1x32x128xf32, #tpu.memory_space<vmem>>
    %dma_start3A_204 = tpu.memref_squeeze %dma_start3A_203 : memref<1x1x32x128xf32, #tpu.memory_space<vmem>> -> memref<32x128xf32, #tpu.memory_space<vmem>>
    %dma_start3A_205 = arith.constant 0 : i32
    %dma_start3A_206 = tpu.memref_slice %arg3[%dma_start3A_205, %multiple_of3A_198] : memref<32x1000000xf32, #tpu.memory_space<hbm>> -> memref<32x128xf32, #tpu.memory_space<hbm>>
    %dma_start3A_207 = arith.constant 0 : i32
    %dma_start3A_208 = arith.constant 0 : i32
    %dma_start3A_209 = tpu.memref_slice %arg6[%dma_start3A_199, %dma_start3A_200, %dma_start3A_207, %dma_start3A_208] : memref<3x8x32x128xf32, #tpu.memory_space<vmem>> -> memref<1x1x32x128xf32, #tpu.memory_space<vmem>>
    %dma_start3A_210 = tpu.memref_squeeze %dma_start3A_209 : memref<1x1x32x128xf32, #tpu.memory_space<vmem>> -> memref<32x128xf32, #tpu.memory_space<vmem>>
    %dma_start3A_211 = arith.constant 0 : i32
    %dma_start3A_212 = tpu.memref_slice %arg3[%dma_start3A_211, %multiple_of3A_198] : memref<32x1000000xf32, #tpu.memory_space<hbm>> -> memref<32x128xf32, #tpu.memory_space<hbm>>
    tpu.enqueue_dma source(%dma_start3A_212 : memref<32x128xf32, #tpu.memory_space<hbm>>) target(%dma_start3A_210 : memref<32x128xf32, #tpu.memory_space<vmem>>) target_semaphore(%arg9 : memref<!tpu.dma_semaphore, #tpu.memory_space<semaphore_mem>>)
    %slice3A_213 = vector.extract_strided_slice %get3A_155 {offsets = [3], sizes = [1], strides = [1]} : vector<16xi32> to vector<1xi32>
    %squeeze3A_214 = vector.extract %slice3A_213[0] : i32 from vector<1xi32>
    %and3A_215 = arith.constant -128 : i32
    %and3A_216 = arith.andi %squeeze3A_214, %and3A_215 : i32
    %multiple_of3A_217 = tpu.assume_multiple %and3A_216, 128 : i32
    %dma_start3A_218 = arith.constant 1 : i32
    %dma_start3A_219 = arith.constant 3 : i32
    %dma_start3A_220 = arith.constant 0 : i32
    %dma_start3A_221 = arith.constant 0 : i32
    %dma_start3A_222 = tpu.memref_slice %arg6[%dma_start3A_218, %dma_start3A_219, %dma_start3A_220, %dma_start3A_221] : memref<3x8x32x128xf32, #tpu.memory_space<vmem>> -> memref<1x1x32x128xf32, #tpu.memory_space<vmem>>
    %dma_start3A_223 = tpu.memref_squeeze %dma_start3A_222 : memref<1x1x32x128xf32, #tpu.memory_space<vmem>> -> memref<32x128xf32, #tpu.memory_space<vmem>>
    %dma_start3A_224 = arith.constant 0 : i32
    %dma_start3A_225 = tpu.memref_slice %arg3[%dma_start3A_224, %multiple_of3A_217] : memref<32x1000000xf32, #tpu.memory_space<hbm>> -> memref<32x128xf32, #tpu.memory_space<hbm>>
    %dma_start3A_226 = arith.constant 0 : i32
    %dma_start3A_227 = arith.constant 0 : i32
    %dma_start3A_228 = tpu.memref_slice %arg6[%dma_start3A_218, %dma_start3A_219, %dma_start3A_226, %dma_start3A_227] : memref<3x8x32x128xf32, #tpu.memory_space<vmem>> -> memref<1x1x32x128xf32, #tpu.memory_space<vmem>>
    %dma_start3A_229 = tpu.memref_squeeze %dma_start3A_228 : memref<1x1x32x128xf32, #tpu.memory_space<vmem>> -> memref<32x128xf32, #tpu.memory_space<vmem>>
    %dma_start3A_230 = arith.constant 0 : i32
    %dma_start3A_231 = tpu.memref_slice %arg3[%dma_start3A_230, %multiple_of3A_217] : memref<32x1000000xf32, #tpu.memory_space<hbm>> -> memref<32x128xf32, #tpu.memory_space<hbm>>
    tpu.enqueue_dma source(%dma_start3A_231 : memref<32x128xf32, #tpu.memory_space<hbm>>) target(%dma_start3A_229 : memref<32x128xf32, #tpu.memory_space<vmem>>) target_semaphore(%arg9 : memref<!tpu.dma_semaphore, #tpu.memory_space<semaphore_mem>>)
    %slice3A_232 = vector.extract_strided_slice %get3A_155 {offsets = [4], sizes = [1], strides = [1]} : vector<16xi32> to vector<1xi32>
    %squeeze3A_233 = vector.extract %slice3A_232[0] : i32 from vector<1xi32>
    %and3A_234 = arith.constant -128 : i32
    %and3A_235 = arith.andi %squeeze3A_233, %and3A_234 : i32
    %multiple_of3A_236 = tpu.assume_multiple %and3A_235, 128 : i32
    %dma_start3A_237 = arith.constant 1 : i32
    %dma_start3A_238 = arith.constant 4 : i32
    %dma_start3A_239 = arith.constant 0 : i32
    %dma_start3A_240 = arith.constant 0 : i32
    %dma_start3A_241 = tpu.memref_slice %arg6[%dma_start3A_237, %dma_start3A_238, %dma_start3A_239, %dma_start3A_240] : memref<3x8x32x128xf32, #tpu.memory_space<vmem>> -> memref<1x1x32x128xf32, #tpu.memory_space<vmem>>
    %dma_start3A_242 = tpu.memref_squeeze %dma_start3A_241 : memref<1x1x32x128xf32, #tpu.memory_space<vmem>> -> memref<32x128xf32, #tpu.memory_space<vmem>>
    %dma_start3A_243 = arith.constant 0 : i32
    %dma_start3A_244 = tpu.memref_slice %arg3[%dma_start3A_243, %multiple_of3A_236] : memref<32x1000000xf32, #tpu.memory_space<hbm>> -> memref<32x128xf32, #tpu.memory_space<hbm>>
    %dma_start3A_245 = arith.constant 0 : i32
    %dma_start3A_246 = arith.constant 0 : i32
    %dma_start3A_247 = tpu.memref_slice %arg6[%dma_start3A_237, %dma_start3A_238, %dma_start3A_245, %dma_start3A_246] : memref<3x8x32x128xf32, #tpu.memory_space<vmem>> -> memref<1x1x32x128xf32, #tpu.memory_space<vmem>>
    %dma_start3A_248 = tpu.memref_squeeze %dma_start3A_247 : memref<1x1x32x128xf32, #tpu.memory_space<vmem>> -> memref<32x128xf32, #tpu.memory_space<vmem>>
    %dma_start3A_249 = arith.constant 0 : i32
    %dma_start3A_250 = tpu.memref_slice %arg3[%dma_start3A_249, %multiple_of3A_236] : memref<32x1000000xf32, #tpu.memory_space<hbm>> -> memref<32x128xf32, #tpu.memory_space<hbm>>
    tpu.enqueue_dma source(%dma_start3A_250 : memref<32x128xf32, #tpu.memory_space<hbm>>) target(%dma_start3A_248 : memref<32x128xf32, #tpu.memory_space<vmem>>) target_semaphore(%arg9 : memref<!tpu.dma_semaphore, #tpu.memory_space<semaphore_mem>>)
    %slice3A_251 = vector.extract_strided_slice %get3A_155 {offsets = [5], sizes = [1], strides = [1]} : vector<16xi32> to vector<1xi32>
    %squeeze3A_252 = vector.extract %slice3A_251[0] : i32 from vector<1xi32>
    %and3A_253 = arith.constant -128 : i32
    %and3A_254 = arith.andi %squeeze3A_252, %and3A_253 : i32
    %multiple_of3A_255 = tpu.assume_multiple %and3A_254, 128 : i32
    %dma_start3A_256 = arith.constant 1 : i32
    %dma_start3A_257 = arith.constant 5 : i32
    %dma_start3A_258 = arith.constant 0 : i32
    %dma_start3A_259 = arith.constant 0 : i32
    %dma_start3A_260 = tpu.memref_slice %arg6[%dma_start3A_256, %dma_start3A_257, %dma_start3A_258, %dma_start3A_259] : memref<3x8x32x128xf32, #tpu.memory_space<vmem>> -> memref<1x1x32x128xf32, #tpu.memory_space<vmem>>
    %dma_start3A_261 = tpu.memref_squeeze %dma_start3A_260 : memref<1x1x32x128xf32, #tpu.memory_space<vmem>> -> memref<32x128xf32, #tpu.memory_space<vmem>>
    %dma_start3A_262 = arith.constant 0 : i32
    %dma_start3A_263 = tpu.memref_slice %arg3[%dma_start3A_262, %multiple_of3A_255] : memref<32x1000000xf32, #tpu.memory_space<hbm>> -> memref<32x128xf32, #tpu.memory_space<hbm>>
    %dma_start3A_264 = arith.constant 0 : i32
    %dma_start3A_265 = arith.constant 0 : i32
    %dma_start3A_266 = tpu.memref_slice %arg6[%dma_start3A_256, %dma_start3A_257, %dma_start3A_264, %dma_start3A_265] : memref<3x8x32x128xf32, #tpu.memory_space<vmem>> -> memref<1x1x32x128xf32, #tpu.memory_space<vmem>>
    %dma_start3A_267 = tpu.memref_squeeze %dma_start3A_266 : memref<1x1x32x128xf32, #tpu.memory_space<vmem>> -> memref<32x128xf32, #tpu.memory_space<vmem>>
    %dma_start3A_268 = arith.constant 0 : i32
    %dma_start3A_269 = tpu.memref_slice %arg3[%dma_start3A_268, %multiple_of3A_255] : memref<32x1000000xf32, #tpu.memory_space<hbm>> -> memref<32x128xf32, #tpu.memory_space<hbm>>
    tpu.enqueue_dma source(%dma_start3A_269 : memref<32x128xf32, #tpu.memory_space<hbm>>) target(%dma_start3A_267 : memref<32x128xf32, #tpu.memory_space<vmem>>) target_semaphore(%arg9 : memref<!tpu.dma_semaphore, #tpu.memory_space<semaphore_mem>>)
    %slice3A_270 = vector.extract_strided_slice %get3A_155 {offsets = [6], sizes = [1], strides = [1]} : vector<16xi32> to vector<1xi32>
    %squeeze3A_271 = vector.extract %slice3A_270[0] : i32 from vector<1xi32>
    %and3A_272 = arith.constant -128 : i32
    %and3A_273 = arith.andi %squeeze3A_271, %and3A_272 : i32
    %multiple_of3A_274 = tpu.assume_multiple %and3A_273, 128 : i32
    %dma_start3A_275 = arith.constant 1 : i32
    %dma_start3A_276 = arith.constant 6 : i32
    %dma_start3A_277 = arith.constant 0 : i32
    %dma_start3A_278 = arith.constant 0 : i32
    %dma_start3A_279 = tpu.memref_slice %arg6[%dma_start3A_275, %dma_start3A_276, %dma_start3A_277, %dma_start3A_278] : memref<3x8x32x128xf32, #tpu.memory_space<vmem>> -> memref<1x1x32x128xf32, #tpu.memory_space<vmem>>
    %dma_start3A_280 = tpu.memref_squeeze %dma_start3A_279 : memref<1x1x32x128xf32, #tpu.memory_space<vmem>> -> memref<32x128xf32, #tpu.memory_space<vmem>>
    %dma_start3A_281 = arith.constant 0 : i32
    %dma_start3A_282 = tpu.memref_slice %arg3[%dma_start3A_281, %multiple_of3A_274] : memref<32x1000000xf32, #tpu.memory_space<hbm>> -> memref<32x128xf32, #tpu.memory_space<hbm>>
    %dma_start3A_283 = arith.constant 0 : i32
    %dma_start3A_284 = arith.constant 0 : i32
    %dma_start3A_285 = tpu.memref_slice %arg6[%dma_start3A_275, %dma_start3A_276, %dma_start3A_283, %dma_start3A_284] : memref<3x8x32x128xf32, #tpu.memory_space<vmem>> -> memref<1x1x32x128xf32, #tpu.memory_space<vmem>>
    %dma_start3A_286 = tpu.memref_squeeze %dma_start3A_285 : memref<1x1x32x128xf32, #tpu.memory_space<vmem>> -> memref<32x128xf32, #tpu.memory_space<vmem>>
    %dma_start3A_287 = arith.constant 0 : i32
    %dma_start3A_288 = tpu.memref_slice %arg3[%dma_start3A_287, %multiple_of3A_274] : memref<32x1000000xf32, #tpu.memory_space<hbm>> -> memref<32x128xf32, #tpu.memory_space<hbm>>
    tpu.enqueue_dma source(%dma_start3A_288 : memref<32x128xf32, #tpu.memory_space<hbm>>) target(%dma_start3A_286 : memref<32x128xf32, #tpu.memory_space<vmem>>) target_semaphore(%arg9 : memref<!tpu.dma_semaphore, #tpu.memory_space<semaphore_mem>>)
    %slice3A_289 = vector.extract_strided_slice %get3A_155 {offsets = [7], sizes = [1], strides = [1]} : vector<16xi32> to vector<1xi32>
    %squeeze3A_290 = vector.extract %slice3A_289[0] : i32 from vector<1xi32>
    %and3A_291 = arith.constant -128 : i32
    %and3A_292 = arith.andi %squeeze3A_290, %and3A_291 : i32
    %multiple_of3A_293 = tpu.assume_multiple %and3A_292, 128 : i32
    %dma_start3A_294 = arith.constant 1 : i32
    %dma_start3A_295 = arith.constant 7 : i32
    %dma_start3A_296 = arith.constant 0 : i32
    %dma_start3A_297 = arith.constant 0 : i32
    %dma_start3A_298 = tpu.memref_slice %arg6[%dma_start3A_294, %dma_start3A_295, %dma_start3A_296, %dma_start3A_297] : memref<3x8x32x128xf32, #tpu.memory_space<vmem>> -> memref<1x1x32x128xf32, #tpu.memory_space<vmem>>
    %dma_start3A_299 = tpu.memref_squeeze %dma_start3A_298 : memref<1x1x32x128xf32, #tpu.memory_space<vmem>> -> memref<32x128xf32, #tpu.memory_space<vmem>>
    %dma_start3A_300 = arith.constant 0 : i32
    %dma_start3A_301 = tpu.memref_slice %arg3[%dma_start3A_300, %multiple_of3A_293] : memref<32x1000000xf32, #tpu.memory_space<hbm>> -> memref<32x128xf32, #tpu.memory_space<hbm>>
    %dma_start3A_302 = arith.constant 0 : i32
    %dma_start3A_303 = arith.constant 0 : i32
    %dma_start3A_304 = tpu.memref_slice %arg6[%dma_start3A_294, %dma_start3A_295, %dma_start3A_302, %dma_start3A_303] : memref<3x8x32x128xf32, #tpu.memory_space<vmem>> -> memref<1x1x32x128xf32, #tpu.memory_space<vmem>>
    %dma_start3A_305 = tpu.memref_squeeze %dma_start3A_304 : memref<1x1x32x128xf32, #tpu.memory_space<vmem>> -> memref<32x128xf32, #tpu.memory_space<vmem>>
    %dma_start3A_306 = arith.constant 0 : i32
    %dma_start3A_307 = tpu.memref_slice %arg3[%dma_start3A_306, %multiple_of3A_293] : memref<32x1000000xf32, #tpu.memory_space<hbm>> -> memref<32x128xf32, #tpu.memory_space<hbm>>
    tpu.enqueue_dma source(%dma_start3A_307 : memref<32x128xf32, #tpu.memory_space<hbm>>) target(%dma_start3A_305 : memref<32x128xf32, #tpu.memory_space<vmem>>) target_semaphore(%arg9 : memref<!tpu.dma_semaphore, #tpu.memory_space<semaphore_mem>>)
    %scan3A = arith.constant 0 : i32
    %scan3A_308 = arith.constant 21 : i32
    %scan3A_309 = arith.addi %scan3A, %scan3A_308 : i32
    %scan3A_310 = arith.constant 1 : i32
    scf.for %scan3A_594 = %scan3A to %scan3A_309 step %scan3A_310  : i32 {
      %mul3A_595 = arith.constant 3 : i32
      %mul3A_596 = arith.muli %mul3A_595, %scan3A_594 : i32
      %add3A_597 = arith.constant 0 : i32
      %add3A_598 = arith.addi %mul3A_596, %add3A_597 : i32
      %add3A_599 = arith.constant 2 : i32
      %add3A_600 = arith.addi %add3A_598, %add3A_599 : i32
      %lt3A = arith.constant 64 : i32
      %lt3A_601 = arith.cmpi slt, %add3A_600, %lt3A : i32
      %convert_element_type3A = arith.extui %lt3A_601 : i1 to i32
      %cond3A = arith.constant 0 : i32
      %cond3A_602 = arith.cmpi ne, %convert_element_type3A, %cond3A : i32
      scf.if %cond3A_602 {
        %add3A_1512 = arith.constant 2 : i32
        %add3A_1513 = arith.addi %add3A_598, %add3A_1512 : i32
        %mul3A_1514 = arith.constant 8 : i32
        %mul3A_1515 = arith.muli %add3A_1513, %mul3A_1514 : i32
        %get3A_1516 = arith.index_cast %mul3A_1515 : i32 to index
        %get3A_1517 = tpu.vector_load %arg5[%get3A_1516] {strides = array<i32>} : memref<528xi32, #tpu.memory_space<vmem>>, vector<16xi32>,
        %slice3A_1518 = vector.extract_strided_slice %get3A_1517 {offsets = [0], sizes = [1], strides = [1]} : vector<16xi32> to vector<1xi32>
        %squeeze3A_1519 = vector.extract %slice3A_1518[0] : i32 from vector<1xi32>
        %and3A_1520 = arith.constant -128 : i32
        %and3A_1521 = arith.andi %squeeze3A_1519, %and3A_1520 : i32
        %multiple_of3A_1522 = tpu.assume_multiple %and3A_1521, 128 : i32
        %dma_start3A_1523 = arith.constant 2 : i32
        %dma_start3A_1524 = arith.constant 0 : i32
        %dma_start3A_1525 = arith.constant 0 : i32
        %dma_start3A_1526 = arith.constant 0 : i32
        %dma_start3A_1527 = tpu.memref_slice %arg6[%dma_start3A_1523, %dma_start3A_1524, %dma_start3A_1525, %dma_start3A_1526] : memref<3x8x32x128xf32, #tpu.memory_space<vmem>> -> memref<1x1x32x128xf32, #tpu.memory_space<vmem>>
        %dma_start3A_1528 = tpu.memref_squeeze %dma_start3A_1527 : memref<1x1x32x128xf32, #tpu.memory_space<vmem>> -> memref<32x128xf32, #tpu.memory_space<vmem>>
        %dma_start3A_1529 = arith.constant 0 : i32
        %dma_start3A_1530 = tpu.memref_slice %arg3[%dma_start3A_1529, %multiple_of3A_1522] : memref<32x1000000xf32, #tpu.memory_space<hbm>> -> memref<32x128xf32, #tpu.memory_space<hbm>>
        %dma_start3A_1531 = arith.constant 0 : i32
        %dma_start3A_1532 = arith.constant 0 : i32
        %dma_start3A_1533 = tpu.memref_slice %arg6[%dma_start3A_1523, %dma_start3A_1524, %dma_start3A_1531, %dma_start3A_1532] : memref<3x8x32x128xf32, #tpu.memory_space<vmem>> -> memref<1x1x32x128xf32, #tpu.memory_space<vmem>>
        %dma_start3A_1534 = tpu.memref_squeeze %dma_start3A_1533 : memref<1x1x32x128xf32, #tpu.memory_space<vmem>> -> memref<32x128xf32, #tpu.memory_space<vmem>>
        %dma_start3A_1535 = arith.constant 0 : i32
        %dma_start3A_1536 = tpu.memref_slice %arg3[%dma_start3A_1535, %multiple_of3A_1522] : memref<32x1000000xf32, #tpu.memory_space<hbm>> -> memref<32x128xf32, #tpu.memory_space<hbm>>
        tpu.enqueue_dma source(%dma_start3A_1536 : memref<32x128xf32, #tpu.memory_space<hbm>>) target(%dma_start3A_1534 : memref<32x128xf32, #tpu.memory_space<vmem>>) target_semaphore(%arg10 : memref<!tpu.dma_semaphore, #tpu.memory_space<semaphore_mem>>)
        %slice3A_1537 = vector.extract_strided_slice %get3A_1517 {offsets = [1], sizes = [1], strides = [1]} : vector<16xi32> to vector<1xi32>
        %squeeze3A_1538 = vector.extract %slice3A_1537[0] : i32 from vector<1xi32>
        %and3A_1539 = arith.constant -128 : i32
        %and3A_1540 = arith.andi %squeeze3A_1538, %and3A_1539 : i32
        %multiple_of3A_1541 = tpu.assume_multiple %and3A_1540, 128 : i32
        %dma_start3A_1542 = arith.constant 2 : i32
        %dma_start3A_1543 = arith.constant 1 : i32
        %dma_start3A_1544 = arith.constant 0 : i32
        %dma_start3A_1545 = arith.constant 0 : i32
        %dma_start3A_1546 = tpu.memref_slice %arg6[%dma_start3A_1542, %dma_start3A_1543, %dma_start3A_1544, %dma_start3A_1545] : memref<3x8x32x128xf32, #tpu.memory_space<vmem>> -> memref<1x1x32x128xf32, #tpu.memory_space<vmem>>
        %dma_start3A_1547 = tpu.memref_squeeze %dma_start3A_1546 : memref<1x1x32x128xf32, #tpu.memory_space<vmem>> -> memref<32x128xf32, #tpu.memory_space<vmem>>
        %dma_start3A_1548 = arith.constant 0 : i32
        %dma_start3A_1549 = tpu.memref_slice %arg3[%dma_start3A_1548, %multiple_of3A_1541] : memref<32x1000000xf32, #tpu.memory_space<hbm>> -> memref<32x128xf32, #tpu.memory_space<hbm>>
        %dma_start3A_1550 = arith.constant 0 : i32
        %dma_start3A_1551 = arith.constant 0 : i32
        %dma_start3A_1552 = tpu.memref_slice %arg6[%dma_start3A_1542, %dma_start3A_1543, %dma_start3A_1550, %dma_start3A_1551] : memref<3x8x32x128xf32, #tpu.memory_space<vmem>> -> memref<1x1x32x128xf32, #tpu.memory_space<vmem>>
        %dma_start3A_1553 = tpu.memref_squeeze %dma_start3A_1552 : memref<1x1x32x128xf32, #tpu.memory_space<vmem>> -> memref<32x128xf32, #tpu.memory_space<vmem>>
        %dma_start3A_1554 = arith.constant 0 : i32
        %dma_start3A_1555 = tpu.memref_slice %arg3[%dma_start3A_1554, %multiple_of3A_1541] : memref<32x1000000xf32, #tpu.memory_space<hbm>> -> memref<32x128xf32, #tpu.memory_space<hbm>>
        tpu.enqueue_dma source(%dma_start3A_1555 : memref<32x128xf32, #tpu.memory_space<hbm>>) target(%dma_start3A_1553 : memref<32x128xf32, #tpu.memory_space<vmem>>) target_semaphore(%arg10 : memref<!tpu.dma_semaphore, #tpu.memory_space<semaphore_mem>>)
        %slice3A_1556 = vector.extract_strided_slice %get3A_1517 {offsets = [2], sizes = [1], strides = [1]} : vector<16xi32> to vector<1xi32>
        %squeeze3A_1557 = vector.extract %slice3A_1556[0] : i32 from vector<1xi32>
        %and3A_1558 = arith.constant -128 : i32
        %and3A_1559 = arith.andi %squeeze3A_1557, %and3A_1558 : i32
        %multiple_of3A_1560 = tpu.assume_multiple %and3A_1559, 128 : i32
        %dma_start3A_1561 = arith.constant 2 : i32
        %dma_start3A_1562 = arith.constant 2 : i32
        %dma_start3A_1563 = arith.constant 0 : i32
        %dma_start3A_1564 = arith.constant 0 : i32
        %dma_start3A_1565 = tpu.memref_slice %arg6[%dma_start3A_1561, %dma_start3A_1562, %dma_start3A_1563, %dma_start3A_1564] : memref<3x8x32x128xf32, #tpu.memory_space<vmem>> -> memref<1x1x32x128xf32, #tpu.memory_space<vmem>>
        %dma_start3A_1566 = tpu.memref_squeeze %dma_start3A_1565 : memref<1x1x32x128xf32, #tpu.memory_space<vmem>> -> memref<32x128xf32, #tpu.memory_space<vmem>>
        %dma_start3A_1567 = arith.constant 0 : i32
        %dma_start3A_1568 = tpu.memref_slice %arg3[%dma_start3A_1567, %multiple_of3A_1560] : memref<32x1000000xf32, #tpu.memory_space<hbm>> -> memref<32x128xf32, #tpu.memory_space<hbm>>
        %dma_start3A_1569 = arith.constant 0 : i32
        %dma_start3A_1570 = arith.constant 0 : i32
        %dma_start3A_1571 = tpu.memref_slice %arg6[%dma_start3A_1561, %dma_start3A_1562, %dma_start3A_1569, %dma_start3A_1570] : memref<3x8x32x128xf32, #tpu.memory_space<vmem>> -> memref<1x1x32x128xf32, #tpu.memory_space<vmem>>
        %dma_start3A_1572 = tpu.memref_squeeze %dma_start3A_1571 : memref<1x1x32x128xf32, #tpu.memory_space<vmem>> -> memref<32x128xf32, #tpu.memory_space<vmem>>
        %dma_start3A_1573 = arith.constant 0 : i32
        %dma_start3A_1574 = tpu.memref_slice %arg3[%dma_start3A_1573, %multiple_of3A_1560] : memref<32x1000000xf32, #tpu.memory_space<hbm>> -> memref<32x128xf32, #tpu.memory_space<hbm>>
        tpu.enqueue_dma source(%dma_start3A_1574 : memref<32x128xf32, #tpu.memory_space<hbm>>) target(%dma_start3A_1572 : memref<32x128xf32, #tpu.memory_space<vmem>>) target_semaphore(%arg10 : memref<!tpu.dma_semaphore, #tpu.memory_space<semaphore_mem>>)
        %slice3A_1575 = vector.extract_strided_slice %get3A_1517 {offsets = [3], sizes = [1], strides = [1]} : vector<16xi32> to vector<1xi32>
        %squeeze3A_1576 = vector.extract %slice3A_1575[0] : i32 from vector<1xi32>
        %and3A_1577 = arith.constant -128 : i32
        %and3A_1578 = arith.andi %squeeze3A_1576, %and3A_1577 : i32
        %multiple_of3A_1579 = tpu.assume_multiple %and3A_1578, 128 : i32
        %dma_start3A_1580 = arith.constant 2 : i32
        %dma_start3A_1581 = arith.constant 3 : i32
        %dma_start3A_1582 = arith.constant 0 : i32
        %dma_start3A_1583 = arith.constant 0 : i32
        %dma_start3A_1584 = tpu.memref_slice %arg6[%dma_start3A_1580, %dma_start3A_1581, %dma_start3A_1582, %dma_start3A_1583] : memref<3x8x32x128xf32, #tpu.memory_space<vmem>> -> memref<1x1x32x128xf32, #tpu.memory_space<vmem>>
        %dma_start3A_1585 = tpu.memref_squeeze %dma_start3A_1584 : memref<1x1x32x128xf32, #tpu.memory_space<vmem>> -> memref<32x128xf32, #tpu.memory_space<vmem>>
        %dma_start3A_1586 = arith.constant 0 : i32
        %dma_start3A_1587 = tpu.memref_slice %arg3[%dma_start3A_1586, %multiple_of3A_1579] : memref<32x1000000xf32, #tpu.memory_space<hbm>> -> memref<32x128xf32, #tpu.memory_space<hbm>>
        %dma_start3A_1588 = arith.constant 0 : i32
        %dma_start3A_1589 = arith.constant 0 : i32
        %dma_start3A_1590 = tpu.memref_slice %arg6[%dma_start3A_1580, %dma_start3A_1581, %dma_start3A_1588, %dma_start3A_1589] : memref<3x8x32x128xf32, #tpu.memory_space<vmem>> -> memref<1x1x32x128xf32, #tpu.memory_space<vmem>>
        %dma_start3A_1591 = tpu.memref_squeeze %dma_start3A_1590 : memref<1x1x32x128xf32, #tpu.memory_space<vmem>> -> memref<32x128xf32, #tpu.memory_space<vmem>>
        %dma_start3A_1592 = arith.constant 0 : i32
        %dma_start3A_1593 = tpu.memref_slice %arg3[%dma_start3A_1592, %multiple_of3A_1579] : memref<32x1000000xf32, #tpu.memory_space<hbm>> -> memref<32x128xf32, #tpu.memory_space<hbm>>
        tpu.enqueue_dma source(%dma_start3A_1593 : memref<32x128xf32, #tpu.memory_space<hbm>>) target(%dma_start3A_1591 : memref<32x128xf32, #tpu.memory_space<vmem>>) target_semaphore(%arg10 : memref<!tpu.dma_semaphore, #tpu.memory_space<semaphore_mem>>)
        %slice3A_1594 = vector.extract_strided_slice %get3A_1517 {offsets = [4], sizes = [1], strides = [1]} : vector<16xi32> to vector<1xi32>
        %squeeze3A_1595 = vector.extract %slice3A_1594[0] : i32 from vector<1xi32>
        %and3A_1596 = arith.constant -128 : i32
        %and3A_1597 = arith.andi %squeeze3A_1595, %and3A_1596 : i32
        %multiple_of3A_1598 = tpu.assume_multiple %and3A_1597, 128 : i32
        %dma_start3A_1599 = arith.constant 2 : i32
        %dma_start3A_1600 = arith.constant 4 : i32
        %dma_start3A_1601 = arith.constant 0 : i32
        %dma_start3A_1602 = arith.constant 0 : i32
        %dma_start3A_1603 = tpu.memref_slice %arg6[%dma_start3A_1599, %dma_start3A_1600, %dma_start3A_1601, %dma_start3A_1602] : memref<3x8x32x128xf32, #tpu.memory_space<vmem>> -> memref<1x1x32x128xf32, #tpu.memory_space<vmem>>
        %dma_start3A_1604 = tpu.memref_squeeze %dma_start3A_1603 : memref<1x1x32x128xf32, #tpu.memory_space<vmem>> -> memref<32x128xf32, #tpu.memory_space<vmem>>
        %dma_start3A_1605 = arith.constant 0 : i32
        %dma_start3A_1606 = tpu.memref_slice %arg3[%dma_start3A_1605, %multiple_of3A_1598] : memref<32x1000000xf32, #tpu.memory_space<hbm>> -> memref<32x128xf32, #tpu.memory_space<hbm>>
        %dma_start3A_1607 = arith.constant 0 : i32
        %dma_start3A_1608 = arith.constant 0 : i32
        %dma_start3A_1609 = tpu.memref_slice %arg6[%dma_start3A_1599, %dma_start3A_1600, %dma_start3A_1607, %dma_start3A_1608] : memref<3x8x32x128xf32, #tpu.memory_space<vmem>> -> memref<1x1x32x128xf32, #tpu.memory_space<vmem>>
        %dma_start3A_1610 = tpu.memref_squeeze %dma_start3A_1609 : memref<1x1x32x128xf32, #tpu.memory_space<vmem>> -> memref<32x128xf32, #tpu.memory_space<vmem>>
        %dma_start3A_1611 = arith.constant 0 : i32
        %dma_start3A_1612 = tpu.memref_slice %arg3[%dma_start3A_1611, %multiple_of3A_1598] : memref<32x1000000xf32, #tpu.memory_space<hbm>> -> memref<32x128xf32, #tpu.memory_space<hbm>>
        tpu.enqueue_dma source(%dma_start3A_1612 : memref<32x128xf32, #tpu.memory_space<hbm>>) target(%dma_start3A_1610 : memref<32x128xf32, #tpu.memory_space<vmem>>) target_semaphore(%arg10 : memref<!tpu.dma_semaphore, #tpu.memory_space<semaphore_mem>>)
        %slice3A_1613 = vector.extract_strided_slice %get3A_1517 {offsets = [5], sizes = [1], strides = [1]} : vector<16xi32> to vector<1xi32>
        %squeeze3A_1614 = vector.extract %slice3A_1613[0] : i32 from vector<1xi32>
        %and3A_1615 = arith.constant -128 : i32
        %and3A_1616 = arith.andi %squeeze3A_1614, %and3A_1615 : i32
        %multiple_of3A_1617 = tpu.assume_multiple %and3A_1616, 128 : i32
        %dma_start3A_1618 = arith.constant 2 : i32
        %dma_start3A_1619 = arith.constant 5 : i32
        %dma_start3A_1620 = arith.constant 0 : i32
        %dma_start3A_1621 = arith.constant 0 : i32
        %dma_start3A_1622 = tpu.memref_slice %arg6[%dma_start3A_1618, %dma_start3A_1619, %dma_start3A_1620, %dma_start3A_1621] : memref<3x8x32x128xf32, #tpu.memory_space<vmem>> -> memref<1x1x32x128xf32, #tpu.memory_space<vmem>>
        %dma_start3A_1623 = tpu.memref_squeeze %dma_start3A_1622 : memref<1x1x32x128xf32, #tpu.memory_space<vmem>> -> memref<32x128xf32, #tpu.memory_space<vmem>>
        %dma_start3A_1624 = arith.constant 0 : i32
        %dma_start3A_1625 = tpu.memref_slice %arg3[%dma_start3A_1624, %multiple_of3A_1617] : memref<32x1000000xf32, #tpu.memory_space<hbm>> -> memref<32x128xf32, #tpu.memory_space<hbm>>
        %dma_start3A_1626 = arith.constant 0 : i32
        %dma_start3A_1627 = arith.constant 0 : i32
        %dma_start3A_1628 = tpu.memref_slice %arg6[%dma_start3A_1618, %dma_start3A_1619, %dma_start3A_1626, %dma_start3A_1627] : memref<3x8x32x128xf32, #tpu.memory_space<vmem>> -> memref<1x1x32x128xf32, #tpu.memory_space<vmem>>
        %dma_start3A_1629 = tpu.memref_squeeze %dma_start3A_1628 : memref<1x1x32x128xf32, #tpu.memory_space<vmem>> -> memref<32x128xf32, #tpu.memory_space<vmem>>
        %dma_start3A_1630 = arith.constant 0 : i32
        %dma_start3A_1631 = tpu.memref_slice %arg3[%dma_start3A_1630, %multiple_of3A_1617] : memref<32x1000000xf32, #tpu.memory_space<hbm>> -> memref<32x128xf32, #tpu.memory_space<hbm>>
        tpu.enqueue_dma source(%dma_start3A_1631 : memref<32x128xf32, #tpu.memory_space<hbm>>) target(%dma_start3A_1629 : memref<32x128xf32, #tpu.memory_space<vmem>>) target_semaphore(%arg10 : memref<!tpu.dma_semaphore, #tpu.memory_space<semaphore_mem>>)
        %slice3A_1632 = vector.extract_strided_slice %get3A_1517 {offsets = [6], sizes = [1], strides = [1]} : vector<16xi32> to vector<1xi32>
        %squeeze3A_1633 = vector.extract %slice3A_1632[0] : i32 from vector<1xi32>
        %and3A_1634 = arith.constant -128 : i32
        %and3A_1635 = arith.andi %squeeze3A_1633, %and3A_1634 : i32
        %multiple_of3A_1636 = tpu.assume_multiple %and3A_1635, 128 : i32
        %dma_start3A_1637 = arith.constant 2 : i32
        %dma_start3A_1638 = arith.constant 6 : i32
        %dma_start3A_1639 = arith.constant 0 : i32
        %dma_start3A_1640 = arith.constant 0 : i32
        %dma_start3A_1641 = tpu.memref_slice %arg6[%dma_start3A_1637, %dma_start3A_1638, %dma_start3A_1639, %dma_start3A_1640] : memref<3x8x32x128xf32, #tpu.memory_space<vmem>> -> memref<1x1x32x128xf32, #tpu.memory_space<vmem>>
        %dma_start3A_1642 = tpu.memref_squeeze %dma_start3A_1641 : memref<1x1x32x128xf32, #tpu.memory_space<vmem>> -> memref<32x128xf32, #tpu.memory_space<vmem>>
        %dma_start3A_1643 = arith.constant 0 : i32
        %dma_start3A_1644 = tpu.memref_slice %arg3[%dma_start3A_1643, %multiple_of3A_1636] : memref<32x1000000xf32, #tpu.memory_space<hbm>> -> memref<32x128xf32, #tpu.memory_space<hbm>>
        %dma_start3A_1645 = arith.constant 0 : i32
        %dma_start3A_1646 = arith.constant 0 : i32
        %dma_start3A_1647 = tpu.memref_slice %arg6[%dma_start3A_1637, %dma_start3A_1638, %dma_start3A_1645, %dma_start3A_1646] : memref<3x8x32x128xf32, #tpu.memory_space<vmem>> -> memref<1x1x32x128xf32, #tpu.memory_space<vmem>>
        %dma_start3A_1648 = tpu.memref_squeeze %dma_start3A_1647 : memref<1x1x32x128xf32, #tpu.memory_space<vmem>> -> memref<32x128xf32, #tpu.memory_space<vmem>>
        %dma_start3A_1649 = arith.constant 0 : i32
        %dma_start3A_1650 = tpu.memref_slice %arg3[%dma_start3A_1649, %multiple_of3A_1636] : memref<32x1000000xf32, #tpu.memory_space<hbm>> -> memref<32x128xf32, #tpu.memory_space<hbm>>
        tpu.enqueue_dma source(%dma_start3A_1650 : memref<32x128xf32, #tpu.memory_space<hbm>>) target(%dma_start3A_1648 : memref<32x128xf32, #tpu.memory_space<vmem>>) target_semaphore(%arg10 : memref<!tpu.dma_semaphore, #tpu.memory_space<semaphore_mem>>)
        %slice3A_1651 = vector.extract_strided_slice %get3A_1517 {offsets = [7], sizes = [1], strides = [1]} : vector<16xi32> to vector<1xi32>
        %squeeze3A_1652 = vector.extract %slice3A_1651[0] : i32 from vector<1xi32>
        %and3A_1653 = arith.constant -128 : i32
        %and3A_1654 = arith.andi %squeeze3A_1652, %and3A_1653 : i32
        %multiple_of3A_1655 = tpu.assume_multiple %and3A_1654, 128 : i32
        %dma_start3A_1656 = arith.constant 2 : i32
        %dma_start3A_1657 = arith.constant 7 : i32
        %dma_start3A_1658 = arith.constant 0 : i32
        %dma_start3A_1659 = arith.constant 0 : i32
        %dma_start3A_1660 = tpu.memref_slice %arg6[%dma_start3A_1656, %dma_start3A_1657, %dma_start3A_1658, %dma_start3A_1659] : memref<3x8x32x128xf32, #tpu.memory_space<vmem>> -> memref<1x1x32x128xf32, #tpu.memory_space<vmem>>
        %dma_start3A_1661 = tpu.memref_squeeze %dma_start3A_1660 : memref<1x1x32x128xf32, #tpu.memory_space<vmem>> -> memref<32x128xf32, #tpu.memory_space<vmem>>
        %dma_start3A_1662 = arith.constant 0 : i32
        %dma_start3A_1663 = tpu.memref_slice %arg3[%dma_start3A_1662, %multiple_of3A_1655] : memref<32x1000000xf32, #tpu.memory_space<hbm>> -> memref<32x128xf32, #tpu.memory_space<hbm>>
        %dma_start3A_1664 = arith.constant 0 : i32
        %dma_start3A_1665 = arith.constant 0 : i32
        %dma_start3A_1666 = tpu.memref_slice %arg6[%dma_start3A_1656, %dma_start3A_1657, %dma_start3A_1664, %dma_start3A_1665] : memref<3x8x32x128xf32, #tpu.memory_space<vmem>> -> memref<1x1x32x128xf32, #tpu.memory_space<vmem>>
        %dma_start3A_1667 = tpu.memref_squeeze %dma_start3A_1666 : memref<1x1x32x128xf32, #tpu.memory_space<vmem>> -> memref<32x128xf32, #tpu.memory_space<vmem>>
        %dma_start3A_1668 = arith.constant 0 : i32
        %dma_start3A_1669 = tpu.memref_slice %arg3[%dma_start3A_1668, %multiple_of3A_1655] : memref<32x1000000xf32, #tpu.memory_space<hbm>> -> memref<32x128xf32, #tpu.memory_space<hbm>>
        tpu.enqueue_dma source(%dma_start3A_1669 : memref<32x128xf32, #tpu.memory_space<hbm>>) target(%dma_start3A_1667 : memref<32x128xf32, #tpu.memory_space<vmem>>) target_semaphore(%arg10 : memref<!tpu.dma_semaphore, #tpu.memory_space<semaphore_mem>>)
      } else {
      }
      %dma_wait3A_603 = arith.constant 0 : i32
      %dma_wait3A_604 = arith.constant 0 : i32
      %dma_wait3A_605 = arith.constant 0 : i32
      %dma_wait3A_606 = arith.constant 0 : i32
      %dma_wait3A_607 = tpu.memref_slice %arg6[%dma_wait3A_603, %dma_wait3A_604, %dma_wait3A_605, %dma_wait3A_606] : memref<3x8x32x128xf32, #tpu.memory_space<vmem>> -> memref<1x1x32x128xf32, #tpu.memory_space<vmem>>
      %dma_wait3A_608 = tpu.memref_squeeze %dma_wait3A_607 : memref<1x1x32x128xf32, #tpu.memory_space<vmem>> -> memref<32x128xf32, #tpu.memory_space<vmem>>
      %dma_wait3A_609 = arith.constant 0 : i32
      %dma_wait3A_610 = arith.constant 0 : i32
      %dma_wait3A_611 = tpu.memref_slice %arg3[%dma_wait3A_609, %dma_wait3A_610] : memref<32x1000000xf32, #tpu.memory_space<hbm>> -> memref<32x128xf32, #tpu.memory_space<hbm>>
      %dma_wait3A_612 = arith.constant 0 : i32
      %dma_wait3A_613 = arith.constant 0 : i32
      %dma_wait3A_614 = tpu.memref_slice %arg6[%dma_wait3A_603, %dma_wait3A_604, %dma_wait3A_612, %dma_wait3A_613] : memref<3x8x32x128xf32, #tpu.memory_space<vmem>> -> memref<1x1x32x128xf32, #tpu.memory_space<vmem>>
      %dma_wait3A_615 = tpu.memref_squeeze %dma_wait3A_614 : memref<1x1x32x128xf32, #tpu.memory_space<vmem>> -> memref<32x128xf32, #tpu.memory_space<vmem>>
      %dma_wait3A_616 = arith.constant 0 : i32
      %dma_wait3A_617 = arith.constant 0 : i32
      %dma_wait3A_618 = tpu.memref_slice %arg3[%dma_wait3A_616, %dma_wait3A_617] : memref<32x1000000xf32, #tpu.memory_space<hbm>> -> memref<32x128xf32, #tpu.memory_space<hbm>>
      tpu.wait_dma2 semaphore(%arg8 : memref<!tpu.dma_semaphore, #tpu.memory_space<semaphore_mem>>) src(%dma_wait3A_618 : memref<32x128xf32, #tpu.memory_space<hbm>>) dst(%dma_wait3A_615 : memref<32x128xf32, #tpu.memory_space<vmem>>)
      %dma_wait3A_619 = arith.constant 0 : i32
      %dma_wait3A_620 = arith.constant 1 : i32
      %dma_wait3A_621 = arith.constant 0 : i32
      %dma_wait3A_622 = arith.constant 0 : i32
      %dma_wait3A_623 = tpu.memref_slice %arg6[%dma_wait3A_619, %dma_wait3A_620, %dma_wait3A_621, %dma_wait3A_622] : memref<3x8x32x128xf32, #tpu.memory_space<vmem>> -> memref<1x1x32x128xf32, #tpu.memory_space<vmem>>
      %dma_wait3A_624 = tpu.memref_squeeze %dma_wait3A_623 : memref<1x1x32x128xf32, #tpu.memory_space<vmem>> -> memref<32x128xf32, #tpu.memory_space<vmem>>
      %dma_wait3A_625 = arith.constant 0 : i32
      %dma_wait3A_626 = arith.constant 0 : i32
      %dma_wait3A_627 = tpu.memref_slice %arg3[%dma_wait3A_625, %dma_wait3A_626] : memref<32x1000000xf32, #tpu.memory_space<hbm>> -> memref<32x128xf32, #tpu.memory_space<hbm>>
      %dma_wait3A_628 = arith.constant 0 : i32
      %dma_wait3A_629 = arith.constant 0 : i32
      %dma_wait3A_630 = tpu.memref_slice %arg6[%dma_wait3A_619, %dma_wait3A_620, %dma_wait3A_628, %dma_wait3A_629] : memref<3x8x32x128xf32, #tpu.memory_space<vmem>> -> memref<1x1x32x128xf32, #tpu.memory_space<vmem>>
      %dma_wait3A_631 = tpu.memref_squeeze %dma_wait3A_630 : memref<1x1x32x128xf32, #tpu.memory_space<vmem>> -> memref<32x128xf32, #tpu.memory_space<vmem>>
      %dma_wait3A_632 = arith.constant 0 : i32
      %dma_wait3A_633 = arith.constant 0 : i32
      %dma_wait3A_634 = tpu.memref_slice %arg3[%dma_wait3A_632, %dma_wait3A_633] : memref<32x1000000xf32, #tpu.memory_space<hbm>> -> memref<32x128xf32, #tpu.memory_space<hbm>>
      tpu.wait_dma2 semaphore(%arg8 : memref<!tpu.dma_semaphore, #tpu.memory_space<semaphore_mem>>) src(%dma_wait3A_634 : memref<32x128xf32, #tpu.memory_space<hbm>>) dst(%dma_wait3A_631 : memref<32x128xf32, #tpu.memory_space<vmem>>)
      %dma_wait3A_635 = arith.constant 0 : i32
      %dma_wait3A_636 = arith.constant 2 : i32
      %dma_wait3A_637 = arith.constant 0 : i32
      %dma_wait3A_638 = arith.constant 0 : i32
      %dma_wait3A_639 = tpu.memref_slice %arg6[%dma_wait3A_635, %dma_wait3A_636, %dma_wait3A_637, %dma_wait3A_638] : memref<3x8x32x128xf32, #tpu.memory_space<vmem>> -> memref<1x1x32x128xf32, #tpu.memory_space<vmem>>
      %dma_wait3A_640 = tpu.memref_squeeze %dma_wait3A_639 : memref<1x1x32x128xf32, #tpu.memory_space<vmem>> -> memref<32x128xf32, #tpu.memory_space<vmem>>
      %dma_wait3A_641 = arith.constant 0 : i32
      %dma_wait3A_642 = arith.constant 0 : i32
      %dma_wait3A_643 = tpu.memref_slice %arg3[%dma_wait3A_641, %dma_wait3A_642] : memref<32x1000000xf32, #tpu.memory_space<hbm>> -> memref<32x128xf32, #tpu.memory_space<hbm>>
      %dma_wait3A_644 = arith.constant 0 : i32
      %dma_wait3A_645 = arith.constant 0 : i32
      %dma_wait3A_646 = tpu.memref_slice %arg6[%dma_wait3A_635, %dma_wait3A_636, %dma_wait3A_644, %dma_wait3A_645] : memref<3x8x32x128xf32, #tpu.memory_space<vmem>> -> memref<1x1x32x128xf32, #tpu.memory_space<vmem>>
      %dma_wait3A_647 = tpu.memref_squeeze %dma_wait3A_646 : memref<1x1x32x128xf32, #tpu.memory_space<vmem>> -> memref<32x128xf32, #tpu.memory_space<vmem>>
      %dma_wait3A_648 = arith.constant 0 : i32
      %dma_wait3A_649 = arith.constant 0 : i32
      %dma_wait3A_650 = tpu.memref_slice %arg3[%dma_wait3A_648, %dma_wait3A_649] : memref<32x1000000xf32, #tpu.memory_space<hbm>> -> memref<32x128xf32, #tpu.memory_space<hbm>>
      tpu.wait_dma2 semaphore(%arg8 : memref<!tpu.dma_semaphore, #tpu.memory_space<semaphore_mem>>) src(%dma_wait3A_650 : memref<32x128xf32, #tpu.memory_space<hbm>>) dst(%dma_wait3A_647 : memref<32x128xf32, #tpu.memory_space<vmem>>)
      %dma_wait3A_651 = arith.constant 0 : i32
      %dma_wait3A_652 = arith.constant 3 : i32
      %dma_wait3A_653 = arith.constant 0 : i32
      %dma_wait3A_654 = arith.constant 0 : i32
      %dma_wait3A_655 = tpu.memref_slice %arg6[%dma_wait3A_651, %dma_wait3A_652, %dma_wait3A_653, %dma_wait3A_654] : memref<3x8x32x128xf32, #tpu.memory_space<vmem>> -> memref<1x1x32x128xf32, #tpu.memory_space<vmem>>
      %dma_wait3A_656 = tpu.memref_squeeze %dma_wait3A_655 : memref<1x1x32x128xf32, #tpu.memory_space<vmem>> -> memref<32x128xf32, #tpu.memory_space<vmem>>
      %dma_wait3A_657 = arith.constant 0 : i32
      %dma_wait3A_658 = arith.constant 0 : i32
      %dma_wait3A_659 = tpu.memref_slice %arg3[%dma_wait3A_657, %dma_wait3A_658] : memref<32x1000000xf32, #tpu.memory_space<hbm>> -> memref<32x128xf32, #tpu.memory_space<hbm>>
      %dma_wait3A_660 = arith.constant 0 : i32
      %dma_wait3A_661 = arith.constant 0 : i32
      %dma_wait3A_662 = tpu.memref_slice %arg6[%dma_wait3A_651, %dma_wait3A_652, %dma_wait3A_660, %dma_wait3A_661] : memref<3x8x32x128xf32, #tpu.memory_space<vmem>> -> memref<1x1x32x128xf32, #tpu.memory_space<vmem>>
      %dma_wait3A_663 = tpu.memref_squeeze %dma_wait3A_662 : memref<1x1x32x128xf32, #tpu.memory_space<vmem>> -> memref<32x128xf32, #tpu.memory_space<vmem>>
      %dma_wait3A_664 = arith.constant 0 : i32
      %dma_wait3A_665 = arith.constant 0 : i32
      %dma_wait3A_666 = tpu.memref_slice %arg3[%dma_wait3A_664, %dma_wait3A_665] : memref<32x1000000xf32, #tpu.memory_space<hbm>> -> memref<32x128xf32, #tpu.memory_space<hbm>>
      tpu.wait_dma2 semaphore(%arg8 : memref<!tpu.dma_semaphore, #tpu.memory_space<semaphore_mem>>) src(%dma_wait3A_666 : memref<32x128xf32, #tpu.memory_space<hbm>>) dst(%dma_wait3A_663 : memref<32x128xf32, #tpu.memory_space<vmem>>)
      %dma_wait3A_667 = arith.constant 0 : i32
      %dma_wait3A_668 = arith.constant 4 : i32
      %dma_wait3A_669 = arith.constant 0 : i32
      %dma_wait3A_670 = arith.constant 0 : i32
      %dma_wait3A_671 = tpu.memref_slice %arg6[%dma_wait3A_667, %dma_wait3A_668, %dma_wait3A_669, %dma_wait3A_670] : memref<3x8x32x128xf32, #tpu.memory_space<vmem>> -> memref<1x1x32x128xf32, #tpu.memory_space<vmem>>
      %dma_wait3A_672 = tpu.memref_squeeze %dma_wait3A_671 : memref<1x1x32x128xf32, #tpu.memory_space<vmem>> -> memref<32x128xf32, #tpu.memory_space<vmem>>
      %dma_wait3A_673 = arith.constant 0 : i32
      %dma_wait3A_674 = arith.constant 0 : i32
      %dma_wait3A_675 = tpu.memref_slice %arg3[%dma_wait3A_673, %dma_wait3A_674] : memref<32x1000000xf32, #tpu.memory_space<hbm>> -> memref<32x128xf32, #tpu.memory_space<hbm>>
      %dma_wait3A_676 = arith.constant 0 : i32
      %dma_wait3A_677 = arith.constant 0 : i32
      %dma_wait3A_678 = tpu.memref_slice %arg6[%dma_wait3A_667, %dma_wait3A_668, %dma_wait3A_676, %dma_wait3A_677] : memref<3x8x32x128xf32, #tpu.memory_space<vmem>> -> memref<1x1x32x128xf32, #tpu.memory_space<vmem>>
      %dma_wait3A_679 = tpu.memref_squeeze %dma_wait3A_678 : memref<1x1x32x128xf32, #tpu.memory_space<vmem>> -> memref<32x128xf32, #tpu.memory_space<vmem>>
      %dma_wait3A_680 = arith.constant 0 : i32
      %dma_wait3A_681 = arith.constant 0 : i32
      %dma_wait3A_682 = tpu.memref_slice %arg3[%dma_wait3A_680, %dma_wait3A_681] : memref<32x1000000xf32, #tpu.memory_space<hbm>> -> memref<32x128xf32, #tpu.memory_space<hbm>>
      tpu.wait_dma2 semaphore(%arg8 : memref<!tpu.dma_semaphore, #tpu.memory_space<semaphore_mem>>) src(%dma_wait3A_682 : memref<32x128xf32, #tpu.memory_space<hbm>>) dst(%dma_wait3A_679 : memref<32x128xf32, #tpu.memory_space<vmem>>)
      %dma_wait3A_683 = arith.constant 0 : i32
      %dma_wait3A_684 = arith.constant 5 : i32
      %dma_wait3A_685 = arith.constant 0 : i32
      %dma_wait3A_686 = arith.constant 0 : i32
      %dma_wait3A_687 = tpu.memref_slice %arg6[%dma_wait3A_683, %dma_wait3A_684, %dma_wait3A_685, %dma_wait3A_686] : memref<3x8x32x128xf32, #tpu.memory_space<vmem>> -> memref<1x1x32x128xf32, #tpu.memory_space<vmem>>
      %dma_wait3A_688 = tpu.memref_squeeze %dma_wait3A_687 : memref<1x1x32x128xf32, #tpu.memory_space<vmem>> -> memref<32x128xf32, #tpu.memory_space<vmem>>
      %dma_wait3A_689 = arith.constant 0 : i32
      %dma_wait3A_690 = arith.constant 0 : i32
      %dma_wait3A_691 = tpu.memref_slice %arg3[%dma_wait3A_689, %dma_wait3A_690] : memref<32x1000000xf32, #tpu.memory_space<hbm>> -> memref<32x128xf32, #tpu.memory_space<hbm>>
      %dma_wait3A_692 = arith.constant 0 : i32
      %dma_wait3A_693 = arith.constant 0 : i32
      %dma_wait3A_694 = tpu.memref_slice %arg6[%dma_wait3A_683, %dma_wait3A_684, %dma_wait3A_692, %dma_wait3A_693] : memref<3x8x32x128xf32, #tpu.memory_space<vmem>> -> memref<1x1x32x128xf32, #tpu.memory_space<vmem>>
      %dma_wait3A_695 = tpu.memref_squeeze %dma_wait3A_694 : memref<1x1x32x128xf32, #tpu.memory_space<vmem>> -> memref<32x128xf32, #tpu.memory_space<vmem>>
      %dma_wait3A_696 = arith.constant 0 : i32
      %dma_wait3A_697 = arith.constant 0 : i32
      %dma_wait3A_698 = tpu.memref_slice %arg3[%dma_wait3A_696, %dma_wait3A_697] : memref<32x1000000xf32, #tpu.memory_space<hbm>> -> memref<32x128xf32, #tpu.memory_space<hbm>>
      tpu.wait_dma2 semaphore(%arg8 : memref<!tpu.dma_semaphore, #tpu.memory_space<semaphore_mem>>) src(%dma_wait3A_698 : memref<32x128xf32, #tpu.memory_space<hbm>>) dst(%dma_wait3A_695 : memref<32x128xf32, #tpu.memory_space<vmem>>)
      %dma_wait3A_699 = arith.constant 0 : i32
      %dma_wait3A_700 = arith.constant 6 : i32
      %dma_wait3A_701 = arith.constant 0 : i32
      %dma_wait3A_702 = arith.constant 0 : i32
      %dma_wait3A_703 = tpu.memref_slice %arg6[%dma_wait3A_699, %dma_wait3A_700, %dma_wait3A_701, %dma_wait3A_702] : memref<3x8x32x128xf32, #tpu.memory_space<vmem>> -> memref<1x1x32x128xf32, #tpu.memory_space<vmem>>
      %dma_wait3A_704 = tpu.memref_squeeze %dma_wait3A_703 : memref<1x1x32x128xf32, #tpu.memory_space<vmem>> -> memref<32x128xf32, #tpu.memory_space<vmem>>
      %dma_wait3A_705 = arith.constant 0 : i32
      %dma_wait3A_706 = arith.constant 0 : i32
      %dma_wait3A_707 = tpu.memref_slice %arg3[%dma_wait3A_705, %dma_wait3A_706] : memref<32x1000000xf32, #tpu.memory_space<hbm>> -> memref<32x128xf32, #tpu.memory_space<hbm>>
      %dma_wait3A_708 = arith.constant 0 : i32
      %dma_wait3A_709 = arith.constant 0 : i32
      %dma_wait3A_710 = tpu.memref_slice %arg6[%dma_wait3A_699, %dma_wait3A_700, %dma_wait3A_708, %dma_wait3A_709] : memref<3x8x32x128xf32, #tpu.memory_space<vmem>> -> memref<1x1x32x128xf32, #tpu.memory_space<vmem>>
      %dma_wait3A_711 = tpu.memref_squeeze %dma_wait3A_710 : memref<1x1x32x128xf32, #tpu.memory_space<vmem>> -> memref<32x128xf32, #tpu.memory_space<vmem>>
      %dma_wait3A_712 = arith.constant 0 : i32
      %dma_wait3A_713 = arith.constant 0 : i32
      %dma_wait3A_714 = tpu.memref_slice %arg3[%dma_wait3A_712, %dma_wait3A_713] : memref<32x1000000xf32, #tpu.memory_space<hbm>> -> memref<32x128xf32, #tpu.memory_space<hbm>>
      tpu.wait_dma2 semaphore(%arg8 : memref<!tpu.dma_semaphore, #tpu.memory_space<semaphore_mem>>) src(%dma_wait3A_714 : memref<32x128xf32, #tpu.memory_space<hbm>>) dst(%dma_wait3A_711 : memref<32x128xf32, #tpu.memory_space<vmem>>)
      %dma_wait3A_715 = arith.constant 0 : i32
      %dma_wait3A_716 = arith.constant 7 : i32
      %dma_wait3A_717 = arith.constant 0 : i32
      %dma_wait3A_718 = arith.constant 0 : i32
      %dma_wait3A_719 = tpu.memref_slice %arg6[%dma_wait3A_715, %dma_wait3A_716, %dma_wait3A_717, %dma_wait3A_718] : memref<3x8x32x128xf32, #tpu.memory_space<vmem>> -> memref<1x1x32x128xf32, #tpu.memory_space<vmem>>
      %dma_wait3A_720 = tpu.memref_squeeze %dma_wait3A_719 : memref<1x1x32x128xf32, #tpu.memory_space<vmem>> -> memref<32x128xf32, #tpu.memory_space<vmem>>
      %dma_wait3A_721 = arith.constant 0 : i32
      %dma_wait3A_722 = arith.constant 0 : i32
      %dma_wait3A_723 = tpu.memref_slice %arg3[%dma_wait3A_721, %dma_wait3A_722] : memref<32x1000000xf32, #tpu.memory_space<hbm>> -> memref<32x128xf32, #tpu.memory_space<hbm>>
      %dma_wait3A_724 = arith.constant 0 : i32
      %dma_wait3A_725 = arith.constant 0 : i32
      %dma_wait3A_726 = tpu.memref_slice %arg6[%dma_wait3A_715, %dma_wait3A_716, %dma_wait3A_724, %dma_wait3A_725] : memref<3x8x32x128xf32, #tpu.memory_space<vmem>> -> memref<1x1x32x128xf32, #tpu.memory_space<vmem>>
      %dma_wait3A_727 = tpu.memref_squeeze %dma_wait3A_726 : memref<1x1x32x128xf32, #tpu.memory_space<vmem>> -> memref<32x128xf32, #tpu.memory_space<vmem>>
      %dma_wait3A_728 = arith.constant 0 : i32
      %dma_wait3A_729 = arith.constant 0 : i32
      %dma_wait3A_730 = tpu.memref_slice %arg3[%dma_wait3A_728, %dma_wait3A_729] : memref<32x1000000xf32, #tpu.memory_space<hbm>> -> memref<32x128xf32, #tpu.memory_space<hbm>>
      tpu.wait_dma2 semaphore(%arg8 : memref<!tpu.dma_semaphore, #tpu.memory_space<semaphore_mem>>) src(%dma_wait3A_730 : memref<32x128xf32, #tpu.memory_space<hbm>>) dst(%dma_wait3A_727 : memref<32x128xf32, #tpu.memory_space<vmem>>)
      %mul3A_731 = arith.constant 8 : i32
      %mul3A_732 = arith.muli %add3A_598, %mul3A_731 : i32
      %get3A_733 = arith.index_cast %mul3A_732 : i32 to index
      %get3A_734 = tpu.vector_load %arg5[%get3A_733] {strides = array<i32>} : memref<528xi32, #tpu.memory_space<vmem>>, vector<16xi32>,
      %and3A_735 = arith.constant 127 : i32
      %and3A_736 = vector.broadcast %and3A_735 : i32 to vector<16xi32>
      %and3A_737 = arith.andi %get3A_734, %and3A_736 : vector<16xi32>
      %mul3A_738 = arith.constant 8 : i32
      %mul3A_739 = arith.muli %add3A_598, %mul3A_738 : i32
      %slice3A_740 = vector.extract_strided_slice %and3A_737 {offsets = [0], sizes = [1], strides = [1]} : vector<16xi32> to vector<1xi32>
      %squeeze3A_741 = vector.extract %slice3A_740[0] : i32 from vector<1xi32>
      %broadcast_in_dim3A_742 = vector.broadcast %squeeze3A_741 : i32 to vector<16xi32>
      %add3A_743 = arith.constant 0 : i32
      %add3A_744 = arith.addi %mul3A_739, %add3A_743 : i32
      %broadcast_in_dim3A_745 = vector.broadcast %add3A_744 : i32 to vector<16xi32>
      %gather3A_746 = arith.constant 0 : i32
      %gather3A_747 = arith.constant 0 : i32
      %gather3A_748 = arith.constant 0 : i32
      %gather3A_749 = arith.constant 0 : i32
      %gather3A_750 = tpu.memref_slice %arg6[%gather3A_746, %gather3A_747, %gather3A_748, %gather3A_749] : memref<3x8x32x128xf32, #tpu.memory_space<vmem>> -> memref<1x1x32x128xf32, #tpu.memory_space<vmem>>
      %gather3A_751 = tpu.memref_squeeze %gather3A_750 : memref<1x1x32x128xf32, #tpu.memory_space<vmem>> -> memref<32x128xf32, #tpu.memory_space<vmem>>
      %gather3A_752 = tpu.vector_load_idx %gather3A_751[%iota3A, %broadcast_in_dim3A_742] : memref<32x128xf32, #tpu.memory_space<vmem>>[vector<16xi32>, vector<16xi32>], vector<16xf32>,
      %gather3A_753 = arith.constant 0 : i32
      %gather3A_754 = arith.constant 0 : i32
      %gather3A_755 = arith.constant 0 : i32
      %gather3A_756 = arith.constant 0 : i32
      %gather3A_757 = tpu.memref_slice %arg6[%gather3A_753, %gather3A_754, %gather3A_755, %gather3A_756] : memref<3x8x32x128xf32, #tpu.memory_space<vmem>> -> memref<1x1x32x128xf32, #tpu.memory_space<vmem>>
      %gather3A_758 = tpu.memref_squeeze %gather3A_757 : memref<1x1x32x128xf32, #tpu.memory_space<vmem>> -> memref<32x128xf32, #tpu.memory_space<vmem>>
      %gather3A_759 = tpu.vector_load_idx %gather3A_758[%add3A_5, %broadcast_in_dim3A_742] : memref<32x128xf32, #tpu.memory_space<vmem>>[vector<16xi32>, vector<16xi32>], vector<16xf32>,
      tpu.vector_store_idx %arg7[%iota3A, %broadcast_in_dim3A_745], %gather3A_752 : memref<32x512xf32, #tpu.memory_space<vmem>>[vector<16xi32>, vector<16xi32>], vector<16xf32>,
      tpu.vector_store_idx %arg7[%add3A_5, %broadcast_in_dim3A_745], %gather3A_759 : memref<32x512xf32, #tpu.memory_space<vmem>>[vector<16xi32>, vector<16xi32>], vector<16xf32>,
      %slice3A_760 = vector.extract_strided_slice %and3A_737 {offsets = [1], sizes = [1], strides = [1]} : vector<16xi32> to vector<1xi32>
      %squeeze3A_761 = vector.extract %slice3A_760[0] : i32 from vector<1xi32>
      %broadcast_in_dim3A_762 = vector.broadcast %squeeze3A_761 : i32 to vector<16xi32>
      %add3A_763 = arith.constant 1 : i32
      %add3A_764 = arith.addi %mul3A_739, %add3A_763 : i32
      %broadcast_in_dim3A_765 = vector.broadcast %add3A_764 : i32 to vector<16xi32>
      %gather3A_766 = arith.constant 0 : i32
      %gather3A_767 = arith.constant 1 : i32
      %gather3A_768 = arith.constant 0 : i32
      %gather3A_769 = arith.constant 0 : i32
      %gather3A_770 = tpu.memref_slice %arg6[%gather3A_766, %gather3A_767, %gather3A_768, %gather3A_769] : memref<3x8x32x128xf32, #tpu.memory_space<vmem>> -> memref<1x1x32x128xf32, #tpu.memory_space<vmem>>
      %gather3A_771 = tpu.memref_squeeze %gather3A_770 : memref<1x1x32x128xf32, #tpu.memory_space<vmem>> -> memref<32x128xf32, #tpu.memory_space<vmem>>
      %gather3A_772 = tpu.vector_load_idx %gather3A_771[%iota3A, %broadcast_in_dim3A_762] : memref<32x128xf32, #tpu.memory_space<vmem>>[vector<16xi32>, vector<16xi32>], vector<16xf32>,
      %gather3A_773 = arith.constant 0 : i32
      %gather3A_774 = arith.constant 1 : i32
      %gather3A_775 = arith.constant 0 : i32
      %gather3A_776 = arith.constant 0 : i32
      %gather3A_777 = tpu.memref_slice %arg6[%gather3A_773, %gather3A_774, %gather3A_775, %gather3A_776] : memref<3x8x32x128xf32, #tpu.memory_space<vmem>> -> memref<1x1x32x128xf32, #tpu.memory_space<vmem>>
      %gather3A_778 = tpu.memref_squeeze %gather3A_777 : memref<1x1x32x128xf32, #tpu.memory_space<vmem>> -> memref<32x128xf32, #tpu.memory_space<vmem>>
      %gather3A_779 = tpu.vector_load_idx %gather3A_778[%add3A_5, %broadcast_in_dim3A_762] : memref<32x128xf32, #tpu.memory_space<vmem>>[vector<16xi32>, vector<16xi32>], vector<16xf32>,
      tpu.vector_store_idx %arg7[%iota3A, %broadcast_in_dim3A_765], %gather3A_772 : memref<32x512xf32, #tpu.memory_space<vmem>>[vector<16xi32>, vector<16xi32>], vector<16xf32>,
      tpu.vector_store_idx %arg7[%add3A_5, %broadcast_in_dim3A_765], %gather3A_779 : memref<32x512xf32, #tpu.memory_space<vmem>>[vector<16xi32>, vector<16xi32>], vector<16xf32>,
      %slice3A_780 = vector.extract_strided_slice %and3A_737 {offsets = [2], sizes = [1], strides = [1]} : vector<16xi32> to vector<1xi32>
      %squeeze3A_781 = vector.extract %slice3A_780[0] : i32 from vector<1xi32>
      %broadcast_in_dim3A_782 = vector.broadcast %squeeze3A_781 : i32 to vector<16xi32>
      %add3A_783 = arith.constant 2 : i32
      %add3A_784 = arith.addi %mul3A_739, %add3A_783 : i32
      %broadcast_in_dim3A_785 = vector.broadcast %add3A_784 : i32 to vector<16xi32>
      %gather3A_786 = arith.constant 0 : i32
      %gather3A_787 = arith.constant 2 : i32
      %gather3A_788 = arith.constant 0 : i32
      %gather3A_789 = arith.constant 0 : i32
      %gather3A_790 = tpu.memref_slice %arg6[%gather3A_786, %gather3A_787, %gather3A_788, %gather3A_789] : memref<3x8x32x128xf32, #tpu.memory_space<vmem>> -> memref<1x1x32x128xf32, #tpu.memory_space<vmem>>
      %gather3A_791 = tpu.memref_squeeze %gather3A_790 : memref<1x1x32x128xf32, #tpu.memory_space<vmem>> -> memref<32x128xf32, #tpu.memory_space<vmem>>
      %gather3A_792 = tpu.vector_load_idx %gather3A_791[%iota3A, %broadcast_in_dim3A_782] : memref<32x128xf32, #tpu.memory_space<vmem>>[vector<16xi32>, vector<16xi32>], vector<16xf32>,
      %gather3A_793 = arith.constant 0 : i32
      %gather3A_794 = arith.constant 2 : i32
      %gather3A_795 = arith.constant 0 : i32
      %gather3A_796 = arith.constant 0 : i32
      %gather3A_797 = tpu.memref_slice %arg6[%gather3A_793, %gather3A_794, %gather3A_795, %gather3A_796] : memref<3x8x32x128xf32, #tpu.memory_space<vmem>> -> memref<1x1x32x128xf32, #tpu.memory_space<vmem>>
      %gather3A_798 = tpu.memref_squeeze %gather3A_797 : memref<1x1x32x128xf32, #tpu.memory_space<vmem>> -> memref<32x128xf32, #tpu.memory_space<vmem>>
      %gather3A_799 = tpu.vector_load_idx %gather3A_798[%add3A_5, %broadcast_in_dim3A_782] : memref<32x128xf32, #tpu.memory_space<vmem>>[vector<16xi32>, vector<16xi32>], vector<16xf32>,
      tpu.vector_store_idx %arg7[%iota3A, %broadcast_in_dim3A_785], %gather3A_792 : memref<32x512xf32, #tpu.memory_space<vmem>>[vector<16xi32>, vector<16xi32>], vector<16xf32>,
      tpu.vector_store_idx %arg7[%add3A_5, %broadcast_in_dim3A_785], %gather3A_799 : memref<32x512xf32, #tpu.memory_space<vmem>>[vector<16xi32>, vector<16xi32>], vector<16xf32>,
      %slice3A_800 = vector.extract_strided_slice %and3A_737 {offsets = [3], sizes = [1], strides = [1]} : vector<16xi32> to vector<1xi32>
      %squeeze3A_801 = vector.extract %slice3A_800[0] : i32 from vector<1xi32>
      %broadcast_in_dim3A_802 = vector.broadcast %squeeze3A_801 : i32 to vector<16xi32>
      %add3A_803 = arith.constant 3 : i32
      %add3A_804 = arith.addi %mul3A_739, %add3A_803 : i32
      %broadcast_in_dim3A_805 = vector.broadcast %add3A_804 : i32 to vector<16xi32>
      %gather3A_806 = arith.constant 0 : i32
      %gather3A_807 = arith.constant 3 : i32
      %gather3A_808 = arith.constant 0 : i32
      %gather3A_809 = arith.constant 0 : i32
      %gather3A_810 = tpu.memref_slice %arg6[%gather3A_806, %gather3A_807, %gather3A_808, %gather3A_809] : memref<3x8x32x128xf32, #tpu.memory_space<vmem>> -> memref<1x1x32x128xf32, #tpu.memory_space<vmem>>
      %gather3A_811 = tpu.memref_squeeze %gather3A_810 : memref<1x1x32x128xf32, #tpu.memory_space<vmem>> -> memref<32x128xf32, #tpu.memory_space<vmem>>
      %gather3A_812 = tpu.vector_load_idx %gather3A_811[%iota3A, %broadcast_in_dim3A_802] : memref<32x128xf32, #tpu.memory_space<vmem>>[vector<16xi32>, vector<16xi32>], vector<16xf32>,
      %gather3A_813 = arith.constant 0 : i32
      %gather3A_814 = arith.constant 3 : i32
      %gather3A_815 = arith.constant 0 : i32
      %gather3A_816 = arith.constant 0 : i32
      %gather3A_817 = tpu.memref_slice %arg6[%gather3A_813, %gather3A_814, %gather3A_815, %gather3A_816] : memref<3x8x32x128xf32, #tpu.memory_space<vmem>> -> memref<1x1x32x128xf32, #tpu.memory_space<vmem>>
      %gather3A_818 = tpu.memref_squeeze %gather3A_817 : memref<1x1x32x128xf32, #tpu.memory_space<vmem>> -> memref<32x128xf32, #tpu.memory_space<vmem>>
      %gather3A_819 = tpu.vector_load_idx %gather3A_818[%add3A_5, %broadcast_in_dim3A_802] : memref<32x128xf32, #tpu.memory_space<vmem>>[vector<16xi32>, vector<16xi32>], vector<16xf32>,
      tpu.vector_store_idx %arg7[%iota3A, %broadcast_in_dim3A_805], %gather3A_812 : memref<32x512xf32, #tpu.memory_space<vmem>>[vector<16xi32>, vector<16xi32>], vector<16xf32>,
      tpu.vector_store_idx %arg7[%add3A_5, %broadcast_in_dim3A_805], %gather3A_819 : memref<32x512xf32, #tpu.memory_space<vmem>>[vector<16xi32>, vector<16xi32>], vector<16xf32>,
      %slice3A_820 = vector.extract_strided_slice %and3A_737 {offsets = [4], sizes = [1], strides = [1]} : vector<16xi32> to vector<1xi32>
      %squeeze3A_821 = vector.extract %slice3A_820[0] : i32 from vector<1xi32>
      %broadcast_in_dim3A_822 = vector.broadcast %squeeze3A_821 : i32 to vector<16xi32>
      %add3A_823 = arith.constant 4 : i32
      %add3A_824 = arith.addi %mul3A_739, %add3A_823 : i32
      %broadcast_in_dim3A_825 = vector.broadcast %add3A_824 : i32 to vector<16xi32>
      %gather3A_826 = arith.constant 0 : i32
      %gather3A_827 = arith.constant 4 : i32
      %gather3A_828 = arith.constant 0 : i32
      %gather3A_829 = arith.constant 0 : i32
      %gather3A_830 = tpu.memref_slice %arg6[%gather3A_826, %gather3A_827, %gather3A_828, %gather3A_829] : memref<3x8x32x128xf32, #tpu.memory_space<vmem>> -> memref<1x1x32x128xf32, #tpu.memory_space<vmem>>
      %gather3A_831 = tpu.memref_squeeze %gather3A_830 : memref<1x1x32x128xf32, #tpu.memory_space<vmem>> -> memref<32x128xf32, #tpu.memory_space<vmem>>
      %gather3A_832 = tpu.vector_load_idx %gather3A_831[%iota3A, %broadcast_in_dim3A_822] : memref<32x128xf32, #tpu.memory_space<vmem>>[vector<16xi32>, vector<16xi32>], vector<16xf32>,
      %gather3A_833 = arith.constant 0 : i32
      %gather3A_834 = arith.constant 4 : i32
      %gather3A_835 = arith.constant 0 : i32
      %gather3A_836 = arith.constant 0 : i32
      %gather3A_837 = tpu.memref_slice %arg6[%gather3A_833, %gather3A_834, %gather3A_835, %gather3A_836] : memref<3x8x32x128xf32, #tpu.memory_space<vmem>> -> memref<1x1x32x128xf32, #tpu.memory_space<vmem>>
      %gather3A_838 = tpu.memref_squeeze %gather3A_837 : memref<1x1x32x128xf32, #tpu.memory_space<vmem>> -> memref<32x128xf32, #tpu.memory_space<vmem>>
      %gather3A_839 = tpu.vector_load_idx %gather3A_838[%add3A_5, %broadcast_in_dim3A_822] : memref<32x128xf32, #tpu.memory_space<vmem>>[vector<16xi32>, vector<16xi32>], vector<16xf32>,
      tpu.vector_store_idx %arg7[%iota3A, %broadcast_in_dim3A_825], %gather3A_832 : memref<32x512xf32, #tpu.memory_space<vmem>>[vector<16xi32>, vector<16xi32>], vector<16xf32>,
      tpu.vector_store_idx %arg7[%add3A_5, %broadcast_in_dim3A_825], %gather3A_839 : memref<32x512xf32, #tpu.memory_space<vmem>>[vector<16xi32>, vector<16xi32>], vector<16xf32>,
      %slice3A_840 = vector.extract_strided_slice %and3A_737 {offsets = [5], sizes = [1], strides = [1]} : vector<16xi32> to vector<1xi32>
      %squeeze3A_841 = vector.extract %slice3A_840[0] : i32 from vector<1xi32>
      %broadcast_in_dim3A_842 = vector.broadcast %squeeze3A_841 : i32 to vector<16xi32>
      %add3A_843 = arith.constant 5 : i32
      %add3A_844 = arith.addi %mul3A_739, %add3A_843 : i32
      %broadcast_in_dim3A_845 = vector.broadcast %add3A_844 : i32 to vector<16xi32>
      %gather3A_846 = arith.constant 0 : i32
      %gather3A_847 = arith.constant 5 : i32
      %gather3A_848 = arith.constant 0 : i32
      %gather3A_849 = arith.constant 0 : i32
      %gather3A_850 = tpu.memref_slice %arg6[%gather3A_846, %gather3A_847, %gather3A_848, %gather3A_849] : memref<3x8x32x128xf32, #tpu.memory_space<vmem>> -> memref<1x1x32x128xf32, #tpu.memory_space<vmem>>
      %gather3A_851 = tpu.memref_squeeze %gather3A_850 : memref<1x1x32x128xf32, #tpu.memory_space<vmem>> -> memref<32x128xf32, #tpu.memory_space<vmem>>
      %gather3A_852 = tpu.vector_load_idx %gather3A_851[%iota3A, %broadcast_in_dim3A_842] : memref<32x128xf32, #tpu.memory_space<vmem>>[vector<16xi32>, vector<16xi32>], vector<16xf32>,
      %gather3A_853 = arith.constant 0 : i32
      %gather3A_854 = arith.constant 5 : i32
      %gather3A_855 = arith.constant 0 : i32
      %gather3A_856 = arith.constant 0 : i32
      %gather3A_857 = tpu.memref_slice %arg6[%gather3A_853, %gather3A_854, %gather3A_855, %gather3A_856] : memref<3x8x32x128xf32, #tpu.memory_space<vmem>> -> memref<1x1x32x128xf32, #tpu.memory_space<vmem>>
      %gather3A_858 = tpu.memref_squeeze %gather3A_857 : memref<1x1x32x128xf32, #tpu.memory_space<vmem>> -> memref<32x128xf32, #tpu.memory_space<vmem>>
      %gather3A_859 = tpu.vector_load_idx %gather3A_858[%add3A_5, %broadcast_in_dim3A_842] : memref<32x128xf32, #tpu.memory_space<vmem>>[vector<16xi32>, vector<16xi32>], vector<16xf32>,
      tpu.vector_store_idx %arg7[%iota3A, %broadcast_in_dim3A_845], %gather3A_852 : memref<32x512xf32, #tpu.memory_space<vmem>>[vector<16xi32>, vector<16xi32>], vector<16xf32>,
      tpu.vector_store_idx %arg7[%add3A_5, %broadcast_in_dim3A_845], %gather3A_859 : memref<32x512xf32, #tpu.memory_space<vmem>>[vector<16xi32>, vector<16xi32>], vector<16xf32>,
      %slice3A_860 = vector.extract_strided_slice %and3A_737 {offsets = [6], sizes = [1], strides = [1]} : vector<16xi32> to vector<1xi32>
      %squeeze3A_861 = vector.extract %slice3A_860[0] : i32 from vector<1xi32>
      %broadcast_in_dim3A_862 = vector.broadcast %squeeze3A_861 : i32 to vector<16xi32>
      %add3A_863 = arith.constant 6 : i32
      %add3A_864 = arith.addi %mul3A_739, %add3A_863 : i32
      %broadcast_in_dim3A_865 = vector.broadcast %add3A_864 : i32 to vector<16xi32>
      %gather3A_866 = arith.constant 0 : i32
      %gather3A_867 = arith.constant 6 : i32
      %gather3A_868 = arith.constant 0 : i32
      %gather3A_869 = arith.constant 0 : i32
      %gather3A_870 = tpu.memref_slice %arg6[%gather3A_866, %gather3A_867, %gather3A_868, %gather3A_869] : memref<3x8x32x128xf32, #tpu.memory_space<vmem>> -> memref<1x1x32x128xf32, #tpu.memory_space<vmem>>
      %gather3A_871 = tpu.memref_squeeze %gather3A_870 : memref<1x1x32x128xf32, #tpu.memory_space<vmem>> -> memref<32x128xf32, #tpu.memory_space<vmem>>
      %gather3A_872 = tpu.vector_load_idx %gather3A_871[%iota3A, %broadcast_in_dim3A_862] : memref<32x128xf32, #tpu.memory_space<vmem>>[vector<16xi32>, vector<16xi32>], vector<16xf32>,
      %gather3A_873 = arith.constant 0 : i32
      %gather3A_874 = arith.constant 6 : i32
      %gather3A_875 = arith.constant 0 : i32
      %gather3A_876 = arith.constant 0 : i32
      %gather3A_877 = tpu.memref_slice %arg6[%gather3A_873, %gather3A_874, %gather3A_875, %gather3A_876] : memref<3x8x32x128xf32, #tpu.memory_space<vmem>> -> memref<1x1x32x128xf32, #tpu.memory_space<vmem>>
      %gather3A_878 = tpu.memref_squeeze %gather3A_877 : memref<1x1x32x128xf32, #tpu.memory_space<vmem>> -> memref<32x128xf32, #tpu.memory_space<vmem>>
      %gather3A_879 = tpu.vector_load_idx %gather3A_878[%add3A_5, %broadcast_in_dim3A_862] : memref<32x128xf32, #tpu.memory_space<vmem>>[vector<16xi32>, vector<16xi32>], vector<16xf32>,
      tpu.vector_store_idx %arg7[%iota3A, %broadcast_in_dim3A_865], %gather3A_872 : memref<32x512xf32, #tpu.memory_space<vmem>>[vector<16xi32>, vector<16xi32>], vector<16xf32>,
      tpu.vector_store_idx %arg7[%add3A_5, %broadcast_in_dim3A_865], %gather3A_879 : memref<32x512xf32, #tpu.memory_space<vmem>>[vector<16xi32>, vector<16xi32>], vector<16xf32>,
      %slice3A_880 = vector.extract_strided_slice %and3A_737 {offsets = [7], sizes = [1], strides = [1]} : vector<16xi32> to vector<1xi32>
      %squeeze3A_881 = vector.extract %slice3A_880[0] : i32 from vector<1xi32>
      %broadcast_in_dim3A_882 = vector.broadcast %squeeze3A_881 : i32 to vector<16xi32>
      %add3A_883 = arith.constant 7 : i32
      %add3A_884 = arith.addi %mul3A_739, %add3A_883 : i32
      %broadcast_in_dim3A_885 = vector.broadcast %add3A_884 : i32 to vector<16xi32>
      %gather3A_886 = arith.constant 0 : i32
      %gather3A_887 = arith.constant 7 : i32
      %gather3A_888 = arith.constant 0 : i32
      %gather3A_889 = arith.constant 0 : i32
      %gather3A_890 = tpu.memref_slice %arg6[%gather3A_886, %gather3A_887, %gather3A_888, %gather3A_889] : memref<3x8x32x128xf32, #tpu.memory_space<vmem>> -> memref<1x1x32x128xf32, #tpu.memory_space<vmem>>
      %gather3A_891 = tpu.memref_squeeze %gather3A_890 : memref<1x1x32x128xf32, #tpu.memory_space<vmem>> -> memref<32x128xf32, #tpu.memory_space<vmem>>
      %gather3A_892 = tpu.vector_load_idx %gather3A_891[%iota3A, %broadcast_in_dim3A_882] : memref<32x128xf32, #tpu.memory_space<vmem>>[vector<16xi32>, vector<16xi32>], vector<16xf32>,
      %gather3A_893 = arith.constant 0 : i32
      %gather3A_894 = arith.constant 7 : i32
      %gather3A_895 = arith.constant 0 : i32
      %gather3A_896 = arith.constant 0 : i32
      %gather3A_897 = tpu.memref_slice %arg6[%gather3A_893, %gather3A_894, %gather3A_895, %gather3A_896] : memref<3x8x32x128xf32, #tpu.memory_space<vmem>> -> memref<1x1x32x128xf32, #tpu.memory_space<vmem>>
      %gather3A_898 = tpu.memref_squeeze %gather3A_897 : memref<1x1x32x128xf32, #tpu.memory_space<vmem>> -> memref<32x128xf32, #tpu.memory_space<vmem>>
      %gather3A_899 = tpu.vector_load_idx %gather3A_898[%add3A_5, %broadcast_in_dim3A_882] : memref<32x128xf32, #tpu.memory_space<vmem>>[vector<16xi32>, vector<16xi32>], vector<16xf32>,
      tpu.vector_store_idx %arg7[%iota3A, %broadcast_in_dim3A_885], %gather3A_892 : memref<32x512xf32, #tpu.memory_space<vmem>>[vector<16xi32>, vector<16xi32>], vector<16xf32>,
      tpu.vector_store_idx %arg7[%add3A_5, %broadcast_in_dim3A_885], %gather3A_899 : memref<32x512xf32, #tpu.memory_space<vmem>>[vector<16xi32>, vector<16xi32>], vector<16xf32>,
      %add3A_900 = arith.constant 1 : i32
      %add3A_901 = arith.addi %mul3A_596, %add3A_900 : i32
      %add3A_902 = arith.constant 2 : i32
      %add3A_903 = arith.addi %add3A_901, %add3A_902 : i32
      %lt3A_904 = arith.constant 64 : i32
      %lt3A_905 = arith.cmpi slt, %add3A_903, %lt3A_904 : i32
      %convert_element_type3A_906 = arith.extui %lt3A_905 : i1 to i32
      %cond3A_907 = arith.constant 0 : i32
      %cond3A_908 = arith.cmpi ne, %convert_element_type3A_906, %cond3A_907 : i32
      scf.if %cond3A_908 {
        %add3A_1512 = arith.constant 2 : i32
        %add3A_1513 = arith.addi %add3A_901, %add3A_1512 : i32
        %mul3A_1514 = arith.constant 8 : i32
        %mul3A_1515 = arith.muli %add3A_1513, %mul3A_1514 : i32
        %get3A_1516 = arith.index_cast %mul3A_1515 : i32 to index
        %get3A_1517 = tpu.vector_load %arg5[%get3A_1516] {strides = array<i32>} : memref<528xi32, #tpu.memory_space<vmem>>, vector<16xi32>,
        %slice3A_1518 = vector.extract_strided_slice %get3A_1517 {offsets = [0], sizes = [1], strides = [1]} : vector<16xi32> to vector<1xi32>
        %squeeze3A_1519 = vector.extract %slice3A_1518[0] : i32 from vector<1xi32>
        %and3A_1520 = arith.constant -128 : i32
        %and3A_1521 = arith.andi %squeeze3A_1519, %and3A_1520 : i32
        %multiple_of3A_1522 = tpu.assume_multiple %and3A_1521, 128 : i32
        %dma_start3A_1523 = arith.constant 0 : i32
        %dma_start3A_1524 = arith.constant 0 : i32
        %dma_start3A_1525 = arith.constant 0 : i32
        %dma_start3A_1526 = arith.constant 0 : i32
        %dma_start3A_1527 = tpu.memref_slice %arg6[%dma_start3A_1523, %dma_start3A_1524, %dma_start3A_1525, %dma_start3A_1526] : memref<3x8x32x128xf32, #tpu.memory_space<vmem>> -> memref<1x1x32x128xf32, #tpu.memory_space<vmem>>
        %dma_start3A_1528 = tpu.memref_squeeze %dma_start3A_1527 : memref<1x1x32x128xf32, #tpu.memory_space<vmem>> -> memref<32x128xf32, #tpu.memory_space<vmem>>
        %dma_start3A_1529 = arith.constant 0 : i32
        %dma_start3A_1530 = tpu.memref_slice %arg3[%dma_start3A_1529, %multiple_of3A_1522] : memref<32x1000000xf32, #tpu.memory_space<hbm>> -> memref<32x128xf32, #tpu.memory_space<hbm>>
        %dma_start3A_1531 = arith.constant 0 : i32
        %dma_start3A_1532 = arith.constant 0 : i32
        %dma_start3A_1533 = tpu.memref_slice %arg6[%dma_start3A_1523, %dma_start3A_1524, %dma_start3A_1531, %dma_start3A_1532] : memref<3x8x32x128xf32, #tpu.memory_space<vmem>> -> memref<1x1x32x128xf32, #tpu.memory_space<vmem>>
        %dma_start3A_1534 = tpu.memref_squeeze %dma_start3A_1533 : memref<1x1x32x128xf32, #tpu.memory_space<vmem>> -> memref<32x128xf32, #tpu.memory_space<vmem>>
        %dma_start3A_1535 = arith.constant 0 : i32
        %dma_start3A_1536 = tpu.memref_slice %arg3[%dma_start3A_1535, %multiple_of3A_1522] : memref<32x1000000xf32, #tpu.memory_space<hbm>> -> memref<32x128xf32, #tpu.memory_space<hbm>>
        tpu.enqueue_dma source(%dma_start3A_1536 : memref<32x128xf32, #tpu.memory_space<hbm>>) target(%dma_start3A_1534 : memref<32x128xf32, #tpu.memory_space<vmem>>) target_semaphore(%arg8 : memref<!tpu.dma_semaphore, #tpu.memory_space<semaphore_mem>>)
        %slice3A_1537 = vector.extract_strided_slice %get3A_1517 {offsets = [1], sizes = [1], strides = [1]} : vector<16xi32> to vector<1xi32>
        %squeeze3A_1538 = vector.extract %slice3A_1537[0] : i32 from vector<1xi32>
        %and3A_1539 = arith.constant -128 : i32
        %and3A_1540 = arith.andi %squeeze3A_1538, %and3A_1539 : i32
        %multiple_of3A_1541 = tpu.assume_multiple %and3A_1540, 128 : i32
        %dma_start3A_1542 = arith.constant 0 : i32
        %dma_start3A_1543 = arith.constant 1 : i32
        %dma_start3A_1544 = arith.constant 0 : i32
        %dma_start3A_1545 = arith.constant 0 : i32
        %dma_start3A_1546 = tpu.memref_slice %arg6[%dma_start3A_1542, %dma_start3A_1543, %dma_start3A_1544, %dma_start3A_1545] : memref<3x8x32x128xf32, #tpu.memory_space<vmem>> -> memref<1x1x32x128xf32, #tpu.memory_space<vmem>>
        %dma_start3A_1547 = tpu.memref_squeeze %dma_start3A_1546 : memref<1x1x32x128xf32, #tpu.memory_space<vmem>> -> memref<32x128xf32, #tpu.memory_space<vmem>>
        %dma_start3A_1548 = arith.constant 0 : i32
        %dma_start3A_1549 = tpu.memref_slice %arg3[%dma_start3A_1548, %multiple_of3A_1541] : memref<32x1000000xf32, #tpu.memory_space<hbm>> -> memref<32x128xf32, #tpu.memory_space<hbm>>
        %dma_start3A_1550 = arith.constant 0 : i32
        %dma_start3A_1551 = arith.constant 0 : i32
        %dma_start3A_1552 = tpu.memref_slice %arg6[%dma_start3A_1542, %dma_start3A_1543, %dma_start3A_1550, %dma_start3A_1551] : memref<3x8x32x128xf32, #tpu.memory_space<vmem>> -> memref<1x1x32x128xf32, #tpu.memory_space<vmem>>
        %dma_start3A_1553 = tpu.memref_squeeze %dma_start3A_1552 : memref<1x1x32x128xf32, #tpu.memory_space<vmem>> -> memref<32x128xf32, #tpu.memory_space<vmem>>
        %dma_start3A_1554 = arith.constant 0 : i32
        %dma_start3A_1555 = tpu.memref_slice %arg3[%dma_start3A_1554, %multiple_of3A_1541] : memref<32x1000000xf32, #tpu.memory_space<hbm>> -> memref<32x128xf32, #tpu.memory_space<hbm>>
        tpu.enqueue_dma source(%dma_start3A_1555 : memref<32x128xf32, #tpu.memory_space<hbm>>) target(%dma_start3A_1553 : memref<32x128xf32, #tpu.memory_space<vmem>>) target_semaphore(%arg8 : memref<!tpu.dma_semaphore, #tpu.memory_space<semaphore_mem>>)
        %slice3A_1556 = vector.extract_strided_slice %get3A_1517 {offsets = [2], sizes = [1], strides = [1]} : vector<16xi32> to vector<1xi32>
        %squeeze3A_1557 = vector.extract %slice3A_1556[0] : i32 from vector<1xi32>
        %and3A_1558 = arith.constant -128 : i32
        %and3A_1559 = arith.andi %squeeze3A_1557, %and3A_1558 : i32
        %multiple_of3A_1560 = tpu.assume_multiple %and3A_1559, 128 : i32
        %dma_start3A_1561 = arith.constant 0 : i32
        %dma_start3A_1562 = arith.constant 2 : i32
        %dma_start3A_1563 = arith.constant 0 : i32
        %dma_start3A_1564 = arith.constant 0 : i32
        %dma_start3A_1565 = tpu.memref_slice %arg6[%dma_start3A_1561, %dma_start3A_1562, %dma_start3A_1563, %dma_start3A_1564] : memref<3x8x32x128xf32, #tpu.memory_space<vmem>> -> memref<1x1x32x128xf32, #tpu.memory_space<vmem>>
        %dma_start3A_1566 = tpu.memref_squeeze %dma_start3A_1565 : memref<1x1x32x128xf32, #tpu.memory_space<vmem>> -> memref<32x128xf32, #tpu.memory_space<vmem>>
        %dma_start3A_1567 = arith.constant 0 : i32
        %dma_start3A_1568 = tpu.memref_slice %arg3[%dma_start3A_1567, %multiple_of3A_1560] : memref<32x1000000xf32, #tpu.memory_space<hbm>> -> memref<32x128xf32, #tpu.memory_space<hbm>>
        %dma_start3A_1569 = arith.constant 0 : i32
        %dma_start3A_1570 = arith.constant 0 : i32
        %dma_start3A_1571 = tpu.memref_slice %arg6[%dma_start3A_1561, %dma_start3A_1562, %dma_start3A_1569, %dma_start3A_1570] : memref<3x8x32x128xf32, #tpu.memory_space<vmem>> -> memref<1x1x32x128xf32, #tpu.memory_space<vmem>>
        %dma_start3A_1572 = tpu.memref_squeeze %dma_start3A_1571 : memref<1x1x32x128xf32, #tpu.memory_space<vmem>> -> memref<32x128xf32, #tpu.memory_space<vmem>>
        %dma_start3A_1573 = arith.constant 0 : i32
        %dma_start3A_1574 = tpu.memref_slice %arg3[%dma_start3A_1573, %multiple_of3A_1560] : memref<32x1000000xf32, #tpu.memory_space<hbm>> -> memref<32x128xf32, #tpu.memory_space<hbm>>
        tpu.enqueue_dma source(%dma_start3A_1574 : memref<32x128xf32, #tpu.memory_space<hbm>>) target(%dma_start3A_1572 : memref<32x128xf32, #tpu.memory_space<vmem>>) target_semaphore(%arg8 : memref<!tpu.dma_semaphore, #tpu.memory_space<semaphore_mem>>)
        %slice3A_1575 = vector.extract_strided_slice %get3A_1517 {offsets = [3], sizes = [1], strides = [1]} : vector<16xi32> to vector<1xi32>
        %squeeze3A_1576 = vector.extract %slice3A_1575[0] : i32 from vector<1xi32>
        %and3A_1577 = arith.constant -128 : i32
        %and3A_1578 = arith.andi %squeeze3A_1576, %and3A_1577 : i32
        %multiple_of3A_1579 = tpu.assume_multiple %and3A_1578, 128 : i32
        %dma_start3A_1580 = arith.constant 0 : i32
        %dma_start3A_1581 = arith.constant 3 : i32
        %dma_start3A_1582 = arith.constant 0 : i32
        %dma_start3A_1583 = arith.constant 0 : i32
        %dma_start3A_1584 = tpu.memref_slice %arg6[%dma_start3A_1580, %dma_start3A_1581, %dma_start3A_1582, %dma_start3A_1583] : memref<3x8x32x128xf32, #tpu.memory_space<vmem>> -> memref<1x1x32x128xf32, #tpu.memory_space<vmem>>
        %dma_start3A_1585 = tpu.memref_squeeze %dma_start3A_1584 : memref<1x1x32x128xf32, #tpu.memory_space<vmem>> -> memref<32x128xf32, #tpu.memory_space<vmem>>
        %dma_start3A_1586 = arith.constant 0 : i32
        %dma_start3A_1587 = tpu.memref_slice %arg3[%dma_start3A_1586, %multiple_of3A_1579] : memref<32x1000000xf32, #tpu.memory_space<hbm>> -> memref<32x128xf32, #tpu.memory_space<hbm>>
        %dma_start3A_1588 = arith.constant 0 : i32
        %dma_start3A_1589 = arith.constant 0 : i32
        %dma_start3A_1590 = tpu.memref_slice %arg6[%dma_start3A_1580, %dma_start3A_1581, %dma_start3A_1588, %dma_start3A_1589] : memref<3x8x32x128xf32, #tpu.memory_space<vmem>> -> memref<1x1x32x128xf32, #tpu.memory_space<vmem>>
        %dma_start3A_1591 = tpu.memref_squeeze %dma_start3A_1590 : memref<1x1x32x128xf32, #tpu.memory_space<vmem>> -> memref<32x128xf32, #tpu.memory_space<vmem>>
        %dma_start3A_1592 = arith.constant 0 : i32
        %dma_start3A_1593 = tpu.memref_slice %arg3[%dma_start3A_1592, %multiple_of3A_1579] : memref<32x1000000xf32, #tpu.memory_space<hbm>> -> memref<32x128xf32, #tpu.memory_space<hbm>>
        tpu.enqueue_dma source(%dma_start3A_1593 : memref<32x128xf32, #tpu.memory_space<hbm>>) target(%dma_start3A_1591 : memref<32x128xf32, #tpu.memory_space<vmem>>) target_semaphore(%arg8 : memref<!tpu.dma_semaphore, #tpu.memory_space<semaphore_mem>>)
        %slice3A_1594 = vector.extract_strided_slice %get3A_1517 {offsets = [4], sizes = [1], strides = [1]} : vector<16xi32> to vector<1xi32>
        %squeeze3A_1595 = vector.extract %slice3A_1594[0] : i32 from vector<1xi32>
        %and3A_1596 = arith.constant -128 : i32
        %and3A_1597 = arith.andi %squeeze3A_1595, %and3A_1596 : i32
        %multiple_of3A_1598 = tpu.assume_multiple %and3A_1597, 128 : i32
        %dma_start3A_1599 = arith.constant 0 : i32
        %dma_start3A_1600 = arith.constant 4 : i32
        %dma_start3A_1601 = arith.constant 0 : i32
        %dma_start3A_1602 = arith.constant 0 : i32
        %dma_start3A_1603 = tpu.memref_slice %arg6[%dma_start3A_1599, %dma_start3A_1600, %dma_start3A_1601, %dma_start3A_1602] : memref<3x8x32x128xf32, #tpu.memory_space<vmem>> -> memref<1x1x32x128xf32, #tpu.memory_space<vmem>>
        %dma_start3A_1604 = tpu.memref_squeeze %dma_start3A_1603 : memref<1x1x32x128xf32, #tpu.memory_space<vmem>> -> memref<32x128xf32, #tpu.memory_space<vmem>>
        %dma_start3A_1605 = arith.constant 0 : i32
        %dma_start3A_1606 = tpu.memref_slice %arg3[%dma_start3A_1605, %multiple_of3A_1598] : memref<32x1000000xf32, #tpu.memory_space<hbm>> -> memref<32x128xf32, #tpu.memory_space<hbm>>
        %dma_start3A_1607 = arith.constant 0 : i32
        %dma_start3A_1608 = arith.constant 0 : i32
        %dma_start3A_1609 = tpu.memref_slice %arg6[%dma_start3A_1599, %dma_start3A_1600, %dma_start3A_1607, %dma_start3A_1608] : memref<3x8x32x128xf32, #tpu.memory_space<vmem>> -> memref<1x1x32x128xf32, #tpu.memory_space<vmem>>
        %dma_start3A_1610 = tpu.memref_squeeze %dma_start3A_1609 : memref<1x1x32x128xf32, #tpu.memory_space<vmem>> -> memref<32x128xf32, #tpu.memory_space<vmem>>
        %dma_start3A_1611 = arith.constant 0 : i32
        %dma_start3A_1612 = tpu.memref_slice %arg3[%dma_start3A_1611, %multiple_of3A_1598] : memref<32x1000000xf32, #tpu.memory_space<hbm>> -> memref<32x128xf32, #tpu.memory_space<hbm>>
        tpu.enqueue_dma source(%dma_start3A_1612 : memref<32x128xf32, #tpu.memory_space<hbm>>) target(%dma_start3A_1610 : memref<32x128xf32, #tpu.memory_space<vmem>>) target_semaphore(%arg8 : memref<!tpu.dma_semaphore, #tpu.memory_space<semaphore_mem>>)
        %slice3A_1613 = vector.extract_strided_slice %get3A_1517 {offsets = [5], sizes = [1], strides = [1]} : vector<16xi32> to vector<1xi32>
        %squeeze3A_1614 = vector.extract %slice3A_1613[0] : i32 from vector<1xi32>
        %and3A_1615 = arith.constant -128 : i32
        %and3A_1616 = arith.andi %squeeze3A_1614, %and3A_1615 : i32
        %multiple_of3A_1617 = tpu.assume_multiple %and3A_1616, 128 : i32
        %dma_start3A_1618 = arith.constant 0 : i32
        %dma_start3A_1619 = arith.constant 5 : i32
        %dma_start3A_1620 = arith.constant 0 : i32
        %dma_start3A_1621 = arith.constant 0 : i32
        %dma_start3A_1622 = tpu.memref_slice %arg6[%dma_start3A_1618, %dma_start3A_1619, %dma_start3A_1620, %dma_start3A_1621] : memref<3x8x32x128xf32, #tpu.memory_space<vmem>> -> memref<1x1x32x128xf32, #tpu.memory_space<vmem>>
        %dma_start3A_1623 = tpu.memref_squeeze %dma_start3A_1622 : memref<1x1x32x128xf32, #tpu.memory_space<vmem>> -> memref<32x128xf32, #tpu.memory_space<vmem>>
        %dma_start3A_1624 = arith.constant 0 : i32
        %dma_start3A_1625 = tpu.memref_slice %arg3[%dma_start3A_1624, %multiple_of3A_1617] : memref<32x1000000xf32, #tpu.memory_space<hbm>> -> memref<32x128xf32, #tpu.memory_space<hbm>>
        %dma_start3A_1626 = arith.constant 0 : i32
        %dma_start3A_1627 = arith.constant 0 : i32
        %dma_start3A_1628 = tpu.memref_slice %arg6[%dma_start3A_1618, %dma_start3A_1619, %dma_start3A_1626, %dma_start3A_1627] : memref<3x8x32x128xf32, #tpu.memory_space<vmem>> -> memref<1x1x32x128xf32, #tpu.memory_space<vmem>>
        %dma_start3A_1629 = tpu.memref_squeeze %dma_start3A_1628 : memref<1x1x32x128xf32, #tpu.memory_space<vmem>> -> memref<32x128xf32, #tpu.memory_space<vmem>>
        %dma_start3A_1630 = arith.constant 0 : i32
        %dma_start3A_1631 = tpu.memref_slice %arg3[%dma_start3A_1630, %multiple_of3A_1617] : memref<32x1000000xf32, #tpu.memory_space<hbm>> -> memref<32x128xf32, #tpu.memory_space<hbm>>
        tpu.enqueue_dma source(%dma_start3A_1631 : memref<32x128xf32, #tpu.memory_space<hbm>>) target(%dma_start3A_1629 : memref<32x128xf32, #tpu.memory_space<vmem>>) target_semaphore(%arg8 : memref<!tpu.dma_semaphore, #tpu.memory_space<semaphore_mem>>)
        %slice3A_1632 = vector.extract_strided_slice %get3A_1517 {offsets = [6], sizes = [1], strides = [1]} : vector<16xi32> to vector<1xi32>
        %squeeze3A_1633 = vector.extract %slice3A_1632[0] : i32 from vector<1xi32>
        %and3A_1634 = arith.constant -128 : i32
        %and3A_1635 = arith.andi %squeeze3A_1633, %and3A_1634 : i32
        %multiple_of3A_1636 = tpu.assume_multiple %and3A_1635, 128 : i32
        %dma_start3A_1637 = arith.constant 0 : i32
        %dma_start3A_1638 = arith.constant 6 : i32
        %dma_start3A_1639 = arith.constant 0 : i32
        %dma_start3A_1640 = arith.constant 0 : i32
        %dma_start3A_1641 = tpu.memref_slice %arg6[%dma_start3A_1637, %dma_start3A_1638, %dma_start3A_1639, %dma_start3A_1640] : memref<3x8x32x128xf32, #tpu.memory_space<vmem>> -> memref<1x1x32x128xf32, #tpu.memory_space<vmem>>
        %dma_start3A_1642 = tpu.memref_squeeze %dma_start3A_1641 : memref<1x1x32x128xf32, #tpu.memory_space<vmem>> -> memref<32x128xf32, #tpu.memory_space<vmem>>
        %dma_start3A_1643 = arith.constant 0 : i32
        %dma_start3A_1644 = tpu.memref_slice %arg3[%dma_start3A_1643, %multiple_of3A_1636] : memref<32x1000000xf32, #tpu.memory_space<hbm>> -> memref<32x128xf32, #tpu.memory_space<hbm>>
        %dma_start3A_1645 = arith.constant 0 : i32
        %dma_start3A_1646 = arith.constant 0 : i32
        %dma_start3A_1647 = tpu.memref_slice %arg6[%dma_start3A_1637, %dma_start3A_1638, %dma_start3A_1645, %dma_start3A_1646] : memref<3x8x32x128xf32, #tpu.memory_space<vmem>> -> memref<1x1x32x128xf32, #tpu.memory_space<vmem>>
        %dma_start3A_1648 = tpu.memref_squeeze %dma_start3A_1647 : memref<1x1x32x128xf32, #tpu.memory_space<vmem>> -> memref<32x128xf32, #tpu.memory_space<vmem>>
        %dma_start3A_1649 = arith.constant 0 : i32
        %dma_start3A_1650 = tpu.memref_slice %arg3[%dma_start3A_1649, %multiple_of3A_1636] : memref<32x1000000xf32, #tpu.memory_space<hbm>> -> memref<32x128xf32, #tpu.memory_space<hbm>>
        tpu.enqueue_dma source(%dma_start3A_1650 : memref<32x128xf32, #tpu.memory_space<hbm>>) target(%dma_start3A_1648 : memref<32x128xf32, #tpu.memory_space<vmem>>) target_semaphore(%arg8 : memref<!tpu.dma_semaphore, #tpu.memory_space<semaphore_mem>>)
        %slice3A_1651 = vector.extract_strided_slice %get3A_1517 {offsets = [7], sizes = [1], strides = [1]} : vector<16xi32> to vector<1xi32>
        %squeeze3A_1652 = vector.extract %slice3A_1651[0] : i32 from vector<1xi32>
        %and3A_1653 = arith.constant -128 : i32
        %and3A_1654 = arith.andi %squeeze3A_1652, %and3A_1653 : i32
        %multiple_of3A_1655 = tpu.assume_multiple %and3A_1654, 128 : i32
        %dma_start3A_1656 = arith.constant 0 : i32
        %dma_start3A_1657 = arith.constant 7 : i32
        %dma_start3A_1658 = arith.constant 0 : i32
        %dma_start3A_1659 = arith.constant 0 : i32
        %dma_start3A_1660 = tpu.memref_slice %arg6[%dma_start3A_1656, %dma_start3A_1657, %dma_start3A_1658, %dma_start3A_1659] : memref<3x8x32x128xf32, #tpu.memory_space<vmem>> -> memref<1x1x32x128xf32, #tpu.memory_space<vmem>>
        %dma_start3A_1661 = tpu.memref_squeeze %dma_start3A_1660 : memref<1x1x32x128xf32, #tpu.memory_space<vmem>> -> memref<32x128xf32, #tpu.memory_space<vmem>>
        %dma_start3A_1662 = arith.constant 0 : i32
        %dma_start3A_1663 = tpu.memref_slice %arg3[%dma_start3A_1662, %multiple_of3A_1655] : memref<32x1000000xf32, #tpu.memory_space<hbm>> -> memref<32x128xf32, #tpu.memory_space<hbm>>
        %dma_start3A_1664 = arith.constant 0 : i32
        %dma_start3A_1665 = arith.constant 0 : i32
        %dma_start3A_1666 = tpu.memref_slice %arg6[%dma_start3A_1656, %dma_start3A_1657, %dma_start3A_1664, %dma_start3A_1665] : memref<3x8x32x128xf32, #tpu.memory_space<vmem>> -> memref<1x1x32x128xf32, #tpu.memory_space<vmem>>
        %dma_start3A_1667 = tpu.memref_squeeze %dma_start3A_1666 : memref<1x1x32x128xf32, #tpu.memory_space<vmem>> -> memref<32x128xf32, #tpu.memory_space<vmem>>
        %dma_start3A_1668 = arith.constant 0 : i32
        %dma_start3A_1669 = tpu.memref_slice %arg3[%dma_start3A_1668, %multiple_of3A_1655] : memref<32x1000000xf32, #tpu.memory_space<hbm>> -> memref<32x128xf32, #tpu.memory_space<hbm>>
        tpu.enqueue_dma source(%dma_start3A_1669 : memref<32x128xf32, #tpu.memory_space<hbm>>) target(%dma_start3A_1667 : memref<32x128xf32, #tpu.memory_space<vmem>>) target_semaphore(%arg8 : memref<!tpu.dma_semaphore, #tpu.memory_space<semaphore_mem>>)
      } else {
      }
      %dma_wait3A_909 = arith.constant 1 : i32
      %dma_wait3A_910 = arith.constant 0 : i32
      %dma_wait3A_911 = arith.constant 0 : i32
      %dma_wait3A_912 = arith.constant 0 : i32
      %dma_wait3A_913 = tpu.memref_slice %arg6[%dma_wait3A_909, %dma_wait3A_910, %dma_wait3A_911, %dma_wait3A_912] : memref<3x8x32x128xf32, #tpu.memory_space<vmem>> -> memref<1x1x32x128xf32, #tpu.memory_space<vmem>>
      %dma_wait3A_914 = tpu.memref_squeeze %dma_wait3A_913 : memref<1x1x32x128xf32, #tpu.memory_space<vmem>> -> memref<32x128xf32, #tpu.memory_space<vmem>>
      %dma_wait3A_915 = arith.constant 0 : i32
      %dma_wait3A_916 = arith.constant 0 : i32
      %dma_wait3A_917 = tpu.memref_slice %arg3[%dma_wait3A_915, %dma_wait3A_916] : memref<32x1000000xf32, #tpu.memory_space<hbm>> -> memref<32x128xf32, #tpu.memory_space<hbm>>
      %dma_wait3A_918 = arith.constant 0 : i32
      %dma_wait3A_919 = arith.constant 0 : i32
      %dma_wait3A_920 = tpu.memref_slice %arg6[%dma_wait3A_909, %dma_wait3A_910, %dma_wait3A_918, %dma_wait3A_919] : memref<3x8x32x128xf32, #tpu.memory_space<vmem>> -> memref<1x1x32x128xf32, #tpu.memory_space<vmem>>
      %dma_wait3A_921 = tpu.memref_squeeze %dma_wait3A_920 : memref<1x1x32x128xf32, #tpu.memory_space<vmem>> -> memref<32x128xf32, #tpu.memory_space<vmem>>
      %dma_wait3A_922 = arith.constant 0 : i32
      %dma_wait3A_923 = arith.constant 0 : i32
      %dma_wait3A_924 = tpu.memref_slice %arg3[%dma_wait3A_922, %dma_wait3A_923] : memref<32x1000000xf32, #tpu.memory_space<hbm>> -> memref<32x128xf32, #tpu.memory_space<hbm>>
      tpu.wait_dma2 semaphore(%arg9 : memref<!tpu.dma_semaphore, #tpu.memory_space<semaphore_mem>>) src(%dma_wait3A_924 : memref<32x128xf32, #tpu.memory_space<hbm>>) dst(%dma_wait3A_921 : memref<32x128xf32, #tpu.memory_space<vmem>>)
      %dma_wait3A_925 = arith.constant 1 : i32
      %dma_wait3A_926 = arith.constant 1 : i32
      %dma_wait3A_927 = arith.constant 0 : i32
      %dma_wait3A_928 = arith.constant 0 : i32
      %dma_wait3A_929 = tpu.memref_slice %arg6[%dma_wait3A_925, %dma_wait3A_926, %dma_wait3A_927, %dma_wait3A_928] : memref<3x8x32x128xf32, #tpu.memory_space<vmem>> -> memref<1x1x32x128xf32, #tpu.memory_space<vmem>>
      %dma_wait3A_930 = tpu.memref_squeeze %dma_wait3A_929 : memref<1x1x32x128xf32, #tpu.memory_space<vmem>> -> memref<32x128xf32, #tpu.memory_space<vmem>>
      %dma_wait3A_931 = arith.constant 0 : i32
      %dma_wait3A_932 = arith.constant 0 : i32
      %dma_wait3A_933 = tpu.memref_slice %arg3[%dma_wait3A_931, %dma_wait3A_932] : memref<32x1000000xf32, #tpu.memory_space<hbm>> -> memref<32x128xf32, #tpu.memory_space<hbm>>
      %dma_wait3A_934 = arith.constant 0 : i32
      %dma_wait3A_935 = arith.constant 0 : i32
      %dma_wait3A_936 = tpu.memref_slice %arg6[%dma_wait3A_925, %dma_wait3A_926, %dma_wait3A_934, %dma_wait3A_935] : memref<3x8x32x128xf32, #tpu.memory_space<vmem>> -> memref<1x1x32x128xf32, #tpu.memory_space<vmem>>
      %dma_wait3A_937 = tpu.memref_squeeze %dma_wait3A_936 : memref<1x1x32x128xf32, #tpu.memory_space<vmem>> -> memref<32x128xf32, #tpu.memory_space<vmem>>
      %dma_wait3A_938 = arith.constant 0 : i32
      %dma_wait3A_939 = arith.constant 0 : i32
      %dma_wait3A_940 = tpu.memref_slice %arg3[%dma_wait3A_938, %dma_wait3A_939] : memref<32x1000000xf32, #tpu.memory_space<hbm>> -> memref<32x128xf32, #tpu.memory_space<hbm>>
      tpu.wait_dma2 semaphore(%arg9 : memref<!tpu.dma_semaphore, #tpu.memory_space<semaphore_mem>>) src(%dma_wait3A_940 : memref<32x128xf32, #tpu.memory_space<hbm>>) dst(%dma_wait3A_937 : memref<32x128xf32, #tpu.memory_space<vmem>>)
      %dma_wait3A_941 = arith.constant 1 : i32
      %dma_wait3A_942 = arith.constant 2 : i32
      %dma_wait3A_943 = arith.constant 0 : i32
      %dma_wait3A_944 = arith.constant 0 : i32
      %dma_wait3A_945 = tpu.memref_slice %arg6[%dma_wait3A_941, %dma_wait3A_942, %dma_wait3A_943, %dma_wait3A_944] : memref<3x8x32x128xf32, #tpu.memory_space<vmem>> -> memref<1x1x32x128xf32, #tpu.memory_space<vmem>>
      %dma_wait3A_946 = tpu.memref_squeeze %dma_wait3A_945 : memref<1x1x32x128xf32, #tpu.memory_space<vmem>> -> memref<32x128xf32, #tpu.memory_space<vmem>>
      %dma_wait3A_947 = arith.constant 0 : i32
      %dma_wait3A_948 = arith.constant 0 : i32
      %dma_wait3A_949 = tpu.memref_slice %arg3[%dma_wait3A_947, %dma_wait3A_948] : memref<32x1000000xf32, #tpu.memory_space<hbm>> -> memref<32x128xf32, #tpu.memory_space<hbm>>
      %dma_wait3A_950 = arith.constant 0 : i32
      %dma_wait3A_951 = arith.constant 0 : i32
      %dma_wait3A_952 = tpu.memref_slice %arg6[%dma_wait3A_941, %dma_wait3A_942, %dma_wait3A_950, %dma_wait3A_951] : memref<3x8x32x128xf32, #tpu.memory_space<vmem>> -> memref<1x1x32x128xf32, #tpu.memory_space<vmem>>
      %dma_wait3A_953 = tpu.memref_squeeze %dma_wait3A_952 : memref<1x1x32x128xf32, #tpu.memory_space<vmem>> -> memref<32x128xf32, #tpu.memory_space<vmem>>
      %dma_wait3A_954 = arith.constant 0 : i32
      %dma_wait3A_955 = arith.constant 0 : i32
      %dma_wait3A_956 = tpu.memref_slice %arg3[%dma_wait3A_954, %dma_wait3A_955] : memref<32x1000000xf32, #tpu.memory_space<hbm>> -> memref<32x128xf32, #tpu.memory_space<hbm>>
      tpu.wait_dma2 semaphore(%arg9 : memref<!tpu.dma_semaphore, #tpu.memory_space<semaphore_mem>>) src(%dma_wait3A_956 : memref<32x128xf32, #tpu.memory_space<hbm>>) dst(%dma_wait3A_953 : memref<32x128xf32, #tpu.memory_space<vmem>>)
      %dma_wait3A_957 = arith.constant 1 : i32
      %dma_wait3A_958 = arith.constant 3 : i32
      %dma_wait3A_959 = arith.constant 0 : i32
      %dma_wait3A_960 = arith.constant 0 : i32
      %dma_wait3A_961 = tpu.memref_slice %arg6[%dma_wait3A_957, %dma_wait3A_958, %dma_wait3A_959, %dma_wait3A_960] : memref<3x8x32x128xf32, #tpu.memory_space<vmem>> -> memref<1x1x32x128xf32, #tpu.memory_space<vmem>>
      %dma_wait3A_962 = tpu.memref_squeeze %dma_wait3A_961 : memref<1x1x32x128xf32, #tpu.memory_space<vmem>> -> memref<32x128xf32, #tpu.memory_space<vmem>>
      %dma_wait3A_963 = arith.constant 0 : i32
      %dma_wait3A_964 = arith.constant 0 : i32
      %dma_wait3A_965 = tpu.memref_slice %arg3[%dma_wait3A_963, %dma_wait3A_964] : memref<32x1000000xf32, #tpu.memory_space<hbm>> -> memref<32x128xf32, #tpu.memory_space<hbm>>
      %dma_wait3A_966 = arith.constant 0 : i32
      %dma_wait3A_967 = arith.constant 0 : i32
      %dma_wait3A_968 = tpu.memref_slice %arg6[%dma_wait3A_957, %dma_wait3A_958, %dma_wait3A_966, %dma_wait3A_967] : memref<3x8x32x128xf32, #tpu.memory_space<vmem>> -> memref<1x1x32x128xf32, #tpu.memory_space<vmem>>
      %dma_wait3A_969 = tpu.memref_squeeze %dma_wait3A_968 : memref<1x1x32x128xf32, #tpu.memory_space<vmem>> -> memref<32x128xf32, #tpu.memory_space<vmem>>
      %dma_wait3A_970 = arith.constant 0 : i32
      %dma_wait3A_971 = arith.constant 0 : i32
      %dma_wait3A_972 = tpu.memref_slice %arg3[%dma_wait3A_970, %dma_wait3A_971] : memref<32x1000000xf32, #tpu.memory_space<hbm>> -> memref<32x128xf32, #tpu.memory_space<hbm>>
      tpu.wait_dma2 semaphore(%arg9 : memref<!tpu.dma_semaphore, #tpu.memory_space<semaphore_mem>>) src(%dma_wait3A_972 : memref<32x128xf32, #tpu.memory_space<hbm>>) dst(%dma_wait3A_969 : memref<32x128xf32, #tpu.memory_space<vmem>>)
      %dma_wait3A_973 = arith.constant 1 : i32
      %dma_wait3A_974 = arith.constant 4 : i32
      %dma_wait3A_975 = arith.constant 0 : i32
      %dma_wait3A_976 = arith.constant 0 : i32
      %dma_wait3A_977 = tpu.memref_slice %arg6[%dma_wait3A_973, %dma_wait3A_974, %dma_wait3A_975, %dma_wait3A_976] : memref<3x8x32x128xf32, #tpu.memory_space<vmem>> -> memref<1x1x32x128xf32, #tpu.memory_space<vmem>>
      %dma_wait3A_978 = tpu.memref_squeeze %dma_wait3A_977 : memref<1x1x32x128xf32, #tpu.memory_space<vmem>> -> memref<32x128xf32, #tpu.memory_space<vmem>>
      %dma_wait3A_979 = arith.constant 0 : i32
      %dma_wait3A_980 = arith.constant 0 : i32
      %dma_wait3A_981 = tpu.memref_slice %arg3[%dma_wait3A_979, %dma_wait3A_980] : memref<32x1000000xf32, #tpu.memory_space<hbm>> -> memref<32x128xf32, #tpu.memory_space<hbm>>
      %dma_wait3A_982 = arith.constant 0 : i32
      %dma_wait3A_983 = arith.constant 0 : i32
      %dma_wait3A_984 = tpu.memref_slice %arg6[%dma_wait3A_973, %dma_wait3A_974, %dma_wait3A_982, %dma_wait3A_983] : memref<3x8x32x128xf32, #tpu.memory_space<vmem>> -> memref<1x1x32x128xf32, #tpu.memory_space<vmem>>
      %dma_wait3A_985 = tpu.memref_squeeze %dma_wait3A_984 : memref<1x1x32x128xf32, #tpu.memory_space<vmem>> -> memref<32x128xf32, #tpu.memory_space<vmem>>
      %dma_wait3A_986 = arith.constant 0 : i32
      %dma_wait3A_987 = arith.constant 0 : i32
      %dma_wait3A_988 = tpu.memref_slice %arg3[%dma_wait3A_986, %dma_wait3A_987] : memref<32x1000000xf32, #tpu.memory_space<hbm>> -> memref<32x128xf32, #tpu.memory_space<hbm>>
      tpu.wait_dma2 semaphore(%arg9 : memref<!tpu.dma_semaphore, #tpu.memory_space<semaphore_mem>>) src(%dma_wait3A_988 : memref<32x128xf32, #tpu.memory_space<hbm>>) dst(%dma_wait3A_985 : memref<32x128xf32, #tpu.memory_space<vmem>>)
      %dma_wait3A_989 = arith.constant 1 : i32
      %dma_wait3A_990 = arith.constant 5 : i32
      %dma_wait3A_991 = arith.constant 0 : i32
      %dma_wait3A_992 = arith.constant 0 : i32
      %dma_wait3A_993 = tpu.memref_slice %arg6[%dma_wait3A_989, %dma_wait3A_990, %dma_wait3A_991, %dma_wait3A_992] : memref<3x8x32x128xf32, #tpu.memory_space<vmem>> -> memref<1x1x32x128xf32, #tpu.memory_space<vmem>>
      %dma_wait3A_994 = tpu.memref_squeeze %dma_wait3A_993 : memref<1x1x32x128xf32, #tpu.memory_space<vmem>> -> memref<32x128xf32, #tpu.memory_space<vmem>>
      %dma_wait3A_995 = arith.constant 0 : i32
      %dma_wait3A_996 = arith.constant 0 : i32
      %dma_wait3A_997 = tpu.memref_slice %arg3[%dma_wait3A_995, %dma_wait3A_996] : memref<32x1000000xf32, #tpu.memory_space<hbm>> -> memref<32x128xf32, #tpu.memory_space<hbm>>
      %dma_wait3A_998 = arith.constant 0 : i32
      %dma_wait3A_999 = arith.constant 0 : i32
      %dma_wait3A_1000 = tpu.memref_slice %arg6[%dma_wait3A_989, %dma_wait3A_990, %dma_wait3A_998, %dma_wait3A_999] : memref<3x8x32x128xf32, #tpu.memory_space<vmem>> -> memref<1x1x32x128xf32, #tpu.memory_space<vmem>>
      %dma_wait3A_1001 = tpu.memref_squeeze %dma_wait3A_1000 : memref<1x1x32x128xf32, #tpu.memory_space<vmem>> -> memref<32x128xf32, #tpu.memory_space<vmem>>
      %dma_wait3A_1002 = arith.constant 0 : i32
      %dma_wait3A_1003 = arith.constant 0 : i32
      %dma_wait3A_1004 = tpu.memref_slice %arg3[%dma_wait3A_1002, %dma_wait3A_1003] : memref<32x1000000xf32, #tpu.memory_space<hbm>> -> memref<32x128xf32, #tpu.memory_space<hbm>>
      tpu.wait_dma2 semaphore(%arg9 : memref<!tpu.dma_semaphore, #tpu.memory_space<semaphore_mem>>) src(%dma_wait3A_1004 : memref<32x128xf32, #tpu.memory_space<hbm>>) dst(%dma_wait3A_1001 : memref<32x128xf32, #tpu.memory_space<vmem>>)
      %dma_wait3A_1005 = arith.constant 1 : i32
      %dma_wait3A_1006 = arith.constant 6 : i32
      %dma_wait3A_1007 = arith.constant 0 : i32
      %dma_wait3A_1008 = arith.constant 0 : i32
      %dma_wait3A_1009 = tpu.memref_slice %arg6[%dma_wait3A_1005, %dma_wait3A_1006, %dma_wait3A_1007, %dma_wait3A_1008] : memref<3x8x32x128xf32, #tpu.memory_space<vmem>> -> memref<1x1x32x128xf32, #tpu.memory_space<vmem>>
      %dma_wait3A_1010 = tpu.memref_squeeze %dma_wait3A_1009 : memref<1x1x32x128xf32, #tpu.memory_space<vmem>> -> memref<32x128xf32, #tpu.memory_space<vmem>>
      %dma_wait3A_1011 = arith.constant 0 : i32
      %dma_wait3A_1012 = arith.constant 0 : i32
      %dma_wait3A_1013 = tpu.memref_slice %arg3[%dma_wait3A_1011, %dma_wait3A_1012] : memref<32x1000000xf32, #tpu.memory_space<hbm>> -> memref<32x128xf32, #tpu.memory_space<hbm>>
      %dma_wait3A_1014 = arith.constant 0 : i32
      %dma_wait3A_1015 = arith.constant 0 : i32
      %dma_wait3A_1016 = tpu.memref_slice %arg6[%dma_wait3A_1005, %dma_wait3A_1006, %dma_wait3A_1014, %dma_wait3A_1015] : memref<3x8x32x128xf32, #tpu.memory_space<vmem>> -> memref<1x1x32x128xf32, #tpu.memory_space<vmem>>
      %dma_wait3A_1017 = tpu.memref_squeeze %dma_wait3A_1016 : memref<1x1x32x128xf32, #tpu.memory_space<vmem>> -> memref<32x128xf32, #tpu.memory_space<vmem>>
      %dma_wait3A_1018 = arith.constant 0 : i32
      %dma_wait3A_1019 = arith.constant 0 : i32
      %dma_wait3A_1020 = tpu.memref_slice %arg3[%dma_wait3A_1018, %dma_wait3A_1019] : memref<32x1000000xf32, #tpu.memory_space<hbm>> -> memref<32x128xf32, #tpu.memory_space<hbm>>
      tpu.wait_dma2 semaphore(%arg9 : memref<!tpu.dma_semaphore, #tpu.memory_space<semaphore_mem>>) src(%dma_wait3A_1020 : memref<32x128xf32, #tpu.memory_space<hbm>>) dst(%dma_wait3A_1017 : memref<32x128xf32, #tpu.memory_space<vmem>>)
      %dma_wait3A_1021 = arith.constant 1 : i32
      %dma_wait3A_1022 = arith.constant 7 : i32
      %dma_wait3A_1023 = arith.constant 0 : i32
      %dma_wait3A_1024 = arith.constant 0 : i32
      %dma_wait3A_1025 = tpu.memref_slice %arg6[%dma_wait3A_1021, %dma_wait3A_1022, %dma_wait3A_1023, %dma_wait3A_1024] : memref<3x8x32x128xf32, #tpu.memory_space<vmem>> -> memref<1x1x32x128xf32, #tpu.memory_space<vmem>>
      %dma_wait3A_1026 = tpu.memref_squeeze %dma_wait3A_1025 : memref<1x1x32x128xf32, #tpu.memory_space<vmem>> -> memref<32x128xf32, #tpu.memory_space<vmem>>
      %dma_wait3A_1027 = arith.constant 0 : i32
      %dma_wait3A_1028 = arith.constant 0 : i32
      %dma_wait3A_1029 = tpu.memref_slice %arg3[%dma_wait3A_1027, %dma_wait3A_1028] : memref<32x1000000xf32, #tpu.memory_space<hbm>> -> memref<32x128xf32, #tpu.memory_space<hbm>>
      %dma_wait3A_1030 = arith.constant 0 : i32
      %dma_wait3A_1031 = arith.constant 0 : i32
      %dma_wait3A_1032 = tpu.memref_slice %arg6[%dma_wait3A_1021, %dma_wait3A_1022, %dma_wait3A_1030, %dma_wait3A_1031] : memref<3x8x32x128xf32, #tpu.memory_space<vmem>> -> memref<1x1x32x128xf32, #tpu.memory_space<vmem>>
      %dma_wait3A_1033 = tpu.memref_squeeze %dma_wait3A_1032 : memref<1x1x32x128xf32, #tpu.memory_space<vmem>> -> memref<32x128xf32, #tpu.memory_space<vmem>>
      %dma_wait3A_1034 = arith.constant 0 : i32
      %dma_wait3A_1035 = arith.constant 0 : i32
      %dma_wait3A_1036 = tpu.memref_slice %arg3[%dma_wait3A_1034, %dma_wait3A_1035] : memref<32x1000000xf32, #tpu.memory_space<hbm>> -> memref<32x128xf32, #tpu.memory_space<hbm>>
      tpu.wait_dma2 semaphore(%arg9 : memref<!tpu.dma_semaphore, #tpu.memory_space<semaphore_mem>>) src(%dma_wait3A_1036 : memref<32x128xf32, #tpu.memory_space<hbm>>) dst(%dma_wait3A_1033 : memref<32x128xf32, #tpu.memory_space<vmem>>)
      %mul3A_1037 = arith.constant 8 : i32
      %mul3A_1038 = arith.muli %add3A_901, %mul3A_1037 : i32
      %get3A_1039 = arith.index_cast %mul3A_1038 : i32 to index
      %get3A_1040 = tpu.vector_load %arg5[%get3A_1039] {strides = array<i32>} : memref<528xi32, #tpu.memory_space<vmem>>, vector<16xi32>,
      %and3A_1041 = arith.constant 127 : i32
      %and3A_1042 = vector.broadcast %and3A_1041 : i32 to vector<16xi32>
      %and3A_1043 = arith.andi %get3A_1040, %and3A_1042 : vector<16xi32>
      %mul3A_1044 = arith.constant 8 : i32
      %mul3A_1045 = arith.muli %add3A_901, %mul3A_1044 : i32
      %slice3A_1046 = vector.extract_strided_slice %and3A_1043 {offsets = [0], sizes = [1], strides = [1]} : vector<16xi32> to vector<1xi32>
      %squeeze3A_1047 = vector.extract %slice3A_1046[0] : i32 from vector<1xi32>
      %broadcast_in_dim3A_1048 = vector.broadcast %squeeze3A_1047 : i32 to vector<16xi32>
      %add3A_1049 = arith.constant 0 : i32
      %add3A_1050 = arith.addi %mul3A_1045, %add3A_1049 : i32
      %broadcast_in_dim3A_1051 = vector.broadcast %add3A_1050 : i32 to vector<16xi32>
      %gather3A_1052 = arith.constant 1 : i32
      %gather3A_1053 = arith.constant 0 : i32
      %gather3A_1054 = arith.constant 0 : i32
      %gather3A_1055 = arith.constant 0 : i32
      %gather3A_1056 = tpu.memref_slice %arg6[%gather3A_1052, %gather3A_1053, %gather3A_1054, %gather3A_1055] : memref<3x8x32x128xf32, #tpu.memory_space<vmem>> -> memref<1x1x32x128xf32, #tpu.memory_space<vmem>>
      %gather3A_1057 = tpu.memref_squeeze %gather3A_1056 : memref<1x1x32x128xf32, #tpu.memory_space<vmem>> -> memref<32x128xf32, #tpu.memory_space<vmem>>
      %gather3A_1058 = tpu.vector_load_idx %gather3A_1057[%iota3A, %broadcast_in_dim3A_1048] : memref<32x128xf32, #tpu.memory_space<vmem>>[vector<16xi32>, vector<16xi32>], vector<16xf32>,
      %gather3A_1059 = arith.constant 1 : i32
      %gather3A_1060 = arith.constant 0 : i32
      %gather3A_1061 = arith.constant 0 : i32
      %gather3A_1062 = arith.constant 0 : i32
      %gather3A_1063 = tpu.memref_slice %arg6[%gather3A_1059, %gather3A_1060, %gather3A_1061, %gather3A_1062] : memref<3x8x32x128xf32, #tpu.memory_space<vmem>> -> memref<1x1x32x128xf32, #tpu.memory_space<vmem>>
      %gather3A_1064 = tpu.memref_squeeze %gather3A_1063 : memref<1x1x32x128xf32, #tpu.memory_space<vmem>> -> memref<32x128xf32, #tpu.memory_space<vmem>>
      %gather3A_1065 = tpu.vector_load_idx %gather3A_1064[%add3A_5, %broadcast_in_dim3A_1048] : memref<32x128xf32, #tpu.memory_space<vmem>>[vector<16xi32>, vector<16xi32>], vector<16xf32>,
      tpu.vector_store_idx %arg7[%iota3A, %broadcast_in_dim3A_1051], %gather3A_1058 : memref<32x512xf32, #tpu.memory_space<vmem>>[vector<16xi32>, vector<16xi32>], vector<16xf32>,
      tpu.vector_store_idx %arg7[%add3A_5, %broadcast_in_dim3A_1051], %gather3A_1065 : memref<32x512xf32, #tpu.memory_space<vmem>>[vector<16xi32>, vector<16xi32>], vector<16xf32>,
      %slice3A_1066 = vector.extract_strided_slice %and3A_1043 {offsets = [1], sizes = [1], strides = [1]} : vector<16xi32> to vector<1xi32>
      %squeeze3A_1067 = vector.extract %slice3A_1066[0] : i32 from vector<1xi32>
      %broadcast_in_dim3A_1068 = vector.broadcast %squeeze3A_1067 : i32 to vector<16xi32>
      %add3A_1069 = arith.constant 1 : i32
      %add3A_1070 = arith.addi %mul3A_1045, %add3A_1069 : i32
      %broadcast_in_dim3A_1071 = vector.broadcast %add3A_1070 : i32 to vector<16xi32>
      %gather3A_1072 = arith.constant 1 : i32
      %gather3A_1073 = arith.constant 1 : i32
      %gather3A_1074 = arith.constant 0 : i32
      %gather3A_1075 = arith.constant 0 : i32
      %gather3A_1076 = tpu.memref_slice %arg6[%gather3A_1072, %gather3A_1073, %gather3A_1074, %gather3A_1075] : memref<3x8x32x128xf32, #tpu.memory_space<vmem>> -> memref<1x1x32x128xf32, #tpu.memory_space<vmem>>
      %gather3A_1077 = tpu.memref_squeeze %gather3A_1076 : memref<1x1x32x128xf32, #tpu.memory_space<vmem>> -> memref<32x128xf32, #tpu.memory_space<vmem>>
      %gather3A_1078 = tpu.vector_load_idx %gather3A_1077[%iota3A, %broadcast_in_dim3A_1068] : memref<32x128xf32, #tpu.memory_space<vmem>>[vector<16xi32>, vector<16xi32>], vector<16xf32>,
      %gather3A_1079 = arith.constant 1 : i32
      %gather3A_1080 = arith.constant 1 : i32
      %gather3A_1081 = arith.constant 0 : i32
      %gather3A_1082 = arith.constant 0 : i32
      %gather3A_1083 = tpu.memref_slice %arg6[%gather3A_1079, %gather3A_1080, %gather3A_1081, %gather3A_1082] : memref<3x8x32x128xf32, #tpu.memory_space<vmem>> -> memref<1x1x32x128xf32, #tpu.memory_space<vmem>>
      %gather3A_1084 = tpu.memref_squeeze %gather3A_1083 : memref<1x1x32x128xf32, #tpu.memory_space<vmem>> -> memref<32x128xf32, #tpu.memory_space<vmem>>
      %gather3A_1085 = tpu.vector_load_idx %gather3A_1084[%add3A_5, %broadcast_in_dim3A_1068] : memref<32x128xf32, #tpu.memory_space<vmem>>[vector<16xi32>, vector<16xi32>], vector<16xf32>,
      tpu.vector_store_idx %arg7[%iota3A, %broadcast_in_dim3A_1071], %gather3A_1078 : memref<32x512xf32, #tpu.memory_space<vmem>>[vector<16xi32>, vector<16xi32>], vector<16xf32>,
      tpu.vector_store_idx %arg7[%add3A_5, %broadcast_in_dim3A_1071], %gather3A_1085 : memref<32x512xf32, #tpu.memory_space<vmem>>[vector<16xi32>, vector<16xi32>], vector<16xf32>,
      %slice3A_1086 = vector.extract_strided_slice %and3A_1043 {offsets = [2], sizes = [1], strides = [1]} : vector<16xi32> to vector<1xi32>
      %squeeze3A_1087 = vector.extract %slice3A_1086[0] : i32 from vector<1xi32>
      %broadcast_in_dim3A_1088 = vector.broadcast %squeeze3A_1087 : i32 to vector<16xi32>
      %add3A_1089 = arith.constant 2 : i32
      %add3A_1090 = arith.addi %mul3A_1045, %add3A_1089 : i32
      %broadcast_in_dim3A_1091 = vector.broadcast %add3A_1090 : i32 to vector<16xi32>
      %gather3A_1092 = arith.constant 1 : i32
      %gather3A_1093 = arith.constant 2 : i32
      %gather3A_1094 = arith.constant 0 : i32
      %gather3A_1095 = arith.constant 0 : i32
      %gather3A_1096 = tpu.memref_slice %arg6[%gather3A_1092, %gather3A_1093, %gather3A_1094, %gather3A_1095] : memref<3x8x32x128xf32, #tpu.memory_space<vmem>> -> memref<1x1x32x128xf32, #tpu.memory_space<vmem>>
      %gather3A_1097 = tpu.memref_squeeze %gather3A_1096 : memref<1x1x32x128xf32, #tpu.memory_space<vmem>> -> memref<32x128xf32, #tpu.memory_space<vmem>>
      %gather3A_1098 = tpu.vector_load_idx %gather3A_1097[%iota3A, %broadcast_in_dim3A_1088] : memref<32x128xf32, #tpu.memory_space<vmem>>[vector<16xi32>, vector<16xi32>], vector<16xf32>,
      %gather3A_1099 = arith.constant 1 : i32
      %gather3A_1100 = arith.constant 2 : i32
      %gather3A_1101 = arith.constant 0 : i32
      %gather3A_1102 = arith.constant 0 : i32
      %gather3A_1103 = tpu.memref_slice %arg6[%gather3A_1099, %gather3A_1100, %gather3A_1101, %gather3A_1102] : memref<3x8x32x128xf32, #tpu.memory_space<vmem>> -> memref<1x1x32x128xf32, #tpu.memory_space<vmem>>
      %gather3A_1104 = tpu.memref_squeeze %gather3A_1103 : memref<1x1x32x128xf32, #tpu.memory_space<vmem>> -> memref<32x128xf32, #tpu.memory_space<vmem>>
      %gather3A_1105 = tpu.vector_load_idx %gather3A_1104[%add3A_5, %broadcast_in_dim3A_1088] : memref<32x128xf32, #tpu.memory_space<vmem>>[vector<16xi32>, vector<16xi32>], vector<16xf32>,
      tpu.vector_store_idx %arg7[%iota3A, %broadcast_in_dim3A_1091], %gather3A_1098 : memref<32x512xf32, #tpu.memory_space<vmem>>[vector<16xi32>, vector<16xi32>], vector<16xf32>,
      tpu.vector_store_idx %arg7[%add3A_5, %broadcast_in_dim3A_1091], %gather3A_1105 : memref<32x512xf32, #tpu.memory_space<vmem>>[vector<16xi32>, vector<16xi32>], vector<16xf32>,
      %slice3A_1106 = vector.extract_strided_slice %and3A_1043 {offsets = [3], sizes = [1], strides = [1]} : vector<16xi32> to vector<1xi32>
      %squeeze3A_1107 = vector.extract %slice3A_1106[0] : i32 from vector<1xi32>
      %broadcast_in_dim3A_1108 = vector.broadcast %squeeze3A_1107 : i32 to vector<16xi32>
      %add3A_1109 = arith.constant 3 : i32
      %add3A_1110 = arith.addi %mul3A_1045, %add3A_1109 : i32
      %broadcast_in_dim3A_1111 = vector.broadcast %add3A_1110 : i32 to vector<16xi32>
      %gather3A_1112 = arith.constant 1 : i32
      %gather3A_1113 = arith.constant 3 : i32
      %gather3A_1114 = arith.constant 0 : i32
      %gather3A_1115 = arith.constant 0 : i32
      %gather3A_1116 = tpu.memref_slice %arg6[%gather3A_1112, %gather3A_1113, %gather3A_1114, %gather3A_1115] : memref<3x8x32x128xf32, #tpu.memory_space<vmem>> -> memref<1x1x32x128xf32, #tpu.memory_space<vmem>>
      %gather3A_1117 = tpu.memref_squeeze %gather3A_1116 : memref<1x1x32x128xf32, #tpu.memory_space<vmem>> -> memref<32x128xf32, #tpu.memory_space<vmem>>
      %gather3A_1118 = tpu.vector_load_idx %gather3A_1117[%iota3A, %broadcast_in_dim3A_1108] : memref<32x128xf32, #tpu.memory_space<vmem>>[vector<16xi32>, vector<16xi32>], vector<16xf32>,
      %gather3A_1119 = arith.constant 1 : i32
      %gather3A_1120 = arith.constant 3 : i32
      %gather3A_1121 = arith.constant 0 : i32
      %gather3A_1122 = arith.constant 0 : i32
      %gather3A_1123 = tpu.memref_slice %arg6[%gather3A_1119, %gather3A_1120, %gather3A_1121, %gather3A_1122] : memref<3x8x32x128xf32, #tpu.memory_space<vmem>> -> memref<1x1x32x128xf32, #tpu.memory_space<vmem>>
      %gather3A_1124 = tpu.memref_squeeze %gather3A_1123 : memref<1x1x32x128xf32, #tpu.memory_space<vmem>> -> memref<32x128xf32, #tpu.memory_space<vmem>>
      %gather3A_1125 = tpu.vector_load_idx %gather3A_1124[%add3A_5, %broadcast_in_dim3A_1108] : memref<32x128xf32, #tpu.memory_space<vmem>>[vector<16xi32>, vector<16xi32>], vector<16xf32>,
      tpu.vector_store_idx %arg7[%iota3A, %broadcast_in_dim3A_1111], %gather3A_1118 : memref<32x512xf32, #tpu.memory_space<vmem>>[vector<16xi32>, vector<16xi32>], vector<16xf32>,
      tpu.vector_store_idx %arg7[%add3A_5, %broadcast_in_dim3A_1111], %gather3A_1125 : memref<32x512xf32, #tpu.memory_space<vmem>>[vector<16xi32>, vector<16xi32>], vector<16xf32>,
      %slice3A_1126 = vector.extract_strided_slice %and3A_1043 {offsets = [4], sizes = [1], strides = [1]} : vector<16xi32> to vector<1xi32>
      %squeeze3A_1127 = vector.extract %slice3A_1126[0] : i32 from vector<1xi32>
      %broadcast_in_dim3A_1128 = vector.broadcast %squeeze3A_1127 : i32 to vector<16xi32>
      %add3A_1129 = arith.constant 4 : i32
      %add3A_1130 = arith.addi %mul3A_1045, %add3A_1129 : i32
      %broadcast_in_dim3A_1131 = vector.broadcast %add3A_1130 : i32 to vector<16xi32>
      %gather3A_1132 = arith.constant 1 : i32
      %gather3A_1133 = arith.constant 4 : i32
      %gather3A_1134 = arith.constant 0 : i32
      %gather3A_1135 = arith.constant 0 : i32
      %gather3A_1136 = tpu.memref_slice %arg6[%gather3A_1132, %gather3A_1133, %gather3A_1134, %gather3A_1135] : memref<3x8x32x128xf32, #tpu.memory_space<vmem>> -> memref<1x1x32x128xf32, #tpu.memory_space<vmem>>
      %gather3A_1137 = tpu.memref_squeeze %gather3A_1136 : memref<1x1x32x128xf32, #tpu.memory_space<vmem>> -> memref<32x128xf32, #tpu.memory_space<vmem>>
      %gather3A_1138 = tpu.vector_load_idx %gather3A_1137[%iota3A, %broadcast_in_dim3A_1128] : memref<32x128xf32, #tpu.memory_space<vmem>>[vector<16xi32>, vector<16xi32>], vector<16xf32>,
      %gather3A_1139 = arith.constant 1 : i32
      %gather3A_1140 = arith.constant 4 : i32
      %gather3A_1141 = arith.constant 0 : i32
      %gather3A_1142 = arith.constant 0 : i32
      %gather3A_1143 = tpu.memref_slice %arg6[%gather3A_1139, %gather3A_1140, %gather3A_1141, %gather3A_1142] : memref<3x8x32x128xf32, #tpu.memory_space<vmem>> -> memref<1x1x32x128xf32, #tpu.memory_space<vmem>>
      %gather3A_1144 = tpu.memref_squeeze %gather3A_1143 : memref<1x1x32x128xf32, #tpu.memory_space<vmem>> -> memref<32x128xf32, #tpu.memory_space<vmem>>
      %gather3A_1145 = tpu.vector_load_idx %gather3A_1144[%add3A_5, %broadcast_in_dim3A_1128] : memref<32x128xf32, #tpu.memory_space<vmem>>[vector<16xi32>, vector<16xi32>], vector<16xf32>,
      tpu.vector_store_idx %arg7[%iota3A, %broadcast_in_dim3A_1131], %gather3A_1138 : memref<32x512xf32, #tpu.memory_space<vmem>>[vector<16xi32>, vector<16xi32>], vector<16xf32>,
      tpu.vector_store_idx %arg7[%add3A_5, %broadcast_in_dim3A_1131], %gather3A_1145 : memref<32x512xf32, #tpu.memory_space<vmem>>[vector<16xi32>, vector<16xi32>], vector<16xf32>,
      %slice3A_1146 = vector.extract_strided_slice %and3A_1043 {offsets = [5], sizes = [1], strides = [1]} : vector<16xi32> to vector<1xi32>
      %squeeze3A_1147 = vector.extract %slice3A_1146[0] : i32 from vector<1xi32>
      %broadcast_in_dim3A_1148 = vector.broadcast %squeeze3A_1147 : i32 to vector<16xi32>
      %add3A_1149 = arith.constant 5 : i32
      %add3A_1150 = arith.addi %mul3A_1045, %add3A_1149 : i32
      %broadcast_in_dim3A_1151 = vector.broadcast %add3A_1150 : i32 to vector<16xi32>
      %gather3A_1152 = arith.constant 1 : i32
      %gather3A_1153 = arith.constant 5 : i32
      %gather3A_1154 = arith.constant 0 : i32
      %gather3A_1155 = arith.constant 0 : i32
      %gather3A_1156 = tpu.memref_slice %arg6[%gather3A_1152, %gather3A_1153, %gather3A_1154, %gather3A_1155] : memref<3x8x32x128xf32, #tpu.memory_space<vmem>> -> memref<1x1x32x128xf32, #tpu.memory_space<vmem>>
      %gather3A_1157 = tpu.memref_squeeze %gather3A_1156 : memref<1x1x32x128xf32, #tpu.memory_space<vmem>> -> memref<32x128xf32, #tpu.memory_space<vmem>>
      %gather3A_1158 = tpu.vector_load_idx %gather3A_1157[%iota3A, %broadcast_in_dim3A_1148] : memref<32x128xf32, #tpu.memory_space<vmem>>[vector<16xi32>, vector<16xi32>], vector<16xf32>,
      %gather3A_1159 = arith.constant 1 : i32
      %gather3A_1160 = arith.constant 5 : i32
      %gather3A_1161 = arith.constant 0 : i32
      %gather3A_1162 = arith.constant 0 : i32
      %gather3A_1163 = tpu.memref_slice %arg6[%gather3A_1159, %gather3A_1160, %gather3A_1161, %gather3A_1162] : memref<3x8x32x128xf32, #tpu.memory_space<vmem>> -> memref<1x1x32x128xf32, #tpu.memory_space<vmem>>
      %gather3A_1164 = tpu.memref_squeeze %gather3A_1163 : memref<1x1x32x128xf32, #tpu.memory_space<vmem>> -> memref<32x128xf32, #tpu.memory_space<vmem>>
      %gather3A_1165 = tpu.vector_load_idx %gather3A_1164[%add3A_5, %broadcast_in_dim3A_1148] : memref<32x128xf32, #tpu.memory_space<vmem>>[vector<16xi32>, vector<16xi32>], vector<16xf32>,
      tpu.vector_store_idx %arg7[%iota3A, %broadcast_in_dim3A_1151], %gather3A_1158 : memref<32x512xf32, #tpu.memory_space<vmem>>[vector<16xi32>, vector<16xi32>], vector<16xf32>,
      tpu.vector_store_idx %arg7[%add3A_5, %broadcast_in_dim3A_1151], %gather3A_1165 : memref<32x512xf32, #tpu.memory_space<vmem>>[vector<16xi32>, vector<16xi32>], vector<16xf32>,
      %slice3A_1166 = vector.extract_strided_slice %and3A_1043 {offsets = [6], sizes = [1], strides = [1]} : vector<16xi32> to vector<1xi32>
      %squeeze3A_1167 = vector.extract %slice3A_1166[0] : i32 from vector<1xi32>
      %broadcast_in_dim3A_1168 = vector.broadcast %squeeze3A_1167 : i32 to vector<16xi32>
      %add3A_1169 = arith.constant 6 : i32
      %add3A_1170 = arith.addi %mul3A_1045, %add3A_1169 : i32
      %broadcast_in_dim3A_1171 = vector.broadcast %add3A_1170 : i32 to vector<16xi32>
      %gather3A_1172 = arith.constant 1 : i32
      %gather3A_1173 = arith.constant 6 : i32
      %gather3A_1174 = arith.constant 0 : i32
      %gather3A_1175 = arith.constant 0 : i32
      %gather3A_1176 = tpu.memref_slice %arg6[%gather3A_1172, %gather3A_1173, %gather3A_1174, %gather3A_1175] : memref<3x8x32x128xf32, #tpu.memory_space<vmem>> -> memref<1x1x32x128xf32, #tpu.memory_space<vmem>>
      %gather3A_1177 = tpu.memref_squeeze %gather3A_1176 : memref<1x1x32x128xf32, #tpu.memory_space<vmem>> -> memref<32x128xf32, #tpu.memory_space<vmem>>
      %gather3A_1178 = tpu.vector_load_idx %gather3A_1177[%iota3A, %broadcast_in_dim3A_1168] : memref<32x128xf32, #tpu.memory_space<vmem>>[vector<16xi32>, vector<16xi32>], vector<16xf32>,
      %gather3A_1179 = arith.constant 1 : i32
      %gather3A_1180 = arith.constant 6 : i32
      %gather3A_1181 = arith.constant 0 : i32
      %gather3A_1182 = arith.constant 0 : i32
      %gather3A_1183 = tpu.memref_slice %arg6[%gather3A_1179, %gather3A_1180, %gather3A_1181, %gather3A_1182] : memref<3x8x32x128xf32, #tpu.memory_space<vmem>> -> memref<1x1x32x128xf32, #tpu.memory_space<vmem>>
      %gather3A_1184 = tpu.memref_squeeze %gather3A_1183 : memref<1x1x32x128xf32, #tpu.memory_space<vmem>> -> memref<32x128xf32, #tpu.memory_space<vmem>>
      %gather3A_1185 = tpu.vector_load_idx %gather3A_1184[%add3A_5, %broadcast_in_dim3A_1168] : memref<32x128xf32, #tpu.memory_space<vmem>>[vector<16xi32>, vector<16xi32>], vector<16xf32>,
      tpu.vector_store_idx %arg7[%iota3A, %broadcast_in_dim3A_1171], %gather3A_1178 : memref<32x512xf32, #tpu.memory_space<vmem>>[vector<16xi32>, vector<16xi32>], vector<16xf32>,
      tpu.vector_store_idx %arg7[%add3A_5, %broadcast_in_dim3A_1171], %gather3A_1185 : memref<32x512xf32, #tpu.memory_space<vmem>>[vector<16xi32>, vector<16xi32>], vector<16xf32>,
      %slice3A_1186 = vector.extract_strided_slice %and3A_1043 {offsets = [7], sizes = [1], strides = [1]} : vector<16xi32> to vector<1xi32>
      %squeeze3A_1187 = vector.extract %slice3A_1186[0] : i32 from vector<1xi32>
      %broadcast_in_dim3A_1188 = vector.broadcast %squeeze3A_1187 : i32 to vector<16xi32>
      %add3A_1189 = arith.constant 7 : i32
      %add3A_1190 = arith.addi %mul3A_1045, %add3A_1189 : i32
      %broadcast_in_dim3A_1191 = vector.broadcast %add3A_1190 : i32 to vector<16xi32>
      %gather3A_1192 = arith.constant 1 : i32
      %gather3A_1193 = arith.constant 7 : i32
      %gather3A_1194 = arith.constant 0 : i32
      %gather3A_1195 = arith.constant 0 : i32
      %gather3A_1196 = tpu.memref_slice %arg6[%gather3A_1192, %gather3A_1193, %gather3A_1194, %gather3A_1195] : memref<3x8x32x128xf32, #tpu.memory_space<vmem>> -> memref<1x1x32x128xf32, #tpu.memory_space<vmem>>
      %gather3A_1197 = tpu.memref_squeeze %gather3A_1196 : memref<1x1x32x128xf32, #tpu.memory_space<vmem>> -> memref<32x128xf32, #tpu.memory_space<vmem>>
      %gather3A_1198 = tpu.vector_load_idx %gather3A_1197[%iota3A, %broadcast_in_dim3A_1188] : memref<32x128xf32, #tpu.memory_space<vmem>>[vector<16xi32>, vector<16xi32>], vector<16xf32>,
      %gather3A_1199 = arith.constant 1 : i32
      %gather3A_1200 = arith.constant 7 : i32
      %gather3A_1201 = arith.constant 0 : i32
      %gather3A_1202 = arith.constant 0 : i32
      %gather3A_1203 = tpu.memref_slice %arg6[%gather3A_1199, %gather3A_1200, %gather3A_1201, %gather3A_1202] : memref<3x8x32x128xf32, #tpu.memory_space<vmem>> -> memref<1x1x32x128xf32, #tpu.memory_space<vmem>>
      %gather3A_1204 = tpu.memref_squeeze %gather3A_1203 : memref<1x1x32x128xf32, #tpu.memory_space<vmem>> -> memref<32x128xf32, #tpu.memory_space<vmem>>
      %gather3A_1205 = tpu.vector_load_idx %gather3A_1204[%add3A_5, %broadcast_in_dim3A_1188] : memref<32x128xf32, #tpu.memory_space<vmem>>[vector<16xi32>, vector<16xi32>], vector<16xf32>,
      tpu.vector_store_idx %arg7[%iota3A, %broadcast_in_dim3A_1191], %gather3A_1198 : memref<32x512xf32, #tpu.memory_space<vmem>>[vector<16xi32>, vector<16xi32>], vector<16xf32>,
      tpu.vector_store_idx %arg7[%add3A_5, %broadcast_in_dim3A_1191], %gather3A_1205 : memref<32x512xf32, #tpu.memory_space<vmem>>[vector<16xi32>, vector<16xi32>], vector<16xf32>,
      %add3A_1206 = arith.constant 2 : i32
      %add3A_1207 = arith.addi %mul3A_596, %add3A_1206 : i32
      %add3A_1208 = arith.constant 2 : i32
      %add3A_1209 = arith.addi %add3A_1207, %add3A_1208 : i32
      %lt3A_1210 = arith.constant 64 : i32
      %lt3A_1211 = arith.cmpi slt, %add3A_1209, %lt3A_1210 : i32
      %convert_element_type3A_1212 = arith.extui %lt3A_1211 : i1 to i32
      %cond3A_1213 = arith.constant 0 : i32
      %cond3A_1214 = arith.cmpi ne, %convert_element_type3A_1212, %cond3A_1213 : i32
      scf.if %cond3A_1214 {
        %add3A_1512 = arith.constant 2 : i32
        %add3A_1513 = arith.addi %add3A_1207, %add3A_1512 : i32
        %mul3A_1514 = arith.constant 8 : i32
        %mul3A_1515 = arith.muli %add3A_1513, %mul3A_1514 : i32
        %get3A_1516 = arith.index_cast %mul3A_1515 : i32 to index
        %get3A_1517 = tpu.vector_load %arg5[%get3A_1516] {strides = array<i32>} : memref<528xi32, #tpu.memory_space<vmem>>, vector<16xi32>,
        %slice3A_1518 = vector.extract_strided_slice %get3A_1517 {offsets = [0], sizes = [1], strides = [1]} : vector<16xi32> to vector<1xi32>
        %squeeze3A_1519 = vector.extract %slice3A_1518[0] : i32 from vector<1xi32>
        %and3A_1520 = arith.constant -128 : i32
        %and3A_1521 = arith.andi %squeeze3A_1519, %and3A_1520 : i32
        %multiple_of3A_1522 = tpu.assume_multiple %and3A_1521, 128 : i32
        %dma_start3A_1523 = arith.constant 1 : i32
        %dma_start3A_1524 = arith.constant 0 : i32
        %dma_start3A_1525 = arith.constant 0 : i32
        %dma_start3A_1526 = arith.constant 0 : i32
        %dma_start3A_1527 = tpu.memref_slice %arg6[%dma_start3A_1523, %dma_start3A_1524, %dma_start3A_1525, %dma_start3A_1526] : memref<3x8x32x128xf32, #tpu.memory_space<vmem>> -> memref<1x1x32x128xf32, #tpu.memory_space<vmem>>
        %dma_start3A_1528 = tpu.memref_squeeze %dma_start3A_1527 : memref<1x1x32x128xf32, #tpu.memory_space<vmem>> -> memref<32x128xf32, #tpu.memory_space<vmem>>
        %dma_start3A_1529 = arith.constant 0 : i32
        %dma_start3A_1530 = tpu.memref_slice %arg3[%dma_start3A_1529, %multiple_of3A_1522] : memref<32x1000000xf32, #tpu.memory_space<hbm>> -> memref<32x128xf32, #tpu.memory_space<hbm>>
        %dma_start3A_1531 = arith.constant 0 : i32
        %dma_start3A_1532 = arith.constant 0 : i32
        %dma_start3A_1533 = tpu.memref_slice %arg6[%dma_start3A_1523, %dma_start3A_1524, %dma_start3A_1531, %dma_start3A_1532] : memref<3x8x32x128xf32, #tpu.memory_space<vmem>> -> memref<1x1x32x128xf32, #tpu.memory_space<vmem>>
        %dma_start3A_1534 = tpu.memref_squeeze %dma_start3A_1533 : memref<1x1x32x128xf32, #tpu.memory_space<vmem>> -> memref<32x128xf32, #tpu.memory_space<vmem>>
        %dma_start3A_1535 = arith.constant 0 : i32
        %dma_start3A_1536 = tpu.memref_slice %arg3[%dma_start3A_1535, %multiple_of3A_1522] : memref<32x1000000xf32, #tpu.memory_space<hbm>> -> memref<32x128xf32, #tpu.memory_space<hbm>>
        tpu.enqueue_dma source(%dma_start3A_1536 : memref<32x128xf32, #tpu.memory_space<hbm>>) target(%dma_start3A_1534 : memref<32x128xf32, #tpu.memory_space<vmem>>) target_semaphore(%arg9 : memref<!tpu.dma_semaphore, #tpu.memory_space<semaphore_mem>>)
        %slice3A_1537 = vector.extract_strided_slice %get3A_1517 {offsets = [1], sizes = [1], strides = [1]} : vector<16xi32> to vector<1xi32>
        %squeeze3A_1538 = vector.extract %slice3A_1537[0] : i32 from vector<1xi32>
        %and3A_1539 = arith.constant -128 : i32
        %and3A_1540 = arith.andi %squeeze3A_1538, %and3A_1539 : i32
        %multiple_of3A_1541 = tpu.assume_multiple %and3A_1540, 128 : i32
        %dma_start3A_1542 = arith.constant 1 : i32
        %dma_start3A_1543 = arith.constant 1 : i32
        %dma_start3A_1544 = arith.constant 0 : i32
        %dma_start3A_1545 = arith.constant 0 : i32
        %dma_start3A_1546 = tpu.memref_slice %arg6[%dma_start3A_1542, %dma_start3A_1543, %dma_start3A_1544, %dma_start3A_1545] : memref<3x8x32x128xf32, #tpu.memory_space<vmem>> -> memref<1x1x32x128xf32, #tpu.memory_space<vmem>>
        %dma_start3A_1547 = tpu.memref_squeeze %dma_start3A_1546 : memref<1x1x32x128xf32, #tpu.memory_space<vmem>> -> memref<32x128xf32, #tpu.memory_space<vmem>>
        %dma_start3A_1548 = arith.constant 0 : i32
        %dma_start3A_1549 = tpu.memref_slice %arg3[%dma_start3A_1548, %multiple_of3A_1541] : memref<32x1000000xf32, #tpu.memory_space<hbm>> -> memref<32x128xf32, #tpu.memory_space<hbm>>
        %dma_start3A_1550 = arith.constant 0 : i32
        %dma_start3A_1551 = arith.constant 0 : i32
        %dma_start3A_1552 = tpu.memref_slice %arg6[%dma_start3A_1542, %dma_start3A_1543, %dma_start3A_1550, %dma_start3A_1551] : memref<3x8x32x128xf32, #tpu.memory_space<vmem>> -> memref<1x1x32x128xf32, #tpu.memory_space<vmem>>
        %dma_start3A_1553 = tpu.memref_squeeze %dma_start3A_1552 : memref<1x1x32x128xf32, #tpu.memory_space<vmem>> -> memref<32x128xf32, #tpu.memory_space<vmem>>
        %dma_start3A_1554 = arith.constant 0 : i32
        %dma_start3A_1555 = tpu.memref_slice %arg3[%dma_start3A_1554, %multiple_of3A_1541] : memref<32x1000000xf32, #tpu.memory_space<hbm>> -> memref<32x128xf32, #tpu.memory_space<hbm>>
        tpu.enqueue_dma source(%dma_start3A_1555 : memref<32x128xf32, #tpu.memory_space<hbm>>) target(%dma_start3A_1553 : memref<32x128xf32, #tpu.memory_space<vmem>>) target_semaphore(%arg9 : memref<!tpu.dma_semaphore, #tpu.memory_space<semaphore_mem>>)
        %slice3A_1556 = vector.extract_strided_slice %get3A_1517 {offsets = [2], sizes = [1], strides = [1]} : vector<16xi32> to vector<1xi32>
        %squeeze3A_1557 = vector.extract %slice3A_1556[0] : i32 from vector<1xi32>
        %and3A_1558 = arith.constant -128 : i32
        %and3A_1559 = arith.andi %squeeze3A_1557, %and3A_1558 : i32
        %multiple_of3A_1560 = tpu.assume_multiple %and3A_1559, 128 : i32
        %dma_start3A_1561 = arith.constant 1 : i32
        %dma_start3A_1562 = arith.constant 2 : i32
        %dma_start3A_1563 = arith.constant 0 : i32
        %dma_start3A_1564 = arith.constant 0 : i32
        %dma_start3A_1565 = tpu.memref_slice %arg6[%dma_start3A_1561, %dma_start3A_1562, %dma_start3A_1563, %dma_start3A_1564] : memref<3x8x32x128xf32, #tpu.memory_space<vmem>> -> memref<1x1x32x128xf32, #tpu.memory_space<vmem>>
        %dma_start3A_1566 = tpu.memref_squeeze %dma_start3A_1565 : memref<1x1x32x128xf32, #tpu.memory_space<vmem>> -> memref<32x128xf32, #tpu.memory_space<vmem>>
        %dma_start3A_1567 = arith.constant 0 : i32
        %dma_start3A_1568 = tpu.memref_slice %arg3[%dma_start3A_1567, %multiple_of3A_1560] : memref<32x1000000xf32, #tpu.memory_space<hbm>> -> memref<32x128xf32, #tpu.memory_space<hbm>>
        %dma_start3A_1569 = arith.constant 0 : i32
        %dma_start3A_1570 = arith.constant 0 : i32
        %dma_start3A_1571 = tpu.memref_slice %arg6[%dma_start3A_1561, %dma_start3A_1562, %dma_start3A_1569, %dma_start3A_1570] : memref<3x8x32x128xf32, #tpu.memory_space<vmem>> -> memref<1x1x32x128xf32, #tpu.memory_space<vmem>>
        %dma_start3A_1572 = tpu.memref_squeeze %dma_start3A_1571 : memref<1x1x32x128xf32, #tpu.memory_space<vmem>> -> memref<32x128xf32, #tpu.memory_space<vmem>>
        %dma_start3A_1573 = arith.constant 0 : i32
        %dma_start3A_1574 = tpu.memref_slice %arg3[%dma_start3A_1573, %multiple_of3A_1560] : memref<32x1000000xf32, #tpu.memory_space<hbm>> -> memref<32x128xf32, #tpu.memory_space<hbm>>
        tpu.enqueue_dma source(%dma_start3A_1574 : memref<32x128xf32, #tpu.memory_space<hbm>>) target(%dma_start3A_1572 : memref<32x128xf32, #tpu.memory_space<vmem>>) target_semaphore(%arg9 : memref<!tpu.dma_semaphore, #tpu.memory_space<semaphore_mem>>)
        %slice3A_1575 = vector.extract_strided_slice %get3A_1517 {offsets = [3], sizes = [1], strides = [1]} : vector<16xi32> to vector<1xi32>
        %squeeze3A_1576 = vector.extract %slice3A_1575[0] : i32 from vector<1xi32>
        %and3A_1577 = arith.constant -128 : i32
        %and3A_1578 = arith.andi %squeeze3A_1576, %and3A_1577 : i32
        %multiple_of3A_1579 = tpu.assume_multiple %and3A_1578, 128 : i32
        %dma_start3A_1580 = arith.constant 1 : i32
        %dma_start3A_1581 = arith.constant 3 : i32
        %dma_start3A_1582 = arith.constant 0 : i32
        %dma_start3A_1583 = arith.constant 0 : i32
        %dma_start3A_1584 = tpu.memref_slice %arg6[%dma_start3A_1580, %dma_start3A_1581, %dma_start3A_1582, %dma_start3A_1583] : memref<3x8x32x128xf32, #tpu.memory_space<vmem>> -> memref<1x1x32x128xf32, #tpu.memory_space<vmem>>
        %dma_start3A_1585 = tpu.memref_squeeze %dma_start3A_1584 : memref<1x1x32x128xf32, #tpu.memory_space<vmem>> -> memref<32x128xf32, #tpu.memory_space<vmem>>
        %dma_start3A_1586 = arith.constant 0 : i32
        %dma_start3A_1587 = tpu.memref_slice %arg3[%dma_start3A_1586, %multiple_of3A_1579] : memref<32x1000000xf32, #tpu.memory_space<hbm>> -> memref<32x128xf32, #tpu.memory_space<hbm>>
        %dma_start3A_1588 = arith.constant 0 : i32
        %dma_start3A_1589 = arith.constant 0 : i32
        %dma_start3A_1590 = tpu.memref_slice %arg6[%dma_start3A_1580, %dma_start3A_1581, %dma_start3A_1588, %dma_start3A_1589] : memref<3x8x32x128xf32, #tpu.memory_space<vmem>> -> memref<1x1x32x128xf32, #tpu.memory_space<vmem>>
        %dma_start3A_1591 = tpu.memref_squeeze %dma_start3A_1590 : memref<1x1x32x128xf32, #tpu.memory_space<vmem>> -> memref<32x128xf32, #tpu.memory_space<vmem>>
        %dma_start3A_1592 = arith.constant 0 : i32
        %dma_start3A_1593 = tpu.memref_slice %arg3[%dma_start3A_1592, %multiple_of3A_1579] : memref<32x1000000xf32, #tpu.memory_space<hbm>> -> memref<32x128xf32, #tpu.memory_space<hbm>>
        tpu.enqueue_dma source(%dma_start3A_1593 : memref<32x128xf32, #tpu.memory_space<hbm>>) target(%dma_start3A_1591 : memref<32x128xf32, #tpu.memory_space<vmem>>) target_semaphore(%arg9 : memref<!tpu.dma_semaphore, #tpu.memory_space<semaphore_mem>>)
        %slice3A_1594 = vector.extract_strided_slice %get3A_1517 {offsets = [4], sizes = [1], strides = [1]} : vector<16xi32> to vector<1xi32>
        %squeeze3A_1595 = vector.extract %slice3A_1594[0] : i32 from vector<1xi32>
        %and3A_1596 = arith.constant -128 : i32
        %and3A_1597 = arith.andi %squeeze3A_1595, %and3A_1596 : i32
        %multiple_of3A_1598 = tpu.assume_multiple %and3A_1597, 128 : i32
        %dma_start3A_1599 = arith.constant 1 : i32
        %dma_start3A_1600 = arith.constant 4 : i32
        %dma_start3A_1601 = arith.constant 0 : i32
        %dma_start3A_1602 = arith.constant 0 : i32
        %dma_start3A_1603 = tpu.memref_slice %arg6[%dma_start3A_1599, %dma_start3A_1600, %dma_start3A_1601, %dma_start3A_1602] : memref<3x8x32x128xf32, #tpu.memory_space<vmem>> -> memref<1x1x32x128xf32, #tpu.memory_space<vmem>>
        %dma_start3A_1604 = tpu.memref_squeeze %dma_start3A_1603 : memref<1x1x32x128xf32, #tpu.memory_space<vmem>> -> memref<32x128xf32, #tpu.memory_space<vmem>>
        %dma_start3A_1605 = arith.constant 0 : i32
        %dma_start3A_1606 = tpu.memref_slice %arg3[%dma_start3A_1605, %multiple_of3A_1598] : memref<32x1000000xf32, #tpu.memory_space<hbm>> -> memref<32x128xf32, #tpu.memory_space<hbm>>
        %dma_start3A_1607 = arith.constant 0 : i32
        %dma_start3A_1608 = arith.constant 0 : i32
        %dma_start3A_1609 = tpu.memref_slice %arg6[%dma_start3A_1599, %dma_start3A_1600, %dma_start3A_1607, %dma_start3A_1608] : memref<3x8x32x128xf32, #tpu.memory_space<vmem>> -> memref<1x1x32x128xf32, #tpu.memory_space<vmem>>
        %dma_start3A_1610 = tpu.memref_squeeze %dma_start3A_1609 : memref<1x1x32x128xf32, #tpu.memory_space<vmem>> -> memref<32x128xf32, #tpu.memory_space<vmem>>
        %dma_start3A_1611 = arith.constant 0 : i32
        %dma_start3A_1612 = tpu.memref_slice %arg3[%dma_start3A_1611, %multiple_of3A_1598] : memref<32x1000000xf32, #tpu.memory_space<hbm>> -> memref<32x128xf32, #tpu.memory_space<hbm>>
        tpu.enqueue_dma source(%dma_start3A_1612 : memref<32x128xf32, #tpu.memory_space<hbm>>) target(%dma_start3A_1610 : memref<32x128xf32, #tpu.memory_space<vmem>>) target_semaphore(%arg9 : memref<!tpu.dma_semaphore, #tpu.memory_space<semaphore_mem>>)
        %slice3A_1613 = vector.extract_strided_slice %get3A_1517 {offsets = [5], sizes = [1], strides = [1]} : vector<16xi32> to vector<1xi32>
        %squeeze3A_1614 = vector.extract %slice3A_1613[0] : i32 from vector<1xi32>
        %and3A_1615 = arith.constant -128 : i32
        %and3A_1616 = arith.andi %squeeze3A_1614, %and3A_1615 : i32
        %multiple_of3A_1617 = tpu.assume_multiple %and3A_1616, 128 : i32
        %dma_start3A_1618 = arith.constant 1 : i32
        %dma_start3A_1619 = arith.constant 5 : i32
        %dma_start3A_1620 = arith.constant 0 : i32
        %dma_start3A_1621 = arith.constant 0 : i32
        %dma_start3A_1622 = tpu.memref_slice %arg6[%dma_start3A_1618, %dma_start3A_1619, %dma_start3A_1620, %dma_start3A_1621] : memref<3x8x32x128xf32, #tpu.memory_space<vmem>> -> memref<1x1x32x128xf32, #tpu.memory_space<vmem>>
        %dma_start3A_1623 = tpu.memref_squeeze %dma_start3A_1622 : memref<1x1x32x128xf32, #tpu.memory_space<vmem>> -> memref<32x128xf32, #tpu.memory_space<vmem>>
        %dma_start3A_1624 = arith.constant 0 : i32
        %dma_start3A_1625 = tpu.memref_slice %arg3[%dma_start3A_1624, %multiple_of3A_1617] : memref<32x1000000xf32, #tpu.memory_space<hbm>> -> memref<32x128xf32, #tpu.memory_space<hbm>>
        %dma_start3A_1626 = arith.constant 0 : i32
        %dma_start3A_1627 = arith.constant 0 : i32
        %dma_start3A_1628 = tpu.memref_slice %arg6[%dma_start3A_1618, %dma_start3A_1619, %dma_start3A_1626, %dma_start3A_1627] : memref<3x8x32x128xf32, #tpu.memory_space<vmem>> -> memref<1x1x32x128xf32, #tpu.memory_space<vmem>>
        %dma_start3A_1629 = tpu.memref_squeeze %dma_start3A_1628 : memref<1x1x32x128xf32, #tpu.memory_space<vmem>> -> memref<32x128xf32, #tpu.memory_space<vmem>>
        %dma_start3A_1630 = arith.constant 0 : i32
        %dma_start3A_1631 = tpu.memref_slice %arg3[%dma_start3A_1630, %multiple_of3A_1617] : memref<32x1000000xf32, #tpu.memory_space<hbm>> -> memref<32x128xf32, #tpu.memory_space<hbm>>
        tpu.enqueue_dma source(%dma_start3A_1631 : memref<32x128xf32, #tpu.memory_space<hbm>>) target(%dma_start3A_1629 : memref<32x128xf32, #tpu.memory_space<vmem>>) target_semaphore(%arg9 : memref<!tpu.dma_semaphore, #tpu.memory_space<semaphore_mem>>)
        %slice3A_1632 = vector.extract_strided_slice %get3A_1517 {offsets = [6], sizes = [1], strides = [1]} : vector<16xi32> to vector<1xi32>
        %squeeze3A_1633 = vector.extract %slice3A_1632[0] : i32 from vector<1xi32>
        %and3A_1634 = arith.constant -128 : i32
        %and3A_1635 = arith.andi %squeeze3A_1633, %and3A_1634 : i32
        %multiple_of3A_1636 = tpu.assume_multiple %and3A_1635, 128 : i32
        %dma_start3A_1637 = arith.constant 1 : i32
        %dma_start3A_1638 = arith.constant 6 : i32
        %dma_start3A_1639 = arith.constant 0 : i32
        %dma_start3A_1640 = arith.constant 0 : i32
        %dma_start3A_1641 = tpu.memref_slice %arg6[%dma_start3A_1637, %dma_start3A_1638, %dma_start3A_1639, %dma_start3A_1640] : memref<3x8x32x128xf32, #tpu.memory_space<vmem>> -> memref<1x1x32x128xf32, #tpu.memory_space<vmem>>
        %dma_start3A_1642 = tpu.memref_squeeze %dma_start3A_1641 : memref<1x1x32x128xf32, #tpu.memory_space<vmem>> -> memref<32x128xf32, #tpu.memory_space<vmem>>
        %dma_start3A_1643 = arith.constant 0 : i32
        %dma_start3A_1644 = tpu.memref_slice %arg3[%dma_start3A_1643, %multiple_of3A_1636] : memref<32x1000000xf32, #tpu.memory_space<hbm>> -> memref<32x128xf32, #tpu.memory_space<hbm>>
        %dma_start3A_1645 = arith.constant 0 : i32
        %dma_start3A_1646 = arith.constant 0 : i32
        %dma_start3A_1647 = tpu.memref_slice %arg6[%dma_start3A_1637, %dma_start3A_1638, %dma_start3A_1645, %dma_start3A_1646] : memref<3x8x32x128xf32, #tpu.memory_space<vmem>> -> memref<1x1x32x128xf32, #tpu.memory_space<vmem>>
        %dma_start3A_1648 = tpu.memref_squeeze %dma_start3A_1647 : memref<1x1x32x128xf32, #tpu.memory_space<vmem>> -> memref<32x128xf32, #tpu.memory_space<vmem>>
        %dma_start3A_1649 = arith.constant 0 : i32
        %dma_start3A_1650 = tpu.memref_slice %arg3[%dma_start3A_1649, %multiple_of3A_1636] : memref<32x1000000xf32, #tpu.memory_space<hbm>> -> memref<32x128xf32, #tpu.memory_space<hbm>>
        tpu.enqueue_dma source(%dma_start3A_1650 : memref<32x128xf32, #tpu.memory_space<hbm>>) target(%dma_start3A_1648 : memref<32x128xf32, #tpu.memory_space<vmem>>) target_semaphore(%arg9 : memref<!tpu.dma_semaphore, #tpu.memory_space<semaphore_mem>>)
        %slice3A_1651 = vector.extract_strided_slice %get3A_1517 {offsets = [7], sizes = [1], strides = [1]} : vector<16xi32> to vector<1xi32>
        %squeeze3A_1652 = vector.extract %slice3A_1651[0] : i32 from vector<1xi32>
        %and3A_1653 = arith.constant -128 : i32
        %and3A_1654 = arith.andi %squeeze3A_1652, %and3A_1653 : i32
        %multiple_of3A_1655 = tpu.assume_multiple %and3A_1654, 128 : i32
        %dma_start3A_1656 = arith.constant 1 : i32
        %dma_start3A_1657 = arith.constant 7 : i32
        %dma_start3A_1658 = arith.constant 0 : i32
        %dma_start3A_1659 = arith.constant 0 : i32
        %dma_start3A_1660 = tpu.memref_slice %arg6[%dma_start3A_1656, %dma_start3A_1657, %dma_start3A_1658, %dma_start3A_1659] : memref<3x8x32x128xf32, #tpu.memory_space<vmem>> -> memref<1x1x32x128xf32, #tpu.memory_space<vmem>>
        %dma_start3A_1661 = tpu.memref_squeeze %dma_start3A_1660 : memref<1x1x32x128xf32, #tpu.memory_space<vmem>> -> memref<32x128xf32, #tpu.memory_space<vmem>>
        %dma_start3A_1662 = arith.constant 0 : i32
        %dma_start3A_1663 = tpu.memref_slice %arg3[%dma_start3A_1662, %multiple_of3A_1655] : memref<32x1000000xf32, #tpu.memory_space<hbm>> -> memref<32x128xf32, #tpu.memory_space<hbm>>
        %dma_start3A_1664 = arith.constant 0 : i32
        %dma_start3A_1665 = arith.constant 0 : i32
        %dma_start3A_1666 = tpu.memref_slice %arg6[%dma_start3A_1656, %dma_start3A_1657, %dma_start3A_1664, %dma_start3A_1665] : memref<3x8x32x128xf32, #tpu.memory_space<vmem>> -> memref<1x1x32x128xf32, #tpu.memory_space<vmem>>
        %dma_start3A_1667 = tpu.memref_squeeze %dma_start3A_1666 : memref<1x1x32x128xf32, #tpu.memory_space<vmem>> -> memref<32x128xf32, #tpu.memory_space<vmem>>
        %dma_start3A_1668 = arith.constant 0 : i32
        %dma_start3A_1669 = tpu.memref_slice %arg3[%dma_start3A_1668, %multiple_of3A_1655] : memref<32x1000000xf32, #tpu.memory_space<hbm>> -> memref<32x128xf32, #tpu.memory_space<hbm>>
        tpu.enqueue_dma source(%dma_start3A_1669 : memref<32x128xf32, #tpu.memory_space<hbm>>) target(%dma_start3A_1667 : memref<32x128xf32, #tpu.memory_space<vmem>>) target_semaphore(%arg9 : memref<!tpu.dma_semaphore, #tpu.memory_space<semaphore_mem>>)
      } else {
      }
      %dma_wait3A_1215 = arith.constant 2 : i32
      %dma_wait3A_1216 = arith.constant 0 : i32
      %dma_wait3A_1217 = arith.constant 0 : i32
      %dma_wait3A_1218 = arith.constant 0 : i32
      %dma_wait3A_1219 = tpu.memref_slice %arg6[%dma_wait3A_1215, %dma_wait3A_1216, %dma_wait3A_1217, %dma_wait3A_1218] : memref<3x8x32x128xf32, #tpu.memory_space<vmem>> -> memref<1x1x32x128xf32, #tpu.memory_space<vmem>>
      %dma_wait3A_1220 = tpu.memref_squeeze %dma_wait3A_1219 : memref<1x1x32x128xf32, #tpu.memory_space<vmem>> -> memref<32x128xf32, #tpu.memory_space<vmem>>
      %dma_wait3A_1221 = arith.constant 0 : i32
      %dma_wait3A_1222 = arith.constant 0 : i32
      %dma_wait3A_1223 = tpu.memref_slice %arg3[%dma_wait3A_1221, %dma_wait3A_1222] : memref<32x1000000xf32, #tpu.memory_space<hbm>> -> memref<32x128xf32, #tpu.memory_space<hbm>>
      %dma_wait3A_1224 = arith.constant 0 : i32
      %dma_wait3A_1225 = arith.constant 0 : i32
      %dma_wait3A_1226 = tpu.memref_slice %arg6[%dma_wait3A_1215, %dma_wait3A_1216, %dma_wait3A_1224, %dma_wait3A_1225] : memref<3x8x32x128xf32, #tpu.memory_space<vmem>> -> memref<1x1x32x128xf32, #tpu.memory_space<vmem>>
      %dma_wait3A_1227 = tpu.memref_squeeze %dma_wait3A_1226 : memref<1x1x32x128xf32, #tpu.memory_space<vmem>> -> memref<32x128xf32, #tpu.memory_space<vmem>>
      %dma_wait3A_1228 = arith.constant 0 : i32
      %dma_wait3A_1229 = arith.constant 0 : i32
      %dma_wait3A_1230 = tpu.memref_slice %arg3[%dma_wait3A_1228, %dma_wait3A_1229] : memref<32x1000000xf32, #tpu.memory_space<hbm>> -> memref<32x128xf32, #tpu.memory_space<hbm>>
      tpu.wait_dma2 semaphore(%arg10 : memref<!tpu.dma_semaphore, #tpu.memory_space<semaphore_mem>>) src(%dma_wait3A_1230 : memref<32x128xf32, #tpu.memory_space<hbm>>) dst(%dma_wait3A_1227 : memref<32x128xf32, #tpu.memory_space<vmem>>)
      %dma_wait3A_1231 = arith.constant 2 : i32
      %dma_wait3A_1232 = arith.constant 1 : i32
      %dma_wait3A_1233 = arith.constant 0 : i32
      %dma_wait3A_1234 = arith.constant 0 : i32
      %dma_wait3A_1235 = tpu.memref_slice %arg6[%dma_wait3A_1231, %dma_wait3A_1232, %dma_wait3A_1233, %dma_wait3A_1234] : memref<3x8x32x128xf32, #tpu.memory_space<vmem>> -> memref<1x1x32x128xf32, #tpu.memory_space<vmem>>
      %dma_wait3A_1236 = tpu.memref_squeeze %dma_wait3A_1235 : memref<1x1x32x128xf32, #tpu.memory_space<vmem>> -> memref<32x128xf32, #tpu.memory_space<vmem>>
      %dma_wait3A_1237 = arith.constant 0 : i32
      %dma_wait3A_1238 = arith.constant 0 : i32
      %dma_wait3A_1239 = tpu.memref_slice %arg3[%dma_wait3A_1237, %dma_wait3A_1238] : memref<32x1000000xf32, #tpu.memory_space<hbm>> -> memref<32x128xf32, #tpu.memory_space<hbm>>
      %dma_wait3A_1240 = arith.constant 0 : i32
      %dma_wait3A_1241 = arith.constant 0 : i32
      %dma_wait3A_1242 = tpu.memref_slice %arg6[%dma_wait3A_1231, %dma_wait3A_1232, %dma_wait3A_1240, %dma_wait3A_1241] : memref<3x8x32x128xf32, #tpu.memory_space<vmem>> -> memref<1x1x32x128xf32, #tpu.memory_space<vmem>>
      %dma_wait3A_1243 = tpu.memref_squeeze %dma_wait3A_1242 : memref<1x1x32x128xf32, #tpu.memory_space<vmem>> -> memref<32x128xf32, #tpu.memory_space<vmem>>
      %dma_wait3A_1244 = arith.constant 0 : i32
      %dma_wait3A_1245 = arith.constant 0 : i32
      %dma_wait3A_1246 = tpu.memref_slice %arg3[%dma_wait3A_1244, %dma_wait3A_1245] : memref<32x1000000xf32, #tpu.memory_space<hbm>> -> memref<32x128xf32, #tpu.memory_space<hbm>>
      tpu.wait_dma2 semaphore(%arg10 : memref<!tpu.dma_semaphore, #tpu.memory_space<semaphore_mem>>) src(%dma_wait3A_1246 : memref<32x128xf32, #tpu.memory_space<hbm>>) dst(%dma_wait3A_1243 : memref<32x128xf32, #tpu.memory_space<vmem>>)
      %dma_wait3A_1247 = arith.constant 2 : i32
      %dma_wait3A_1248 = arith.constant 2 : i32
      %dma_wait3A_1249 = arith.constant 0 : i32
      %dma_wait3A_1250 = arith.constant 0 : i32
      %dma_wait3A_1251 = tpu.memref_slice %arg6[%dma_wait3A_1247, %dma_wait3A_1248, %dma_wait3A_1249, %dma_wait3A_1250] : memref<3x8x32x128xf32, #tpu.memory_space<vmem>> -> memref<1x1x32x128xf32, #tpu.memory_space<vmem>>
      %dma_wait3A_1252 = tpu.memref_squeeze %dma_wait3A_1251 : memref<1x1x32x128xf32, #tpu.memory_space<vmem>> -> memref<32x128xf32, #tpu.memory_space<vmem>>
      %dma_wait3A_1253 = arith.constant 0 : i32
      %dma_wait3A_1254 = arith.constant 0 : i32
      %dma_wait3A_1255 = tpu.memref_slice %arg3[%dma_wait3A_1253, %dma_wait3A_1254] : memref<32x1000000xf32, #tpu.memory_space<hbm>> -> memref<32x128xf32, #tpu.memory_space<hbm>>
      %dma_wait3A_1256 = arith.constant 0 : i32
      %dma_wait3A_1257 = arith.constant 0 : i32
      %dma_wait3A_1258 = tpu.memref_slice %arg6[%dma_wait3A_1247, %dma_wait3A_1248, %dma_wait3A_1256, %dma_wait3A_1257] : memref<3x8x32x128xf32, #tpu.memory_space<vmem>> -> memref<1x1x32x128xf32, #tpu.memory_space<vmem>>
      %dma_wait3A_1259 = tpu.memref_squeeze %dma_wait3A_1258 : memref<1x1x32x128xf32, #tpu.memory_space<vmem>> -> memref<32x128xf32, #tpu.memory_space<vmem>>
      %dma_wait3A_1260 = arith.constant 0 : i32
      %dma_wait3A_1261 = arith.constant 0 : i32
      %dma_wait3A_1262 = tpu.memref_slice %arg3[%dma_wait3A_1260, %dma_wait3A_1261] : memref<32x1000000xf32, #tpu.memory_space<hbm>> -> memref<32x128xf32, #tpu.memory_space<hbm>>
      tpu.wait_dma2 semaphore(%arg10 : memref<!tpu.dma_semaphore, #tpu.memory_space<semaphore_mem>>) src(%dma_wait3A_1262 : memref<32x128xf32, #tpu.memory_space<hbm>>) dst(%dma_wait3A_1259 : memref<32x128xf32, #tpu.memory_space<vmem>>)
      %dma_wait3A_1263 = arith.constant 2 : i32
      %dma_wait3A_1264 = arith.constant 3 : i32
      %dma_wait3A_1265 = arith.constant 0 : i32
      %dma_wait3A_1266 = arith.constant 0 : i32
      %dma_wait3A_1267 = tpu.memref_slice %arg6[%dma_wait3A_1263, %dma_wait3A_1264, %dma_wait3A_1265, %dma_wait3A_1266] : memref<3x8x32x128xf32, #tpu.memory_space<vmem>> -> memref<1x1x32x128xf32, #tpu.memory_space<vmem>>
      %dma_wait3A_1268 = tpu.memref_squeeze %dma_wait3A_1267 : memref<1x1x32x128xf32, #tpu.memory_space<vmem>> -> memref<32x128xf32, #tpu.memory_space<vmem>>
      %dma_wait3A_1269 = arith.constant 0 : i32
      %dma_wait3A_1270 = arith.constant 0 : i32
      %dma_wait3A_1271 = tpu.memref_slice %arg3[%dma_wait3A_1269, %dma_wait3A_1270] : memref<32x1000000xf32, #tpu.memory_space<hbm>> -> memref<32x128xf32, #tpu.memory_space<hbm>>
      %dma_wait3A_1272 = arith.constant 0 : i32
      %dma_wait3A_1273 = arith.constant 0 : i32
      %dma_wait3A_1274 = tpu.memref_slice %arg6[%dma_wait3A_1263, %dma_wait3A_1264, %dma_wait3A_1272, %dma_wait3A_1273] : memref<3x8x32x128xf32, #tpu.memory_space<vmem>> -> memref<1x1x32x128xf32, #tpu.memory_space<vmem>>
      %dma_wait3A_1275 = tpu.memref_squeeze %dma_wait3A_1274 : memref<1x1x32x128xf32, #tpu.memory_space<vmem>> -> memref<32x128xf32, #tpu.memory_space<vmem>>
      %dma_wait3A_1276 = arith.constant 0 : i32
      %dma_wait3A_1277 = arith.constant 0 : i32
      %dma_wait3A_1278 = tpu.memref_slice %arg3[%dma_wait3A_1276, %dma_wait3A_1277] : memref<32x1000000xf32, #tpu.memory_space<hbm>> -> memref<32x128xf32, #tpu.memory_space<hbm>>
      tpu.wait_dma2 semaphore(%arg10 : memref<!tpu.dma_semaphore, #tpu.memory_space<semaphore_mem>>) src(%dma_wait3A_1278 : memref<32x128xf32, #tpu.memory_space<hbm>>) dst(%dma_wait3A_1275 : memref<32x128xf32, #tpu.memory_space<vmem>>)
      %dma_wait3A_1279 = arith.constant 2 : i32
      %dma_wait3A_1280 = arith.constant 4 : i32
      %dma_wait3A_1281 = arith.constant 0 : i32
      %dma_wait3A_1282 = arith.constant 0 : i32
      %dma_wait3A_1283 = tpu.memref_slice %arg6[%dma_wait3A_1279, %dma_wait3A_1280, %dma_wait3A_1281, %dma_wait3A_1282] : memref<3x8x32x128xf32, #tpu.memory_space<vmem>> -> memref<1x1x32x128xf32, #tpu.memory_space<vmem>>
      %dma_wait3A_1284 = tpu.memref_squeeze %dma_wait3A_1283 : memref<1x1x32x128xf32, #tpu.memory_space<vmem>> -> memref<32x128xf32, #tpu.memory_space<vmem>>
      %dma_wait3A_1285 = arith.constant 0 : i32
      %dma_wait3A_1286 = arith.constant 0 : i32
      %dma_wait3A_1287 = tpu.memref_slice %arg3[%dma_wait3A_1285, %dma_wait3A_1286] : memref<32x1000000xf32, #tpu.memory_space<hbm>> -> memref<32x128xf32, #tpu.memory_space<hbm>>
      %dma_wait3A_1288 = arith.constant 0 : i32
      %dma_wait3A_1289 = arith.constant 0 : i32
      %dma_wait3A_1290 = tpu.memref_slice %arg6[%dma_wait3A_1279, %dma_wait3A_1280, %dma_wait3A_1288, %dma_wait3A_1289] : memref<3x8x32x128xf32, #tpu.memory_space<vmem>> -> memref<1x1x32x128xf32, #tpu.memory_space<vmem>>
      %dma_wait3A_1291 = tpu.memref_squeeze %dma_wait3A_1290 : memref<1x1x32x128xf32, #tpu.memory_space<vmem>> -> memref<32x128xf32, #tpu.memory_space<vmem>>
      %dma_wait3A_1292 = arith.constant 0 : i32
      %dma_wait3A_1293 = arith.constant 0 : i32
      %dma_wait3A_1294 = tpu.memref_slice %arg3[%dma_wait3A_1292, %dma_wait3A_1293] : memref<32x1000000xf32, #tpu.memory_space<hbm>> -> memref<32x128xf32, #tpu.memory_space<hbm>>
      tpu.wait_dma2 semaphore(%arg10 : memref<!tpu.dma_semaphore, #tpu.memory_space<semaphore_mem>>) src(%dma_wait3A_1294 : memref<32x128xf32, #tpu.memory_space<hbm>>) dst(%dma_wait3A_1291 : memref<32x128xf32, #tpu.memory_space<vmem>>)
      %dma_wait3A_1295 = arith.constant 2 : i32
      %dma_wait3A_1296 = arith.constant 5 : i32
      %dma_wait3A_1297 = arith.constant 0 : i32
      %dma_wait3A_1298 = arith.constant 0 : i32
      %dma_wait3A_1299 = tpu.memref_slice %arg6[%dma_wait3A_1295, %dma_wait3A_1296, %dma_wait3A_1297, %dma_wait3A_1298] : memref<3x8x32x128xf32, #tpu.memory_space<vmem>> -> memref<1x1x32x128xf32, #tpu.memory_space<vmem>>
      %dma_wait3A_1300 = tpu.memref_squeeze %dma_wait3A_1299 : memref<1x1x32x128xf32, #tpu.memory_space<vmem>> -> memref<32x128xf32, #tpu.memory_space<vmem>>
      %dma_wait3A_1301 = arith.constant 0 : i32
      %dma_wait3A_1302 = arith.constant 0 : i32
      %dma_wait3A_1303 = tpu.memref_slice %arg3[%dma_wait3A_1301, %dma_wait3A_1302] : memref<32x1000000xf32, #tpu.memory_space<hbm>> -> memref<32x128xf32, #tpu.memory_space<hbm>>
      %dma_wait3A_1304 = arith.constant 0 : i32
      %dma_wait3A_1305 = arith.constant 0 : i32
      %dma_wait3A_1306 = tpu.memref_slice %arg6[%dma_wait3A_1295, %dma_wait3A_1296, %dma_wait3A_1304, %dma_wait3A_1305] : memref<3x8x32x128xf32, #tpu.memory_space<vmem>> -> memref<1x1x32x128xf32, #tpu.memory_space<vmem>>
      %dma_wait3A_1307 = tpu.memref_squeeze %dma_wait3A_1306 : memref<1x1x32x128xf32, #tpu.memory_space<vmem>> -> memref<32x128xf32, #tpu.memory_space<vmem>>
      %dma_wait3A_1308 = arith.constant 0 : i32
      %dma_wait3A_1309 = arith.constant 0 : i32
      %dma_wait3A_1310 = tpu.memref_slice %arg3[%dma_wait3A_1308, %dma_wait3A_1309] : memref<32x1000000xf32, #tpu.memory_space<hbm>> -> memref<32x128xf32, #tpu.memory_space<hbm>>
      tpu.wait_dma2 semaphore(%arg10 : memref<!tpu.dma_semaphore, #tpu.memory_space<semaphore_mem>>) src(%dma_wait3A_1310 : memref<32x128xf32, #tpu.memory_space<hbm>>) dst(%dma_wait3A_1307 : memref<32x128xf32, #tpu.memory_space<vmem>>)
      %dma_wait3A_1311 = arith.constant 2 : i32
      %dma_wait3A_1312 = arith.constant 6 : i32
      %dma_wait3A_1313 = arith.constant 0 : i32
      %dma_wait3A_1314 = arith.constant 0 : i32
      %dma_wait3A_1315 = tpu.memref_slice %arg6[%dma_wait3A_1311, %dma_wait3A_1312, %dma_wait3A_1313, %dma_wait3A_1314] : memref<3x8x32x128xf32, #tpu.memory_space<vmem>> -> memref<1x1x32x128xf32, #tpu.memory_space<vmem>>
      %dma_wait3A_1316 = tpu.memref_squeeze %dma_wait3A_1315 : memref<1x1x32x128xf32, #tpu.memory_space<vmem>> -> memref<32x128xf32, #tpu.memory_space<vmem>>
      %dma_wait3A_1317 = arith.constant 0 : i32
      %dma_wait3A_1318 = arith.constant 0 : i32
      %dma_wait3A_1319 = tpu.memref_slice %arg3[%dma_wait3A_1317, %dma_wait3A_1318] : memref<32x1000000xf32, #tpu.memory_space<hbm>> -> memref<32x128xf32, #tpu.memory_space<hbm>>
      %dma_wait3A_1320 = arith.constant 0 : i32
      %dma_wait3A_1321 = arith.constant 0 : i32
      %dma_wait3A_1322 = tpu.memref_slice %arg6[%dma_wait3A_1311, %dma_wait3A_1312, %dma_wait3A_1320, %dma_wait3A_1321] : memref<3x8x32x128xf32, #tpu.memory_space<vmem>> -> memref<1x1x32x128xf32, #tpu.memory_space<vmem>>
      %dma_wait3A_1323 = tpu.memref_squeeze %dma_wait3A_1322 : memref<1x1x32x128xf32, #tpu.memory_space<vmem>> -> memref<32x128xf32, #tpu.memory_space<vmem>>
      %dma_wait3A_1324 = arith.constant 0 : i32
      %dma_wait3A_1325 = arith.constant 0 : i32
      %dma_wait3A_1326 = tpu.memref_slice %arg3[%dma_wait3A_1324, %dma_wait3A_1325] : memref<32x1000000xf32, #tpu.memory_space<hbm>> -> memref<32x128xf32, #tpu.memory_space<hbm>>
      tpu.wait_dma2 semaphore(%arg10 : memref<!tpu.dma_semaphore, #tpu.memory_space<semaphore_mem>>) src(%dma_wait3A_1326 : memref<32x128xf32, #tpu.memory_space<hbm>>) dst(%dma_wait3A_1323 : memref<32x128xf32, #tpu.memory_space<vmem>>)
      %dma_wait3A_1327 = arith.constant 2 : i32
      %dma_wait3A_1328 = arith.constant 7 : i32
      %dma_wait3A_1329 = arith.constant 0 : i32
      %dma_wait3A_1330 = arith.constant 0 : i32
      %dma_wait3A_1331 = tpu.memref_slice %arg6[%dma_wait3A_1327, %dma_wait3A_1328, %dma_wait3A_1329, %dma_wait3A_1330] : memref<3x8x32x128xf32, #tpu.memory_space<vmem>> -> memref<1x1x32x128xf32, #tpu.memory_space<vmem>>
      %dma_wait3A_1332 = tpu.memref_squeeze %dma_wait3A_1331 : memref<1x1x32x128xf32, #tpu.memory_space<vmem>> -> memref<32x128xf32, #tpu.memory_space<vmem>>
      %dma_wait3A_1333 = arith.constant 0 : i32
      %dma_wait3A_1334 = arith.constant 0 : i32
      %dma_wait3A_1335 = tpu.memref_slice %arg3[%dma_wait3A_1333, %dma_wait3A_1334] : memref<32x1000000xf32, #tpu.memory_space<hbm>> -> memref<32x128xf32, #tpu.memory_space<hbm>>
      %dma_wait3A_1336 = arith.constant 0 : i32
      %dma_wait3A_1337 = arith.constant 0 : i32
      %dma_wait3A_1338 = tpu.memref_slice %arg6[%dma_wait3A_1327, %dma_wait3A_1328, %dma_wait3A_1336, %dma_wait3A_1337] : memref<3x8x32x128xf32, #tpu.memory_space<vmem>> -> memref<1x1x32x128xf32, #tpu.memory_space<vmem>>
      %dma_wait3A_1339 = tpu.memref_squeeze %dma_wait3A_1338 : memref<1x1x32x128xf32, #tpu.memory_space<vmem>> -> memref<32x128xf32, #tpu.memory_space<vmem>>
      %dma_wait3A_1340 = arith.constant 0 : i32
      %dma_wait3A_1341 = arith.constant 0 : i32
      %dma_wait3A_1342 = tpu.memref_slice %arg3[%dma_wait3A_1340, %dma_wait3A_1341] : memref<32x1000000xf32, #tpu.memory_space<hbm>> -> memref<32x128xf32, #tpu.memory_space<hbm>>
      tpu.wait_dma2 semaphore(%arg10 : memref<!tpu.dma_semaphore, #tpu.memory_space<semaphore_mem>>) src(%dma_wait3A_1342 : memref<32x128xf32, #tpu.memory_space<hbm>>) dst(%dma_wait3A_1339 : memref<32x128xf32, #tpu.memory_space<vmem>>)
      %mul3A_1343 = arith.constant 8 : i32
      %mul3A_1344 = arith.muli %add3A_1207, %mul3A_1343 : i32
      %get3A_1345 = arith.index_cast %mul3A_1344 : i32 to index
      %get3A_1346 = tpu.vector_load %arg5[%get3A_1345] {strides = array<i32>} : memref<528xi32, #tpu.memory_space<vmem>>, vector<16xi32>,
      %and3A_1347 = arith.constant 127 : i32
      %and3A_1348 = vector.broadcast %and3A_1347 : i32 to vector<16xi32>
      %and3A_1349 = arith.andi %get3A_1346, %and3A_1348 : vector<16xi32>
      %mul3A_1350 = arith.constant 8 : i32
      %mul3A_1351 = arith.muli %add3A_1207, %mul3A_1350 : i32
      %slice3A_1352 = vector.extract_strided_slice %and3A_1349 {offsets = [0], sizes = [1], strides = [1]} : vector<16xi32> to vector<1xi32>
      %squeeze3A_1353 = vector.extract %slice3A_1352[0] : i32 from vector<1xi32>
      %broadcast_in_dim3A_1354 = vector.broadcast %squeeze3A_1353 : i32 to vector<16xi32>
      %add3A_1355 = arith.constant 0 : i32
      %add3A_1356 = arith.addi %mul3A_1351, %add3A_1355 : i32
      %broadcast_in_dim3A_1357 = vector.broadcast %add3A_1356 : i32 to vector<16xi32>
      %gather3A_1358 = arith.constant 2 : i32
      %gather3A_1359 = arith.constant 0 : i32
      %gather3A_1360 = arith.constant 0 : i32
      %gather3A_1361 = arith.constant 0 : i32
      %gather3A_1362 = tpu.memref_slice %arg6[%gather3A_1358, %gather3A_1359, %gather3A_1360, %gather3A_1361] : memref<3x8x32x128xf32, #tpu.memory_space<vmem>> -> memref<1x1x32x128xf32, #tpu.memory_space<vmem>>
      %gather3A_1363 = tpu.memref_squeeze %gather3A_1362 : memref<1x1x32x128xf32, #tpu.memory_space<vmem>> -> memref<32x128xf32, #tpu.memory_space<vmem>>
      %gather3A_1364 = tpu.vector_load_idx %gather3A_1363[%iota3A, %broadcast_in_dim3A_1354] : memref<32x128xf32, #tpu.memory_space<vmem>>[vector<16xi32>, vector<16xi32>], vector<16xf32>,
      %gather3A_1365 = arith.constant 2 : i32
      %gather3A_1366 = arith.constant 0 : i32
      %gather3A_1367 = arith.constant 0 : i32
      %gather3A_1368 = arith.constant 0 : i32
      %gather3A_1369 = tpu.memref_slice %arg6[%gather3A_1365, %gather3A_1366, %gather3A_1367, %gather3A_1368] : memref<3x8x32x128xf32, #tpu.memory_space<vmem>> -> memref<1x1x32x128xf32, #tpu.memory_space<vmem>>
      %gather3A_1370 = tpu.memref_squeeze %gather3A_1369 : memref<1x1x32x128xf32, #tpu.memory_space<vmem>> -> memref<32x128xf32, #tpu.memory_space<vmem>>
      %gather3A_1371 = tpu.vector_load_idx %gather3A_1370[%add3A_5, %broadcast_in_dim3A_1354] : memref<32x128xf32, #tpu.memory_space<vmem>>[vector<16xi32>, vector<16xi32>], vector<16xf32>,
      tpu.vector_store_idx %arg7[%iota3A, %broadcast_in_dim3A_1357], %gather3A_1364 : memref<32x512xf32, #tpu.memory_space<vmem>>[vector<16xi32>, vector<16xi32>], vector<16xf32>,
      tpu.vector_store_idx %arg7[%add3A_5, %broadcast_in_dim3A_1357], %gather3A_1371 : memref<32x512xf32, #tpu.memory_space<vmem>>[vector<16xi32>, vector<16xi32>], vector<16xf32>,
      %slice3A_1372 = vector.extract_strided_slice %and3A_1349 {offsets = [1], sizes = [1], strides = [1]} : vector<16xi32> to vector<1xi32>
      %squeeze3A_1373 = vector.extract %slice3A_1372[0] : i32 from vector<1xi32>
      %broadcast_in_dim3A_1374 = vector.broadcast %squeeze3A_1373 : i32 to vector<16xi32>
      %add3A_1375 = arith.constant 1 : i32
      %add3A_1376 = arith.addi %mul3A_1351, %add3A_1375 : i32
      %broadcast_in_dim3A_1377 = vector.broadcast %add3A_1376 : i32 to vector<16xi32>
      %gather3A_1378 = arith.constant 2 : i32
      %gather3A_1379 = arith.constant 1 : i32
      %gather3A_1380 = arith.constant 0 : i32
      %gather3A_1381 = arith.constant 0 : i32
      %gather3A_1382 = tpu.memref_slice %arg6[%gather3A_1378, %gather3A_1379, %gather3A_1380, %gather3A_1381] : memref<3x8x32x128xf32, #tpu.memory_space<vmem>> -> memref<1x1x32x128xf32, #tpu.memory_space<vmem>>
      %gather3A_1383 = tpu.memref_squeeze %gather3A_1382 : memref<1x1x32x128xf32, #tpu.memory_space<vmem>> -> memref<32x128xf32, #tpu.memory_space<vmem>>
      %gather3A_1384 = tpu.vector_load_idx %gather3A_1383[%iota3A, %broadcast_in_dim3A_1374] : memref<32x128xf32, #tpu.memory_space<vmem>>[vector<16xi32>, vector<16xi32>], vector<16xf32>,
      %gather3A_1385 = arith.constant 2 : i32
      %gather3A_1386 = arith.constant 1 : i32
      %gather3A_1387 = arith.constant 0 : i32
      %gather3A_1388 = arith.constant 0 : i32
      %gather3A_1389 = tpu.memref_slice %arg6[%gather3A_1385, %gather3A_1386, %gather3A_1387, %gather3A_1388] : memref<3x8x32x128xf32, #tpu.memory_space<vmem>> -> memref<1x1x32x128xf32, #tpu.memory_space<vmem>>
      %gather3A_1390 = tpu.memref_squeeze %gather3A_1389 : memref<1x1x32x128xf32, #tpu.memory_space<vmem>> -> memref<32x128xf32, #tpu.memory_space<vmem>>
      %gather3A_1391 = tpu.vector_load_idx %gather3A_1390[%add3A_5, %broadcast_in_dim3A_1374] : memref<32x128xf32, #tpu.memory_space<vmem>>[vector<16xi32>, vector<16xi32>], vector<16xf32>,
      tpu.vector_store_idx %arg7[%iota3A, %broadcast_in_dim3A_1377], %gather3A_1384 : memref<32x512xf32, #tpu.memory_space<vmem>>[vector<16xi32>, vector<16xi32>], vector<16xf32>,
      tpu.vector_store_idx %arg7[%add3A_5, %broadcast_in_dim3A_1377], %gather3A_1391 : memref<32x512xf32, #tpu.memory_space<vmem>>[vector<16xi32>, vector<16xi32>], vector<16xf32>,
      %slice3A_1392 = vector.extract_strided_slice %and3A_1349 {offsets = [2], sizes = [1], strides = [1]} : vector<16xi32> to vector<1xi32>
      %squeeze3A_1393 = vector.extract %slice3A_1392[0] : i32 from vector<1xi32>
      %broadcast_in_dim3A_1394 = vector.broadcast %squeeze3A_1393 : i32 to vector<16xi32>
      %add3A_1395 = arith.constant 2 : i32
      %add3A_1396 = arith.addi %mul3A_1351, %add3A_1395 : i32
      %broadcast_in_dim3A_1397 = vector.broadcast %add3A_1396 : i32 to vector<16xi32>
      %gather3A_1398 = arith.constant 2 : i32
      %gather3A_1399 = arith.constant 2 : i32
      %gather3A_1400 = arith.constant 0 : i32
      %gather3A_1401 = arith.constant 0 : i32
      %gather3A_1402 = tpu.memref_slice %arg6[%gather3A_1398, %gather3A_1399, %gather3A_1400, %gather3A_1401] : memref<3x8x32x128xf32, #tpu.memory_space<vmem>> -> memref<1x1x32x128xf32, #tpu.memory_space<vmem>>
      %gather3A_1403 = tpu.memref_squeeze %gather3A_1402 : memref<1x1x32x128xf32, #tpu.memory_space<vmem>> -> memref<32x128xf32, #tpu.memory_space<vmem>>
      %gather3A_1404 = tpu.vector_load_idx %gather3A_1403[%iota3A, %broadcast_in_dim3A_1394] : memref<32x128xf32, #tpu.memory_space<vmem>>[vector<16xi32>, vector<16xi32>], vector<16xf32>,
      %gather3A_1405 = arith.constant 2 : i32
      %gather3A_1406 = arith.constant 2 : i32
      %gather3A_1407 = arith.constant 0 : i32
      %gather3A_1408 = arith.constant 0 : i32
      %gather3A_1409 = tpu.memref_slice %arg6[%gather3A_1405, %gather3A_1406, %gather3A_1407, %gather3A_1408] : memref<3x8x32x128xf32, #tpu.memory_space<vmem>> -> memref<1x1x32x128xf32, #tpu.memory_space<vmem>>
      %gather3A_1410 = tpu.memref_squeeze %gather3A_1409 : memref<1x1x32x128xf32, #tpu.memory_space<vmem>> -> memref<32x128xf32, #tpu.memory_space<vmem>>
      %gather3A_1411 = tpu.vector_load_idx %gather3A_1410[%add3A_5, %broadcast_in_dim3A_1394] : memref<32x128xf32, #tpu.memory_space<vmem>>[vector<16xi32>, vector<16xi32>], vector<16xf32>,
      tpu.vector_store_idx %arg7[%iota3A, %broadcast_in_dim3A_1397], %gather3A_1404 : memref<32x512xf32, #tpu.memory_space<vmem>>[vector<16xi32>, vector<16xi32>], vector<16xf32>,
      tpu.vector_store_idx %arg7[%add3A_5, %broadcast_in_dim3A_1397], %gather3A_1411 : memref<32x512xf32, #tpu.memory_space<vmem>>[vector<16xi32>, vector<16xi32>], vector<16xf32>,
      %slice3A_1412 = vector.extract_strided_slice %and3A_1349 {offsets = [3], sizes = [1], strides = [1]} : vector<16xi32> to vector<1xi32>
      %squeeze3A_1413 = vector.extract %slice3A_1412[0] : i32 from vector<1xi32>
      %broadcast_in_dim3A_1414 = vector.broadcast %squeeze3A_1413 : i32 to vector<16xi32>
      %add3A_1415 = arith.constant 3 : i32
      %add3A_1416 = arith.addi %mul3A_1351, %add3A_1415 : i32
      %broadcast_in_dim3A_1417 = vector.broadcast %add3A_1416 : i32 to vector<16xi32>
      %gather3A_1418 = arith.constant 2 : i32
      %gather3A_1419 = arith.constant 3 : i32
      %gather3A_1420 = arith.constant 0 : i32
      %gather3A_1421 = arith.constant 0 : i32
      %gather3A_1422 = tpu.memref_slice %arg6[%gather3A_1418, %gather3A_1419, %gather3A_1420, %gather3A_1421] : memref<3x8x32x128xf32, #tpu.memory_space<vmem>> -> memref<1x1x32x128xf32, #tpu.memory_space<vmem>>
      %gather3A_1423 = tpu.memref_squeeze %gather3A_1422 : memref<1x1x32x128xf32, #tpu.memory_space<vmem>> -> memref<32x128xf32, #tpu.memory_space<vmem>>
      %gather3A_1424 = tpu.vector_load_idx %gather3A_1423[%iota3A, %broadcast_in_dim3A_1414] : memref<32x128xf32, #tpu.memory_space<vmem>>[vector<16xi32>, vector<16xi32>], vector<16xf32>,
      %gather3A_1425 = arith.constant 2 : i32
      %gather3A_1426 = arith.constant 3 : i32
      %gather3A_1427 = arith.constant 0 : i32
      %gather3A_1428 = arith.constant 0 : i32
      %gather3A_1429 = tpu.memref_slice %arg6[%gather3A_1425, %gather3A_1426, %gather3A_1427, %gather3A_1428] : memref<3x8x32x128xf32, #tpu.memory_space<vmem>> -> memref<1x1x32x128xf32, #tpu.memory_space<vmem>>
      %gather3A_1430 = tpu.memref_squeeze %gather3A_1429 : memref<1x1x32x128xf32, #tpu.memory_space<vmem>> -> memref<32x128xf32, #tpu.memory_space<vmem>>
      %gather3A_1431 = tpu.vector_load_idx %gather3A_1430[%add3A_5, %broadcast_in_dim3A_1414] : memref<32x128xf32, #tpu.memory_space<vmem>>[vector<16xi32>, vector<16xi32>], vector<16xf32>,
      tpu.vector_store_idx %arg7[%iota3A, %broadcast_in_dim3A_1417], %gather3A_1424 : memref<32x512xf32, #tpu.memory_space<vmem>>[vector<16xi32>, vector<16xi32>], vector<16xf32>,
      tpu.vector_store_idx %arg7[%add3A_5, %broadcast_in_dim3A_1417], %gather3A_1431 : memref<32x512xf32, #tpu.memory_space<vmem>>[vector<16xi32>, vector<16xi32>], vector<16xf32>,
      %slice3A_1432 = vector.extract_strided_slice %and3A_1349 {offsets = [4], sizes = [1], strides = [1]} : vector<16xi32> to vector<1xi32>
      %squeeze3A_1433 = vector.extract %slice3A_1432[0] : i32 from vector<1xi32>
      %broadcast_in_dim3A_1434 = vector.broadcast %squeeze3A_1433 : i32 to vector<16xi32>
      %add3A_1435 = arith.constant 4 : i32
      %add3A_1436 = arith.addi %mul3A_1351, %add3A_1435 : i32
      %broadcast_in_dim3A_1437 = vector.broadcast %add3A_1436 : i32 to vector<16xi32>
      %gather3A_1438 = arith.constant 2 : i32
      %gather3A_1439 = arith.constant 4 : i32
      %gather3A_1440 = arith.constant 0 : i32
      %gather3A_1441 = arith.constant 0 : i32
      %gather3A_1442 = tpu.memref_slice %arg6[%gather3A_1438, %gather3A_1439, %gather3A_1440, %gather3A_1441] : memref<3x8x32x128xf32, #tpu.memory_space<vmem>> -> memref<1x1x32x128xf32, #tpu.memory_space<vmem>>
      %gather3A_1443 = tpu.memref_squeeze %gather3A_1442 : memref<1x1x32x128xf32, #tpu.memory_space<vmem>> -> memref<32x128xf32, #tpu.memory_space<vmem>>
      %gather3A_1444 = tpu.vector_load_idx %gather3A_1443[%iota3A, %broadcast_in_dim3A_1434] : memref<32x128xf32, #tpu.memory_space<vmem>>[vector<16xi32>, vector<16xi32>], vector<16xf32>,
      %gather3A_1445 = arith.constant 2 : i32
      %gather3A_1446 = arith.constant 4 : i32
      %gather3A_1447 = arith.constant 0 : i32
      %gather3A_1448 = arith.constant 0 : i32
      %gather3A_1449 = tpu.memref_slice %arg6[%gather3A_1445, %gather3A_1446, %gather3A_1447, %gather3A_1448] : memref<3x8x32x128xf32, #tpu.memory_space<vmem>> -> memref<1x1x32x128xf32, #tpu.memory_space<vmem>>
      %gather3A_1450 = tpu.memref_squeeze %gather3A_1449 : memref<1x1x32x128xf32, #tpu.memory_space<vmem>> -> memref<32x128xf32, #tpu.memory_space<vmem>>
      %gather3A_1451 = tpu.vector_load_idx %gather3A_1450[%add3A_5, %broadcast_in_dim3A_1434] : memref<32x128xf32, #tpu.memory_space<vmem>>[vector<16xi32>, vector<16xi32>], vector<16xf32>,
      tpu.vector_store_idx %arg7[%iota3A, %broadcast_in_dim3A_1437], %gather3A_1444 : memref<32x512xf32, #tpu.memory_space<vmem>>[vector<16xi32>, vector<16xi32>], vector<16xf32>,
      tpu.vector_store_idx %arg7[%add3A_5, %broadcast_in_dim3A_1437], %gather3A_1451 : memref<32x512xf32, #tpu.memory_space<vmem>>[vector<16xi32>, vector<16xi32>], vector<16xf32>,
      %slice3A_1452 = vector.extract_strided_slice %and3A_1349 {offsets = [5], sizes = [1], strides = [1]} : vector<16xi32> to vector<1xi32>
      %squeeze3A_1453 = vector.extract %slice3A_1452[0] : i32 from vector<1xi32>
      %broadcast_in_dim3A_1454 = vector.broadcast %squeeze3A_1453 : i32 to vector<16xi32>
      %add3A_1455 = arith.constant 5 : i32
      %add3A_1456 = arith.addi %mul3A_1351, %add3A_1455 : i32
      %broadcast_in_dim3A_1457 = vector.broadcast %add3A_1456 : i32 to vector<16xi32>
      %gather3A_1458 = arith.constant 2 : i32
      %gather3A_1459 = arith.constant 5 : i32
      %gather3A_1460 = arith.constant 0 : i32
      %gather3A_1461 = arith.constant 0 : i32
      %gather3A_1462 = tpu.memref_slice %arg6[%gather3A_1458, %gather3A_1459, %gather3A_1460, %gather3A_1461] : memref<3x8x32x128xf32, #tpu.memory_space<vmem>> -> memref<1x1x32x128xf32, #tpu.memory_space<vmem>>
      %gather3A_1463 = tpu.memref_squeeze %gather3A_1462 : memref<1x1x32x128xf32, #tpu.memory_space<vmem>> -> memref<32x128xf32, #tpu.memory_space<vmem>>
      %gather3A_1464 = tpu.vector_load_idx %gather3A_1463[%iota3A, %broadcast_in_dim3A_1454] : memref<32x128xf32, #tpu.memory_space<vmem>>[vector<16xi32>, vector<16xi32>], vector<16xf32>,
      %gather3A_1465 = arith.constant 2 : i32
      %gather3A_1466 = arith.constant 5 : i32
      %gather3A_1467 = arith.constant 0 : i32
      %gather3A_1468 = arith.constant 0 : i32
      %gather3A_1469 = tpu.memref_slice %arg6[%gather3A_1465, %gather3A_1466, %gather3A_1467, %gather3A_1468] : memref<3x8x32x128xf32, #tpu.memory_space<vmem>> -> memref<1x1x32x128xf32, #tpu.memory_space<vmem>>
      %gather3A_1470 = tpu.memref_squeeze %gather3A_1469 : memref<1x1x32x128xf32, #tpu.memory_space<vmem>> -> memref<32x128xf32, #tpu.memory_space<vmem>>
      %gather3A_1471 = tpu.vector_load_idx %gather3A_1470[%add3A_5, %broadcast_in_dim3A_1454] : memref<32x128xf32, #tpu.memory_space<vmem>>[vector<16xi32>, vector<16xi32>], vector<16xf32>,
      tpu.vector_store_idx %arg7[%iota3A, %broadcast_in_dim3A_1457], %gather3A_1464 : memref<32x512xf32, #tpu.memory_space<vmem>>[vector<16xi32>, vector<16xi32>], vector<16xf32>,
      tpu.vector_store_idx %arg7[%add3A_5, %broadcast_in_dim3A_1457], %gather3A_1471 : memref<32x512xf32, #tpu.memory_space<vmem>>[vector<16xi32>, vector<16xi32>], vector<16xf32>,
      %slice3A_1472 = vector.extract_strided_slice %and3A_1349 {offsets = [6], sizes = [1], strides = [1]} : vector<16xi32> to vector<1xi32>
      %squeeze3A_1473 = vector.extract %slice3A_1472[0] : i32 from vector<1xi32>
      %broadcast_in_dim3A_1474 = vector.broadcast %squeeze3A_1473 : i32 to vector<16xi32>
      %add3A_1475 = arith.constant 6 : i32
      %add3A_1476 = arith.addi %mul3A_1351, %add3A_1475 : i32
      %broadcast_in_dim3A_1477 = vector.broadcast %add3A_1476 : i32 to vector<16xi32>
      %gather3A_1478 = arith.constant 2 : i32
      %gather3A_1479 = arith.constant 6 : i32
      %gather3A_1480 = arith.constant 0 : i32
      %gather3A_1481 = arith.constant 0 : i32
      %gather3A_1482 = tpu.memref_slice %arg6[%gather3A_1478, %gather3A_1479, %gather3A_1480, %gather3A_1481] : memref<3x8x32x128xf32, #tpu.memory_space<vmem>> -> memref<1x1x32x128xf32, #tpu.memory_space<vmem>>
      %gather3A_1483 = tpu.memref_squeeze %gather3A_1482 : memref<1x1x32x128xf32, #tpu.memory_space<vmem>> -> memref<32x128xf32, #tpu.memory_space<vmem>>
      %gather3A_1484 = tpu.vector_load_idx %gather3A_1483[%iota3A, %broadcast_in_dim3A_1474] : memref<32x128xf32, #tpu.memory_space<vmem>>[vector<16xi32>, vector<16xi32>], vector<16xf32>,
      %gather3A_1485 = arith.constant 2 : i32
      %gather3A_1486 = arith.constant 6 : i32
      %gather3A_1487 = arith.constant 0 : i32
      %gather3A_1488 = arith.constant 0 : i32
      %gather3A_1489 = tpu.memref_slice %arg6[%gather3A_1485, %gather3A_1486, %gather3A_1487, %gather3A_1488] : memref<3x8x32x128xf32, #tpu.memory_space<vmem>> -> memref<1x1x32x128xf32, #tpu.memory_space<vmem>>
      %gather3A_1490 = tpu.memref_squeeze %gather3A_1489 : memref<1x1x32x128xf32, #tpu.memory_space<vmem>> -> memref<32x128xf32, #tpu.memory_space<vmem>>
      %gather3A_1491 = tpu.vector_load_idx %gather3A_1490[%add3A_5, %broadcast_in_dim3A_1474] : memref<32x128xf32, #tpu.memory_space<vmem>>[vector<16xi32>, vector<16xi32>], vector<16xf32>,
      tpu.vector_store_idx %arg7[%iota3A, %broadcast_in_dim3A_1477], %gather3A_1484 : memref<32x512xf32, #tpu.memory_space<vmem>>[vector<16xi32>, vector<16xi32>], vector<16xf32>,
      tpu.vector_store_idx %arg7[%add3A_5, %broadcast_in_dim3A_1477], %gather3A_1491 : memref<32x512xf32, #tpu.memory_space<vmem>>[vector<16xi32>, vector<16xi32>], vector<16xf32>,
      %slice3A_1492 = vector.extract_strided_slice %and3A_1349 {offsets = [7], sizes = [1], strides = [1]} : vector<16xi32> to vector<1xi32>
      %squeeze3A_1493 = vector.extract %slice3A_1492[0] : i32 from vector<1xi32>
      %broadcast_in_dim3A_1494 = vector.broadcast %squeeze3A_1493 : i32 to vector<16xi32>
      %add3A_1495 = arith.constant 7 : i32
      %add3A_1496 = arith.addi %mul3A_1351, %add3A_1495 : i32
      %broadcast_in_dim3A_1497 = vector.broadcast %add3A_1496 : i32 to vector<16xi32>
      %gather3A_1498 = arith.constant 2 : i32
      %gather3A_1499 = arith.constant 7 : i32
      %gather3A_1500 = arith.constant 0 : i32
      %gather3A_1501 = arith.constant 0 : i32
      %gather3A_1502 = tpu.memref_slice %arg6[%gather3A_1498, %gather3A_1499, %gather3A_1500, %gather3A_1501] : memref<3x8x32x128xf32, #tpu.memory_space<vmem>> -> memref<1x1x32x128xf32, #tpu.memory_space<vmem>>
      %gather3A_1503 = tpu.memref_squeeze %gather3A_1502 : memref<1x1x32x128xf32, #tpu.memory_space<vmem>> -> memref<32x128xf32, #tpu.memory_space<vmem>>
      %gather3A_1504 = tpu.vector_load_idx %gather3A_1503[%iota3A, %broadcast_in_dim3A_1494] : memref<32x128xf32, #tpu.memory_space<vmem>>[vector<16xi32>, vector<16xi32>], vector<16xf32>,
      %gather3A_1505 = arith.constant 2 : i32
      %gather3A_1506 = arith.constant 7 : i32
      %gather3A_1507 = arith.constant 0 : i32
      %gather3A_1508 = arith.constant 0 : i32
      %gather3A_1509 = tpu.memref_slice %arg6[%gather3A_1505, %gather3A_1506, %gather3A_1507, %gather3A_1508] : memref<3x8x32x128xf32, #tpu.memory_space<vmem>> -> memref<1x1x32x128xf32, #tpu.memory_space<vmem>>
      %gather3A_1510 = tpu.memref_squeeze %gather3A_1509 : memref<1x1x32x128xf32, #tpu.memory_space<vmem>> -> memref<32x128xf32, #tpu.memory_space<vmem>>
      %gather3A_1511 = tpu.vector_load_idx %gather3A_1510[%add3A_5, %broadcast_in_dim3A_1494] : memref<32x128xf32, #tpu.memory_space<vmem>>[vector<16xi32>, vector<16xi32>], vector<16xf32>,
      tpu.vector_store_idx %arg7[%iota3A, %broadcast_in_dim3A_1497], %gather3A_1504 : memref<32x512xf32, #tpu.memory_space<vmem>>[vector<16xi32>, vector<16xi32>], vector<16xf32>,
      tpu.vector_store_idx %arg7[%add3A_5, %broadcast_in_dim3A_1497], %gather3A_1511 : memref<32x512xf32, #tpu.memory_space<vmem>>[vector<16xi32>, vector<16xi32>], vector<16xf32>,
    }
    %scan3A_311 = arith.constant 21 : i32
    %dma_wait3A = arith.constant 0 : i32
    %dma_wait3A_312 = arith.constant 0 : i32
    %dma_wait3A_313 = arith.constant 0 : i32
    %dma_wait3A_314 = arith.constant 0 : i32
    %dma_wait3A_315 = tpu.memref_slice %arg6[%dma_wait3A, %dma_wait3A_312, %dma_wait3A_313, %dma_wait3A_314] : memref<3x8x32x128xf32, #tpu.memory_space<vmem>> -> memref<1x1x32x128xf32, #tpu.memory_space<vmem>>
    %dma_wait3A_316 = tpu.memref_squeeze %dma_wait3A_315 : memref<1x1x32x128xf32, #tpu.memory_space<vmem>> -> memref<32x128xf32, #tpu.memory_space<vmem>>
    %dma_wait3A_317 = arith.constant 0 : i32
    %dma_wait3A_318 = arith.constant 0 : i32
    %dma_wait3A_319 = tpu.memref_slice %arg3[%dma_wait3A_317, %dma_wait3A_318] : memref<32x1000000xf32, #tpu.memory_space<hbm>> -> memref<32x128xf32, #tpu.memory_space<hbm>>
    %dma_wait3A_320 = arith.constant 0 : i32
    %dma_wait3A_321 = arith.constant 0 : i32
    %dma_wait3A_322 = tpu.memref_slice %arg6[%dma_wait3A, %dma_wait3A_312, %dma_wait3A_320, %dma_wait3A_321] : memref<3x8x32x128xf32, #tpu.memory_space<vmem>> -> memref<1x1x32x128xf32, #tpu.memory_space<vmem>>
    %dma_wait3A_323 = tpu.memref_squeeze %dma_wait3A_322 : memref<1x1x32x128xf32, #tpu.memory_space<vmem>> -> memref<32x128xf32, #tpu.memory_space<vmem>>
    %dma_wait3A_324 = arith.constant 0 : i32
    %dma_wait3A_325 = arith.constant 0 : i32
    %dma_wait3A_326 = tpu.memref_slice %arg3[%dma_wait3A_324, %dma_wait3A_325] : memref<32x1000000xf32, #tpu.memory_space<hbm>> -> memref<32x128xf32, #tpu.memory_space<hbm>>
    tpu.wait_dma2 semaphore(%arg8 : memref<!tpu.dma_semaphore, #tpu.memory_space<semaphore_mem>>) src(%dma_wait3A_326 : memref<32x128xf32, #tpu.memory_space<hbm>>) dst(%dma_wait3A_323 : memref<32x128xf32, #tpu.memory_space<vmem>>)
    %dma_wait3A_327 = arith.constant 0 : i32
    %dma_wait3A_328 = arith.constant 1 : i32
    %dma_wait3A_329 = arith.constant 0 : i32
    %dma_wait3A_330 = arith.constant 0 : i32
    %dma_wait3A_331 = tpu.memref_slice %arg6[%dma_wait3A_327, %dma_wait3A_328, %dma_wait3A_329, %dma_wait3A_330] : memref<3x8x32x128xf32, #tpu.memory_space<vmem>> -> memref<1x1x32x128xf32, #tpu.memory_space<vmem>>
    %dma_wait3A_332 = tpu.memref_squeeze %dma_wait3A_331 : memref<1x1x32x128xf32, #tpu.memory_space<vmem>> -> memref<32x128xf32, #tpu.memory_space<vmem>>
    %dma_wait3A_333 = arith.constant 0 : i32
    %dma_wait3A_334 = arith.constant 0 : i32
    %dma_wait3A_335 = tpu.memref_slice %arg3[%dma_wait3A_333, %dma_wait3A_334] : memref<32x1000000xf32, #tpu.memory_space<hbm>> -> memref<32x128xf32, #tpu.memory_space<hbm>>
    %dma_wait3A_336 = arith.constant 0 : i32
    %dma_wait3A_337 = arith.constant 0 : i32
    %dma_wait3A_338 = tpu.memref_slice %arg6[%dma_wait3A_327, %dma_wait3A_328, %dma_wait3A_336, %dma_wait3A_337] : memref<3x8x32x128xf32, #tpu.memory_space<vmem>> -> memref<1x1x32x128xf32, #tpu.memory_space<vmem>>
    %dma_wait3A_339 = tpu.memref_squeeze %dma_wait3A_338 : memref<1x1x32x128xf32, #tpu.memory_space<vmem>> -> memref<32x128xf32, #tpu.memory_space<vmem>>
    %dma_wait3A_340 = arith.constant 0 : i32
    %dma_wait3A_341 = arith.constant 0 : i32
    %dma_wait3A_342 = tpu.memref_slice %arg3[%dma_wait3A_340, %dma_wait3A_341] : memref<32x1000000xf32, #tpu.memory_space<hbm>> -> memref<32x128xf32, #tpu.memory_space<hbm>>
    tpu.wait_dma2 semaphore(%arg8 : memref<!tpu.dma_semaphore, #tpu.memory_space<semaphore_mem>>) src(%dma_wait3A_342 : memref<32x128xf32, #tpu.memory_space<hbm>>) dst(%dma_wait3A_339 : memref<32x128xf32, #tpu.memory_space<vmem>>)
    %dma_wait3A_343 = arith.constant 0 : i32
    %dma_wait3A_344 = arith.constant 2 : i32
    %dma_wait3A_345 = arith.constant 0 : i32
    %dma_wait3A_346 = arith.constant 0 : i32
    %dma_wait3A_347 = tpu.memref_slice %arg6[%dma_wait3A_343, %dma_wait3A_344, %dma_wait3A_345, %dma_wait3A_346] : memref<3x8x32x128xf32, #tpu.memory_space<vmem>> -> memref<1x1x32x128xf32, #tpu.memory_space<vmem>>
    %dma_wait3A_348 = tpu.memref_squeeze %dma_wait3A_347 : memref<1x1x32x128xf32, #tpu.memory_space<vmem>> -> memref<32x128xf32, #tpu.memory_space<vmem>>
    %dma_wait3A_349 = arith.constant 0 : i32
    %dma_wait3A_350 = arith.constant 0 : i32
    %dma_wait3A_351 = tpu.memref_slice %arg3[%dma_wait3A_349, %dma_wait3A_350] : memref<32x1000000xf32, #tpu.memory_space<hbm>> -> memref<32x128xf32, #tpu.memory_space<hbm>>
    %dma_wait3A_352 = arith.constant 0 : i32
    %dma_wait3A_353 = arith.constant 0 : i32
    %dma_wait3A_354 = tpu.memref_slice %arg6[%dma_wait3A_343, %dma_wait3A_344, %dma_wait3A_352, %dma_wait3A_353] : memref<3x8x32x128xf32, #tpu.memory_space<vmem>> -> memref<1x1x32x128xf32, #tpu.memory_space<vmem>>
    %dma_wait3A_355 = tpu.memref_squeeze %dma_wait3A_354 : memref<1x1x32x128xf32, #tpu.memory_space<vmem>> -> memref<32x128xf32, #tpu.memory_space<vmem>>
    %dma_wait3A_356 = arith.constant 0 : i32
    %dma_wait3A_357 = arith.constant 0 : i32
    %dma_wait3A_358 = tpu.memref_slice %arg3[%dma_wait3A_356, %dma_wait3A_357] : memref<32x1000000xf32, #tpu.memory_space<hbm>> -> memref<32x128xf32, #tpu.memory_space<hbm>>
    tpu.wait_dma2 semaphore(%arg8 : memref<!tpu.dma_semaphore, #tpu.memory_space<semaphore_mem>>) src(%dma_wait3A_358 : memref<32x128xf32, #tpu.memory_space<hbm>>) dst(%dma_wait3A_355 : memref<32x128xf32, #tpu.memory_space<vmem>>)
    %dma_wait3A_359 = arith.constant 0 : i32
    %dma_wait3A_360 = arith.constant 3 : i32
    %dma_wait3A_361 = arith.constant 0 : i32
    %dma_wait3A_362 = arith.constant 0 : i32
    %dma_wait3A_363 = tpu.memref_slice %arg6[%dma_wait3A_359, %dma_wait3A_360, %dma_wait3A_361, %dma_wait3A_362] : memref<3x8x32x128xf32, #tpu.memory_space<vmem>> -> memref<1x1x32x128xf32, #tpu.memory_space<vmem>>
    %dma_wait3A_364 = tpu.memref_squeeze %dma_wait3A_363 : memref<1x1x32x128xf32, #tpu.memory_space<vmem>> -> memref<32x128xf32, #tpu.memory_space<vmem>>
    %dma_wait3A_365 = arith.constant 0 : i32
    %dma_wait3A_366 = arith.constant 0 : i32
    %dma_wait3A_367 = tpu.memref_slice %arg3[%dma_wait3A_365, %dma_wait3A_366] : memref<32x1000000xf32, #tpu.memory_space<hbm>> -> memref<32x128xf32, #tpu.memory_space<hbm>>
    %dma_wait3A_368 = arith.constant 0 : i32
    %dma_wait3A_369 = arith.constant 0 : i32
    %dma_wait3A_370 = tpu.memref_slice %arg6[%dma_wait3A_359, %dma_wait3A_360, %dma_wait3A_368, %dma_wait3A_369] : memref<3x8x32x128xf32, #tpu.memory_space<vmem>> -> memref<1x1x32x128xf32, #tpu.memory_space<vmem>>
    %dma_wait3A_371 = tpu.memref_squeeze %dma_wait3A_370 : memref<1x1x32x128xf32, #tpu.memory_space<vmem>> -> memref<32x128xf32, #tpu.memory_space<vmem>>
    %dma_wait3A_372 = arith.constant 0 : i32
    %dma_wait3A_373 = arith.constant 0 : i32
    %dma_wait3A_374 = tpu.memref_slice %arg3[%dma_wait3A_372, %dma_wait3A_373] : memref<32x1000000xf32, #tpu.memory_space<hbm>> -> memref<32x128xf32, #tpu.memory_space<hbm>>
    tpu.wait_dma2 semaphore(%arg8 : memref<!tpu.dma_semaphore, #tpu.memory_space<semaphore_mem>>) src(%dma_wait3A_374 : memref<32x128xf32, #tpu.memory_space<hbm>>) dst(%dma_wait3A_371 : memref<32x128xf32, #tpu.memory_space<vmem>>)
    %dma_wait3A_375 = arith.constant 0 : i32
    %dma_wait3A_376 = arith.constant 4 : i32
    %dma_wait3A_377 = arith.constant 0 : i32
    %dma_wait3A_378 = arith.constant 0 : i32
    %dma_wait3A_379 = tpu.memref_slice %arg6[%dma_wait3A_375, %dma_wait3A_376, %dma_wait3A_377, %dma_wait3A_378] : memref<3x8x32x128xf32, #tpu.memory_space<vmem>> -> memref<1x1x32x128xf32, #tpu.memory_space<vmem>>
    %dma_wait3A_380 = tpu.memref_squeeze %dma_wait3A_379 : memref<1x1x32x128xf32, #tpu.memory_space<vmem>> -> memref<32x128xf32, #tpu.memory_space<vmem>>
    %dma_wait3A_381 = arith.constant 0 : i32
    %dma_wait3A_382 = arith.constant 0 : i32
    %dma_wait3A_383 = tpu.memref_slice %arg3[%dma_wait3A_381, %dma_wait3A_382] : memref<32x1000000xf32, #tpu.memory_space<hbm>> -> memref<32x128xf32, #tpu.memory_space<hbm>>
    %dma_wait3A_384 = arith.constant 0 : i32
    %dma_wait3A_385 = arith.constant 0 : i32
    %dma_wait3A_386 = tpu.memref_slice %arg6[%dma_wait3A_375, %dma_wait3A_376, %dma_wait3A_384, %dma_wait3A_385] : memref<3x8x32x128xf32, #tpu.memory_space<vmem>> -> memref<1x1x32x128xf32, #tpu.memory_space<vmem>>
    %dma_wait3A_387 = tpu.memref_squeeze %dma_wait3A_386 : memref<1x1x32x128xf32, #tpu.memory_space<vmem>> -> memref<32x128xf32, #tpu.memory_space<vmem>>
    %dma_wait3A_388 = arith.constant 0 : i32
    %dma_wait3A_389 = arith.constant 0 : i32
    %dma_wait3A_390 = tpu.memref_slice %arg3[%dma_wait3A_388, %dma_wait3A_389] : memref<32x1000000xf32, #tpu.memory_space<hbm>> -> memref<32x128xf32, #tpu.memory_space<hbm>>
    tpu.wait_dma2 semaphore(%arg8 : memref<!tpu.dma_semaphore, #tpu.memory_space<semaphore_mem>>) src(%dma_wait3A_390 : memref<32x128xf32, #tpu.memory_space<hbm>>) dst(%dma_wait3A_387 : memref<32x128xf32, #tpu.memory_space<vmem>>)
    %dma_wait3A_391 = arith.constant 0 : i32
    %dma_wait3A_392 = arith.constant 5 : i32
    %dma_wait3A_393 = arith.constant 0 : i32
    %dma_wait3A_394 = arith.constant 0 : i32
    %dma_wait3A_395 = tpu.memref_slice %arg6[%dma_wait3A_391, %dma_wait3A_392, %dma_wait3A_393, %dma_wait3A_394] : memref<3x8x32x128xf32, #tpu.memory_space<vmem>> -> memref<1x1x32x128xf32, #tpu.memory_space<vmem>>
    %dma_wait3A_396 = tpu.memref_squeeze %dma_wait3A_395 : memref<1x1x32x128xf32, #tpu.memory_space<vmem>> -> memref<32x128xf32, #tpu.memory_space<vmem>>
    %dma_wait3A_397 = arith.constant 0 : i32
    %dma_wait3A_398 = arith.constant 0 : i32
    %dma_wait3A_399 = tpu.memref_slice %arg3[%dma_wait3A_397, %dma_wait3A_398] : memref<32x1000000xf32, #tpu.memory_space<hbm>> -> memref<32x128xf32, #tpu.memory_space<hbm>>
    %dma_wait3A_400 = arith.constant 0 : i32
    %dma_wait3A_401 = arith.constant 0 : i32
    %dma_wait3A_402 = tpu.memref_slice %arg6[%dma_wait3A_391, %dma_wait3A_392, %dma_wait3A_400, %dma_wait3A_401] : memref<3x8x32x128xf32, #tpu.memory_space<vmem>> -> memref<1x1x32x128xf32, #tpu.memory_space<vmem>>
    %dma_wait3A_403 = tpu.memref_squeeze %dma_wait3A_402 : memref<1x1x32x128xf32, #tpu.memory_space<vmem>> -> memref<32x128xf32, #tpu.memory_space<vmem>>
    %dma_wait3A_404 = arith.constant 0 : i32
    %dma_wait3A_405 = arith.constant 0 : i32
    %dma_wait3A_406 = tpu.memref_slice %arg3[%dma_wait3A_404, %dma_wait3A_405] : memref<32x1000000xf32, #tpu.memory_space<hbm>> -> memref<32x128xf32, #tpu.memory_space<hbm>>
    tpu.wait_dma2 semaphore(%arg8 : memref<!tpu.dma_semaphore, #tpu.memory_space<semaphore_mem>>) src(%dma_wait3A_406 : memref<32x128xf32, #tpu.memory_space<hbm>>) dst(%dma_wait3A_403 : memref<32x128xf32, #tpu.memory_space<vmem>>)
    %dma_wait3A_407 = arith.constant 0 : i32
    %dma_wait3A_408 = arith.constant 6 : i32
    %dma_wait3A_409 = arith.constant 0 : i32
    %dma_wait3A_410 = arith.constant 0 : i32
    %dma_wait3A_411 = tpu.memref_slice %arg6[%dma_wait3A_407, %dma_wait3A_408, %dma_wait3A_409, %dma_wait3A_410] : memref<3x8x32x128xf32, #tpu.memory_space<vmem>> -> memref<1x1x32x128xf32, #tpu.memory_space<vmem>>
    %dma_wait3A_412 = tpu.memref_squeeze %dma_wait3A_411 : memref<1x1x32x128xf32, #tpu.memory_space<vmem>> -> memref<32x128xf32, #tpu.memory_space<vmem>>
    %dma_wait3A_413 = arith.constant 0 : i32
    %dma_wait3A_414 = arith.constant 0 : i32
    %dma_wait3A_415 = tpu.memref_slice %arg3[%dma_wait3A_413, %dma_wait3A_414] : memref<32x1000000xf32, #tpu.memory_space<hbm>> -> memref<32x128xf32, #tpu.memory_space<hbm>>
    %dma_wait3A_416 = arith.constant 0 : i32
    %dma_wait3A_417 = arith.constant 0 : i32
    %dma_wait3A_418 = tpu.memref_slice %arg6[%dma_wait3A_407, %dma_wait3A_408, %dma_wait3A_416, %dma_wait3A_417] : memref<3x8x32x128xf32, #tpu.memory_space<vmem>> -> memref<1x1x32x128xf32, #tpu.memory_space<vmem>>
    %dma_wait3A_419 = tpu.memref_squeeze %dma_wait3A_418 : memref<1x1x32x128xf32, #tpu.memory_space<vmem>> -> memref<32x128xf32, #tpu.memory_space<vmem>>
    %dma_wait3A_420 = arith.constant 0 : i32
    %dma_wait3A_421 = arith.constant 0 : i32
    %dma_wait3A_422 = tpu.memref_slice %arg3[%dma_wait3A_420, %dma_wait3A_421] : memref<32x1000000xf32, #tpu.memory_space<hbm>> -> memref<32x128xf32, #tpu.memory_space<hbm>>
    tpu.wait_dma2 semaphore(%arg8 : memref<!tpu.dma_semaphore, #tpu.memory_space<semaphore_mem>>) src(%dma_wait3A_422 : memref<32x128xf32, #tpu.memory_space<hbm>>) dst(%dma_wait3A_419 : memref<32x128xf32, #tpu.memory_space<vmem>>)
    %dma_wait3A_423 = arith.constant 0 : i32
    %dma_wait3A_424 = arith.constant 7 : i32
    %dma_wait3A_425 = arith.constant 0 : i32
    %dma_wait3A_426 = arith.constant 0 : i32
    %dma_wait3A_427 = tpu.memref_slice %arg6[%dma_wait3A_423, %dma_wait3A_424, %dma_wait3A_425, %dma_wait3A_426] : memref<3x8x32x128xf32, #tpu.memory_space<vmem>> -> memref<1x1x32x128xf32, #tpu.memory_space<vmem>>
    %dma_wait3A_428 = tpu.memref_squeeze %dma_wait3A_427 : memref<1x1x32x128xf32, #tpu.memory_space<vmem>> -> memref<32x128xf32, #tpu.memory_space<vmem>>
    %dma_wait3A_429 = arith.constant 0 : i32
    %dma_wait3A_430 = arith.constant 0 : i32
    %dma_wait3A_431 = tpu.memref_slice %arg3[%dma_wait3A_429, %dma_wait3A_430] : memref<32x1000000xf32, #tpu.memory_space<hbm>> -> memref<32x128xf32, #tpu.memory_space<hbm>>
    %dma_wait3A_432 = arith.constant 0 : i32
    %dma_wait3A_433 = arith.constant 0 : i32
    %dma_wait3A_434 = tpu.memref_slice %arg6[%dma_wait3A_423, %dma_wait3A_424, %dma_wait3A_432, %dma_wait3A_433] : memref<3x8x32x128xf32, #tpu.memory_space<vmem>> -> memref<1x1x32x128xf32, #tpu.memory_space<vmem>>
    %dma_wait3A_435 = tpu.memref_squeeze %dma_wait3A_434 : memref<1x1x32x128xf32, #tpu.memory_space<vmem>> -> memref<32x128xf32, #tpu.memory_space<vmem>>
    %dma_wait3A_436 = arith.constant 0 : i32
    %dma_wait3A_437 = arith.constant 0 : i32
    %dma_wait3A_438 = tpu.memref_slice %arg3[%dma_wait3A_436, %dma_wait3A_437] : memref<32x1000000xf32, #tpu.memory_space<hbm>> -> memref<32x128xf32, #tpu.memory_space<hbm>>
    tpu.wait_dma2 semaphore(%arg8 : memref<!tpu.dma_semaphore, #tpu.memory_space<semaphore_mem>>) src(%dma_wait3A_438 : memref<32x128xf32, #tpu.memory_space<hbm>>) dst(%dma_wait3A_435 : memref<32x128xf32, #tpu.memory_space<vmem>>)
    %get3A_439 = arith.constant 504 : index
    %get3A_440 = tpu.vector_load %arg5[%get3A_439] {strides = array<i32>} : memref<528xi32, #tpu.memory_space<vmem>>, vector<16xi32>,
    %and3A_441 = arith.constant 127 : i32
    %and3A_442 = vector.broadcast %and3A_441 : i32 to vector<16xi32>
    %and3A_443 = arith.andi %get3A_440, %and3A_442 : vector<16xi32>
    %slice3A_444 = vector.extract_strided_slice %and3A_443 {offsets = [0], sizes = [1], strides = [1]} : vector<16xi32> to vector<1xi32>
    %squeeze3A_445 = vector.extract %slice3A_444[0] : i32 from vector<1xi32>
    %broadcast_in_dim3A = vector.broadcast %squeeze3A_445 : i32 to vector<16xi32>
    %broadcast_in_dim3A_446 = arith.constant 504 : i32
    %broadcast_in_dim3A_447 = vector.broadcast %broadcast_in_dim3A_446 : i32 to vector<16xi32>
    %gather3A = arith.constant 0 : i32
    %gather3A_448 = arith.constant 0 : i32
    %gather3A_449 = arith.constant 0 : i32
    %gather3A_450 = arith.constant 0 : i32
    %gather3A_451 = tpu.memref_slice %arg6[%gather3A, %gather3A_448, %gather3A_449, %gather3A_450] : memref<3x8x32x128xf32, #tpu.memory_space<vmem>> -> memref<1x1x32x128xf32, #tpu.memory_space<vmem>>
    %gather3A_452 = tpu.memref_squeeze %gather3A_451 : memref<1x1x32x128xf32, #tpu.memory_space<vmem>> -> memref<32x128xf32, #tpu.memory_space<vmem>>
    %gather3A_453 = tpu.vector_load_idx %gather3A_452[%iota3A, %broadcast_in_dim3A] : memref<32x128xf32, #tpu.memory_space<vmem>>[vector<16xi32>, vector<16xi32>], vector<16xf32>,
    %gather3A_454 = arith.constant 0 : i32
    %gather3A_455 = arith.constant 0 : i32
    %gather3A_456 = arith.constant 0 : i32
    %gather3A_457 = arith.constant 0 : i32
    %gather3A_458 = tpu.memref_slice %arg6[%gather3A_454, %gather3A_455, %gather3A_456, %gather3A_457] : memref<3x8x32x128xf32, #tpu.memory_space<vmem>> -> memref<1x1x32x128xf32, #tpu.memory_space<vmem>>
    %gather3A_459 = tpu.memref_squeeze %gather3A_458 : memref<1x1x32x128xf32, #tpu.memory_space<vmem>> -> memref<32x128xf32, #tpu.memory_space<vmem>>
    %gather3A_460 = tpu.vector_load_idx %gather3A_459[%add3A_5, %broadcast_in_dim3A] : memref<32x128xf32, #tpu.memory_space<vmem>>[vector<16xi32>, vector<16xi32>], vector<16xf32>,
    tpu.vector_store_idx %arg7[%iota3A, %broadcast_in_dim3A_447], %gather3A_453 : memref<32x512xf32, #tpu.memory_space<vmem>>[vector<16xi32>, vector<16xi32>], vector<16xf32>,
    tpu.vector_store_idx %arg7[%add3A_5, %broadcast_in_dim3A_447], %gather3A_460 : memref<32x512xf32, #tpu.memory_space<vmem>>[vector<16xi32>, vector<16xi32>], vector<16xf32>,
    %slice3A_461 = vector.extract_strided_slice %and3A_443 {offsets = [1], sizes = [1], strides = [1]} : vector<16xi32> to vector<1xi32>
    %squeeze3A_462 = vector.extract %slice3A_461[0] : i32 from vector<1xi32>
    %broadcast_in_dim3A_463 = vector.broadcast %squeeze3A_462 : i32 to vector<16xi32>
    %broadcast_in_dim3A_464 = arith.constant 505 : i32
    %broadcast_in_dim3A_465 = vector.broadcast %broadcast_in_dim3A_464 : i32 to vector<16xi32>
    %gather3A_466 = arith.constant 0 : i32
    %gather3A_467 = arith.constant 1 : i32
    %gather3A_468 = arith.constant 0 : i32
    %gather3A_469 = arith.constant 0 : i32
    %gather3A_470 = tpu.memref_slice %arg6[%gather3A_466, %gather3A_467, %gather3A_468, %gather3A_469] : memref<3x8x32x128xf32, #tpu.memory_space<vmem>> -> memref<1x1x32x128xf32, #tpu.memory_space<vmem>>
    %gather3A_471 = tpu.memref_squeeze %gather3A_470 : memref<1x1x32x128xf32, #tpu.memory_space<vmem>> -> memref<32x128xf32, #tpu.memory_space<vmem>>
    %gather3A_472 = tpu.vector_load_idx %gather3A_471[%iota3A, %broadcast_in_dim3A_463] : memref<32x128xf32, #tpu.memory_space<vmem>>[vector<16xi32>, vector<16xi32>], vector<16xf32>,
    %gather3A_473 = arith.constant 0 : i32
    %gather3A_474 = arith.constant 1 : i32
    %gather3A_475 = arith.constant 0 : i32
    %gather3A_476 = arith.constant 0 : i32
    %gather3A_477 = tpu.memref_slice %arg6[%gather3A_473, %gather3A_474, %gather3A_475, %gather3A_476] : memref<3x8x32x128xf32, #tpu.memory_space<vmem>> -> memref<1x1x32x128xf32, #tpu.memory_space<vmem>>
    %gather3A_478 = tpu.memref_squeeze %gather3A_477 : memref<1x1x32x128xf32, #tpu.memory_space<vmem>> -> memref<32x128xf32, #tpu.memory_space<vmem>>
    %gather3A_479 = tpu.vector_load_idx %gather3A_478[%add3A_5, %broadcast_in_dim3A_463] : memref<32x128xf32, #tpu.memory_space<vmem>>[vector<16xi32>, vector<16xi32>], vector<16xf32>,
    tpu.vector_store_idx %arg7[%iota3A, %broadcast_in_dim3A_465], %gather3A_472 : memref<32x512xf32, #tpu.memory_space<vmem>>[vector<16xi32>, vector<16xi32>], vector<16xf32>,
    tpu.vector_store_idx %arg7[%add3A_5, %broadcast_in_dim3A_465], %gather3A_479 : memref<32x512xf32, #tpu.memory_space<vmem>>[vector<16xi32>, vector<16xi32>], vector<16xf32>,
    %slice3A_480 = vector.extract_strided_slice %and3A_443 {offsets = [2], sizes = [1], strides = [1]} : vector<16xi32> to vector<1xi32>
    %squeeze3A_481 = vector.extract %slice3A_480[0] : i32 from vector<1xi32>
    %broadcast_in_dim3A_482 = vector.broadcast %squeeze3A_481 : i32 to vector<16xi32>
    %broadcast_in_dim3A_483 = arith.constant 506 : i32
    %broadcast_in_dim3A_484 = vector.broadcast %broadcast_in_dim3A_483 : i32 to vector<16xi32>
    %gather3A_485 = arith.constant 0 : i32
    %gather3A_486 = arith.constant 2 : i32
    %gather3A_487 = arith.constant 0 : i32
    %gather3A_488 = arith.constant 0 : i32
    %gather3A_489 = tpu.memref_slice %arg6[%gather3A_485, %gather3A_486, %gather3A_487, %gather3A_488] : memref<3x8x32x128xf32, #tpu.memory_space<vmem>> -> memref<1x1x32x128xf32, #tpu.memory_space<vmem>>
    %gather3A_490 = tpu.memref_squeeze %gather3A_489 : memref<1x1x32x128xf32, #tpu.memory_space<vmem>> -> memref<32x128xf32, #tpu.memory_space<vmem>>
    %gather3A_491 = tpu.vector_load_idx %gather3A_490[%iota3A, %broadcast_in_dim3A_482] : memref<32x128xf32, #tpu.memory_space<vmem>>[vector<16xi32>, vector<16xi32>], vector<16xf32>,
    %gather3A_492 = arith.constant 0 : i32
    %gather3A_493 = arith.constant 2 : i32
    %gather3A_494 = arith.constant 0 : i32
    %gather3A_495 = arith.constant 0 : i32
    %gather3A_496 = tpu.memref_slice %arg6[%gather3A_492, %gather3A_493, %gather3A_494, %gather3A_495] : memref<3x8x32x128xf32, #tpu.memory_space<vmem>> -> memref<1x1x32x128xf32, #tpu.memory_space<vmem>>
    %gather3A_497 = tpu.memref_squeeze %gather3A_496 : memref<1x1x32x128xf32, #tpu.memory_space<vmem>> -> memref<32x128xf32, #tpu.memory_space<vmem>>
    %gather3A_498 = tpu.vector_load_idx %gather3A_497[%add3A_5, %broadcast_in_dim3A_482] : memref<32x128xf32, #tpu.memory_space<vmem>>[vector<16xi32>, vector<16xi32>], vector<16xf32>,
    tpu.vector_store_idx %arg7[%iota3A, %broadcast_in_dim3A_484], %gather3A_491 : memref<32x512xf32, #tpu.memory_space<vmem>>[vector<16xi32>, vector<16xi32>], vector<16xf32>,
    tpu.vector_store_idx %arg7[%add3A_5, %broadcast_in_dim3A_484], %gather3A_498 : memref<32x512xf32, #tpu.memory_space<vmem>>[vector<16xi32>, vector<16xi32>], vector<16xf32>,
    %slice3A_499 = vector.extract_strided_slice %and3A_443 {offsets = [3], sizes = [1], strides = [1]} : vector<16xi32> to vector<1xi32>
    %squeeze3A_500 = vector.extract %slice3A_499[0] : i32 from vector<1xi32>
    %broadcast_in_dim3A_501 = vector.broadcast %squeeze3A_500 : i32 to vector<16xi32>
    %broadcast_in_dim3A_502 = arith.constant 507 : i32
    %broadcast_in_dim3A_503 = vector.broadcast %broadcast_in_dim3A_502 : i32 to vector<16xi32>
    %gather3A_504 = arith.constant 0 : i32
    %gather3A_505 = arith.constant 3 : i32
    %gather3A_506 = arith.constant 0 : i32
    %gather3A_507 = arith.constant 0 : i32
    %gather3A_508 = tpu.memref_slice %arg6[%gather3A_504, %gather3A_505, %gather3A_506, %gather3A_507] : memref<3x8x32x128xf32, #tpu.memory_space<vmem>> -> memref<1x1x32x128xf32, #tpu.memory_space<vmem>>
    %gather3A_509 = tpu.memref_squeeze %gather3A_508 : memref<1x1x32x128xf32, #tpu.memory_space<vmem>> -> memref<32x128xf32, #tpu.memory_space<vmem>>
    %gather3A_510 = tpu.vector_load_idx %gather3A_509[%iota3A, %broadcast_in_dim3A_501] : memref<32x128xf32, #tpu.memory_space<vmem>>[vector<16xi32>, vector<16xi32>], vector<16xf32>,
    %gather3A_511 = arith.constant 0 : i32
    %gather3A_512 = arith.constant 3 : i32
    %gather3A_513 = arith.constant 0 : i32
    %gather3A_514 = arith.constant 0 : i32
    %gather3A_515 = tpu.memref_slice %arg6[%gather3A_511, %gather3A_512, %gather3A_513, %gather3A_514] : memref<3x8x32x128xf32, #tpu.memory_space<vmem>> -> memref<1x1x32x128xf32, #tpu.memory_space<vmem>>
    %gather3A_516 = tpu.memref_squeeze %gather3A_515 : memref<1x1x32x128xf32, #tpu.memory_space<vmem>> -> memref<32x128xf32, #tpu.memory_space<vmem>>
    %gather3A_517 = tpu.vector_load_idx %gather3A_516[%add3A_5, %broadcast_in_dim3A_501] : memref<32x128xf32, #tpu.memory_space<vmem>>[vector<16xi32>, vector<16xi32>], vector<16xf32>,
    tpu.vector_store_idx %arg7[%iota3A, %broadcast_in_dim3A_503], %gather3A_510 : memref<32x512xf32, #tpu.memory_space<vmem>>[vector<16xi32>, vector<16xi32>], vector<16xf32>,
    tpu.vector_store_idx %arg7[%add3A_5, %broadcast_in_dim3A_503], %gather3A_517 : memref<32x512xf32, #tpu.memory_space<vmem>>[vector<16xi32>, vector<16xi32>], vector<16xf32>,
    %slice3A_518 = vector.extract_strided_slice %and3A_443 {offsets = [4], sizes = [1], strides = [1]} : vector<16xi32> to vector<1xi32>
    %squeeze3A_519 = vector.extract %slice3A_518[0] : i32 from vector<1xi32>
    %broadcast_in_dim3A_520 = vector.broadcast %squeeze3A_519 : i32 to vector<16xi32>
    %broadcast_in_dim3A_521 = arith.constant 508 : i32
    %broadcast_in_dim3A_522 = vector.broadcast %broadcast_in_dim3A_521 : i32 to vector<16xi32>
    %gather3A_523 = arith.constant 0 : i32
    %gather3A_524 = arith.constant 4 : i32
    %gather3A_525 = arith.constant 0 : i32
    %gather3A_526 = arith.constant 0 : i32
    %gather3A_527 = tpu.memref_slice %arg6[%gather3A_523, %gather3A_524, %gather3A_525, %gather3A_526] : memref<3x8x32x128xf32, #tpu.memory_space<vmem>> -> memref<1x1x32x128xf32, #tpu.memory_space<vmem>>
    %gather3A_528 = tpu.memref_squeeze %gather3A_527 : memref<1x1x32x128xf32, #tpu.memory_space<vmem>> -> memref<32x128xf32, #tpu.memory_space<vmem>>
    %gather3A_529 = tpu.vector_load_idx %gather3A_528[%iota3A, %broadcast_in_dim3A_520] : memref<32x128xf32, #tpu.memory_space<vmem>>[vector<16xi32>, vector<16xi32>], vector<16xf32>,
    %gather3A_530 = arith.constant 0 : i32
    %gather3A_531 = arith.constant 4 : i32
    %gather3A_532 = arith.constant 0 : i32
    %gather3A_533 = arith.constant 0 : i32
    %gather3A_534 = tpu.memref_slice %arg6[%gather3A_530, %gather3A_531, %gather3A_532, %gather3A_533] : memref<3x8x32x128xf32, #tpu.memory_space<vmem>> -> memref<1x1x32x128xf32, #tpu.memory_space<vmem>>
    %gather3A_535 = tpu.memref_squeeze %gather3A_534 : memref<1x1x32x128xf32, #tpu.memory_space<vmem>> -> memref<32x128xf32, #tpu.memory_space<vmem>>
    %gather3A_536 = tpu.vector_load_idx %gather3A_535[%add3A_5, %broadcast_in_dim3A_520] : memref<32x128xf32, #tpu.memory_space<vmem>>[vector<16xi32>, vector<16xi32>], vector<16xf32>,
    tpu.vector_store_idx %arg7[%iota3A, %broadcast_in_dim3A_522], %gather3A_529 : memref<32x512xf32, #tpu.memory_space<vmem>>[vector<16xi32>, vector<16xi32>], vector<16xf32>,
    tpu.vector_store_idx %arg7[%add3A_5, %broadcast_in_dim3A_522], %gather3A_536 : memref<32x512xf32, #tpu.memory_space<vmem>>[vector<16xi32>, vector<16xi32>], vector<16xf32>,
    %slice3A_537 = vector.extract_strided_slice %and3A_443 {offsets = [5], sizes = [1], strides = [1]} : vector<16xi32> to vector<1xi32>
    %squeeze3A_538 = vector.extract %slice3A_537[0] : i32 from vector<1xi32>
    %broadcast_in_dim3A_539 = vector.broadcast %squeeze3A_538 : i32 to vector<16xi32>
    %broadcast_in_dim3A_540 = arith.constant 509 : i32
    %broadcast_in_dim3A_541 = vector.broadcast %broadcast_in_dim3A_540 : i32 to vector<16xi32>
    %gather3A_542 = arith.constant 0 : i32
    %gather3A_543 = arith.constant 5 : i32
    %gather3A_544 = arith.constant 0 : i32
    %gather3A_545 = arith.constant 0 : i32
    %gather3A_546 = tpu.memref_slice %arg6[%gather3A_542, %gather3A_543, %gather3A_544, %gather3A_545] : memref<3x8x32x128xf32, #tpu.memory_space<vmem>> -> memref<1x1x32x128xf32, #tpu.memory_space<vmem>>
    %gather3A_547 = tpu.memref_squeeze %gather3A_546 : memref<1x1x32x128xf32, #tpu.memory_space<vmem>> -> memref<32x128xf32, #tpu.memory_space<vmem>>
    %gather3A_548 = tpu.vector_load_idx %gather3A_547[%iota3A, %broadcast_in_dim3A_539] : memref<32x128xf32, #tpu.memory_space<vmem>>[vector<16xi32>, vector<16xi32>], vector<16xf32>,
    %gather3A_549 = arith.constant 0 : i32
    %gather3A_550 = arith.constant 5 : i32
    %gather3A_551 = arith.constant 0 : i32
    %gather3A_552 = arith.constant 0 : i32
    %gather3A_553 = tpu.memref_slice %arg6[%gather3A_549, %gather3A_550, %gather3A_551, %gather3A_552] : memref<3x8x32x128xf32, #tpu.memory_space<vmem>> -> memref<1x1x32x128xf32, #tpu.memory_space<vmem>>
    %gather3A_554 = tpu.memref_squeeze %gather3A_553 : memref<1x1x32x128xf32, #tpu.memory_space<vmem>> -> memref<32x128xf32, #tpu.memory_space<vmem>>
    %gather3A_555 = tpu.vector_load_idx %gather3A_554[%add3A_5, %broadcast_in_dim3A_539] : memref<32x128xf32, #tpu.memory_space<vmem>>[vector<16xi32>, vector<16xi32>], vector<16xf32>,
    tpu.vector_store_idx %arg7[%iota3A, %broadcast_in_dim3A_541], %gather3A_548 : memref<32x512xf32, #tpu.memory_space<vmem>>[vector<16xi32>, vector<16xi32>], vector<16xf32>,
    tpu.vector_store_idx %arg7[%add3A_5, %broadcast_in_dim3A_541], %gather3A_555 : memref<32x512xf32, #tpu.memory_space<vmem>>[vector<16xi32>, vector<16xi32>], vector<16xf32>,
    %slice3A_556 = vector.extract_strided_slice %and3A_443 {offsets = [6], sizes = [1], strides = [1]} : vector<16xi32> to vector<1xi32>
    %squeeze3A_557 = vector.extract %slice3A_556[0] : i32 from vector<1xi32>
    %broadcast_in_dim3A_558 = vector.broadcast %squeeze3A_557 : i32 to vector<16xi32>
    %broadcast_in_dim3A_559 = arith.constant 510 : i32
    %broadcast_in_dim3A_560 = vector.broadcast %broadcast_in_dim3A_559 : i32 to vector<16xi32>
    %gather3A_561 = arith.constant 0 : i32
    %gather3A_562 = arith.constant 6 : i32
    %gather3A_563 = arith.constant 0 : i32
    %gather3A_564 = arith.constant 0 : i32
    %gather3A_565 = tpu.memref_slice %arg6[%gather3A_561, %gather3A_562, %gather3A_563, %gather3A_564] : memref<3x8x32x128xf32, #tpu.memory_space<vmem>> -> memref<1x1x32x128xf32, #tpu.memory_space<vmem>>
    %gather3A_566 = tpu.memref_squeeze %gather3A_565 : memref<1x1x32x128xf32, #tpu.memory_space<vmem>> -> memref<32x128xf32, #tpu.memory_space<vmem>>
    %gather3A_567 = tpu.vector_load_idx %gather3A_566[%iota3A, %broadcast_in_dim3A_558] : memref<32x128xf32, #tpu.memory_space<vmem>>[vector<16xi32>, vector<16xi32>], vector<16xf32>,
    %gather3A_568 = arith.constant 0 : i32
    %gather3A_569 = arith.constant 6 : i32
    %gather3A_570 = arith.constant 0 : i32
    %gather3A_571 = arith.constant 0 : i32
    %gather3A_572 = tpu.memref_slice %arg6[%gather3A_568, %gather3A_569, %gather3A_570, %gather3A_571] : memref<3x8x32x128xf32, #tpu.memory_space<vmem>> -> memref<1x1x32x128xf32, #tpu.memory_space<vmem>>
    %gather3A_573 = tpu.memref_squeeze %gather3A_572 : memref<1x1x32x128xf32, #tpu.memory_space<vmem>> -> memref<32x128xf32, #tpu.memory_space<vmem>>
    %gather3A_574 = tpu.vector_load_idx %gather3A_573[%add3A_5, %broadcast_in_dim3A_558] : memref<32x128xf32, #tpu.memory_space<vmem>>[vector<16xi32>, vector<16xi32>], vector<16xf32>,
    tpu.vector_store_idx %arg7[%iota3A, %broadcast_in_dim3A_560], %gather3A_567 : memref<32x512xf32, #tpu.memory_space<vmem>>[vector<16xi32>, vector<16xi32>], vector<16xf32>,
    tpu.vector_store_idx %arg7[%add3A_5, %broadcast_in_dim3A_560], %gather3A_574 : memref<32x512xf32, #tpu.memory_space<vmem>>[vector<16xi32>, vector<16xi32>], vector<16xf32>,
    %slice3A_575 = vector.extract_strided_slice %and3A_443 {offsets = [7], sizes = [1], strides = [1]} : vector<16xi32> to vector<1xi32>
    %squeeze3A_576 = vector.extract %slice3A_575[0] : i32 from vector<1xi32>
    %broadcast_in_dim3A_577 = vector.broadcast %squeeze3A_576 : i32 to vector<16xi32>
    %broadcast_in_dim3A_578 = arith.constant 511 : i32
    %broadcast_in_dim3A_579 = vector.broadcast %broadcast_in_dim3A_578 : i32 to vector<16xi32>
    %gather3A_580 = arith.constant 0 : i32
    %gather3A_581 = arith.constant 7 : i32
    %gather3A_582 = arith.constant 0 : i32
    %gather3A_583 = arith.constant 0 : i32
    %gather3A_584 = tpu.memref_slice %arg6[%gather3A_580, %gather3A_581, %gather3A_582, %gather3A_583] : memref<3x8x32x128xf32, #tpu.memory_space<vmem>> -> memref<1x1x32x128xf32, #tpu.memory_space<vmem>>
    %gather3A_585 = tpu.memref_squeeze %gather3A_584 : memref<1x1x32x128xf32, #tpu.memory_space<vmem>> -> memref<32x128xf32, #tpu.memory_space<vmem>>
    %gather3A_586 = tpu.vector_load_idx %gather3A_585[%iota3A, %broadcast_in_dim3A_577] : memref<32x128xf32, #tpu.memory_space<vmem>>[vector<16xi32>, vector<16xi32>], vector<16xf32>,
    %gather3A_587 = arith.constant 0 : i32
    %gather3A_588 = arith.constant 7 : i32
    %gather3A_589 = arith.constant 0 : i32
    %gather3A_590 = arith.constant 0 : i32
    %gather3A_591 = tpu.memref_slice %arg6[%gather3A_587, %gather3A_588, %gather3A_589, %gather3A_590] : memref<3x8x32x128xf32, #tpu.memory_space<vmem>> -> memref<1x1x32x128xf32, #tpu.memory_space<vmem>>
    %gather3A_592 = tpu.memref_squeeze %gather3A_591 : memref<1x1x32x128xf32, #tpu.memory_space<vmem>> -> memref<32x128xf32, #tpu.memory_space<vmem>>
    %gather3A_593 = tpu.vector_load_idx %gather3A_592[%add3A_5, %broadcast_in_dim3A_577] : memref<32x128xf32, #tpu.memory_space<vmem>>[vector<16xi32>, vector<16xi32>], vector<16xf32>,
    tpu.vector_store_idx %arg7[%iota3A, %broadcast_in_dim3A_579], %gather3A_586 : memref<32x512xf32, #tpu.memory_space<vmem>>[vector<16xi32>, vector<16xi32>], vector<16xf32>,
    tpu.vector_store_idx %arg7[%add3A_5, %broadcast_in_dim3A_579], %gather3A_593 : memref<32x512xf32, #tpu.memory_space<vmem>>[vector<16xi32>, vector<16xi32>], vector<16xf32>,
    "tpu.region"() ({
      %run_scoped3A = tpu.sem_alloc : memref<!tpu.dma_semaphore, #tpu.memory_space<semaphore_mem>>
      %dma_start3A_594 = arith.constant 0 : i32
      %dma_start3A_595 = tpu.memref_slice %arg4[%dma_start3A_594, %mul3A_2] : memref<32x16384xf32, #tpu.memory_space<hbm>> -> memref<32x512xf32, #tpu.memory_space<hbm>>
      %dma_start3A_596 = arith.constant 0 : i32
      %dma_start3A_597 = tpu.memref_slice %arg4[%dma_start3A_596, %mul3A_2] : memref<32x16384xf32, #tpu.memory_space<hbm>> -> memref<32x512xf32, #tpu.memory_space<hbm>>
      tpu.enqueue_dma source(%arg7 : memref<32x512xf32, #tpu.memory_space<vmem>>) target(%dma_start3A_597 : memref<32x512xf32, #tpu.memory_space<hbm>>) target_semaphore(%run_scoped3A : memref<!tpu.dma_semaphore, #tpu.memory_space<semaphore_mem>>)
      %dma_wait3A_598 = arith.constant 0 : i32
      %dma_wait3A_599 = tpu.memref_slice %arg4[%dma_wait3A_598, %mul3A_2] : memref<32x16384xf32, #tpu.memory_space<hbm>> -> memref<32x512xf32, #tpu.memory_space<hbm>>
      %dma_wait3A_600 = arith.constant 0 : i32
      %dma_wait3A_601 = tpu.memref_slice %arg4[%dma_wait3A_600, %mul3A_2] : memref<32x16384xf32, #tpu.memory_space<hbm>> -> memref<32x512xf32, #tpu.memory_space<hbm>>
      tpu.wait_dma2 semaphore(%run_scoped3A : memref<!tpu.dma_semaphore, #tpu.memory_space<semaphore_mem>>) src(%arg7 : memref<32x512xf32, #tpu.memory_space<vmem>>) dst(%dma_wait3A_601 : memref<32x512xf32, #tpu.memory_space<hbm>>)
      tpu.yield
    }) : () -> ()
    return
  }
}

</mosaic_0001>

<sc_bundles>
// kernel: kernel.3.cloned.1.call-start
scs
__scs_entry_jumppad:
0x0: {  	(pc) =	sbr.rel $0x88, $3  }
0x1: {  	(tag) =	ssettag $0x0;
	lr =	simm.s32 $0x1  }
0x2: {  	[smem:$0x3F9F] =	sst lr;
	_ =	strace $0xD0000000  }
0x3: {  	_ = 	snop  }
0x4: {  	_ = 	snop  }
0x5: {  	_ = 	snop  }
0x6: {  	_ = 	snop  }
0x7: {  	_ = 	snop  }
__scs_overlays_trampoline_lowered:
0x8: {  	[smem:$0x3FAE] =	sst s0  }
0x9: {  	[smem:$0x3FAF] =	sst s1  }
0xa: {  	[smem:$0x3FB0] =	sst s2  }
0xb: {  	[smem:$0x3FB1] =	sst s3  }
0xc: {  	[smem:$0x3FB2] =	sst s4  }
0xd: {  	[smem:$0x3FB3] =	sst s5  }
0xe: {  	[smem:$0x3FB4] =	sst s6  }
0xf: {  	[smem:$0x3FB5] =	sst s7  }
0x10: {  	[smem:$0x3FB6] =	sst s8  }
0x11: {  	[smem:$0x3FB7] =	sst s9;
	s0 =	simm.s32 @!p0 $0x0  }
0x12: {  	s1 =	sld [smem:$0x3F9D];
	s0 =	simm.s32 @p0 $0x1  }
0x13: {  	[smem:$0x3FB8] =	sst s0;
	s0 =	simm.s32 @!p1 $0x0  }
0x14: {  	s2 =	sld [smem:$0x3F9C];
	s0 =	simm.s32 @p1 $0x1  }
0x15: {  	[smem:$0x3FB9] =	sst s0;
	s0 =	simm.s32 @!p2 $0x0  }
0x16: {  	s3 =	sld [smem:$0x3FDB];
	s0 =	simm.s32 @p2 $0x1  }
0x17: {  	s4 =	simm.s32 $0x1BF5;
	[smem:$0x3FBB] =	sst s0  }
0x18: {  	s0 =	sld [smem:$0x3F9E];
	_ =	swait.ge [sflag:s4], $0x0  }
0x19: {  	s7 =	sld [smem:$0x3F9F]  }
0x1a: {  	s8 =	sadd.s32 $0xFFFFE003, lr  }
0x1b: {  	s9 =	sadd.s32 $0xFFFFFEF7, lr;
	s5 =	simm.s32 $0xFFFFFFFF;
	p2 =	slt.u32 s8, $0xFFFFF086  }
0x1c: {  	p1 =	slt.u32 s9, $0xF7A;
	s5 =	simm.s32 @!p2 $0x0  }
0x1d: {  	s5 =	simm.s32 @p1 $0x1;
	p0 =	seq.s32 s7, s2  }
0x1e: {  	s7 =	smul.u32 @!p0 $0xF7A, s2;
	p2 =	seq.s32 @!p0 s5, $0x0  }
0x1f: {  	s9 =	smul.u32 $0xF7A, s1;
	s8 =	simm.s32 @!p0 $0x1BF5;
	p2 =	por !p2, p0  }
0x20: {  	[sflag:s8] =	ssyncset.s32 @!p0 $0xFFFFF086;
	s6 =	sadd.s32 @!p0 s3, s7;
	s7 =	simm.s32 @!p0 $0x108  }
0x21: {  	s3 =	sadd.s32 s3, s9;
	s6 =	sadd.s32 @!p0 $0x88, s6;
	s7 =	simm.s32 @p2 $0x1082  }
0x22: {  	[simem:s7], [sflag:s8] =	dma.local @!p0 [hbm:s6], $0xF7A  }
0x23: {  	s9 =	sor.u32 $0xD0000000, s2;
	s6 =	simm.s32 $0x108;
	_ =	swait.ge @!p0 [sflag:s8], $0x0  }
0x24: {  	s3 =	sadd.s32 $0x88, s3;
	s6 =	simm.s32 @!p1 $0x1082;
	[sflag:s4] =	ssyncset.s32 $0xFFFFF086  }
0x25: {  	[simem:s6], [sflag:s4] =	dma.local [hbm:s3], $0xF7A  }
0x26: {  	[smem:$0x3F9F] =	sst s1;
	(tag) =	ssettag s2;
	_ =	strace s9  }
0x27: {  	s1 =	sld [smem:$0x3FAF]  }
0x28: {  	s2 =	sld [smem:$0x3FB0]  }
0x29: {  	s4 =	sld [smem:$0x3FB2]  }
0x2a: {  	p0 =	seq.s32 s5, $0x0;
	s5 =	sld [smem:$0x3FB3]  }
0x2b: {  	s6 =	sld [smem:$0x3FB4]  }
0x2c: {  	s7 =	sld [smem:$0x3FB5]  }
0x2d: {  	s3 =	simm.s32 $0x108;
	s8 =	sld [smem:$0x3FB6]  }
0x2e: {  	s3 =	simm.s32 @!p0 $0x1082;
	s9 =	sld [smem:$0x3FB7]  }
0x2f: {  	lr =	sadd.s32 s0, s3;
	s0 =	sld [smem:$0x3FAE]  }
0x30: {  	s3 =	sld [smem:$0x3FB1]  }
0x31: {  	[smem:$0x3FBA] =	sst s10  }
0x32: {  	s10 =	sld [smem:$0x3FB8];
	_ =	sdelay $0x3  }
0x33: {  	p0 =	seq.s32 s10, $0x1;
	s10 =	sld [smem:$0x3FBA];
	_ =	sdelay $0x3  }
0x34: {  	[smem:$0x3FBA] =	sst s10  }
0x35: {  	s10 =	sld [smem:$0x3FB9];
	_ =	sdelay $0x3  }
0x36: {  	p1 =	seq.s32 s10, $0x1;
	s10 =	sld [smem:$0x3FBA];
	_ =	sdelay $0x3  }
0x37: {  	[smem:$0x3FBA] =	sst s10  }
0x38: {  	s10 =	sld [smem:$0x3FBB]  }
0x39: {  	_ = 	snop;
	(pc) =	sbr.ind lr, $3  }
0x3a: {  	_ = 	snop  }
0x3b: {  	_ = 	snop  }
0x3c: {  	p2 =	seq.s32 s10, $0x1;
	s10 =	sld [smem:$0x3FBA]  }
0x3d: {  	_ =	shalt  }
0x3e: {  	_ =	shalt  }
0x3f: {  	_ =	shalt  }
0x40: {  	_ =	shalt  }
0x41: {  	_ =	shalt  }
0x42: {  	_ =	shalt  }
0x43: {  	_ =	shalt  }
0x44: {  	_ =	shalt  }
0x45: {  	_ =	shalt  }
0x46: {  	_ =	shalt  }
0x47: {  	_ =	shalt  }
0x48: {  	_ =	shalt  }
0x49: {  	_ =	shalt  }
0x4a: {  	_ =	shalt  }
0x4b: {  	_ =	shalt  }
0x4c: {  	_ =	shalt  }
0x4d: {  	_ =	shalt  }
0x4e: {  	_ =	shalt  }
0x4f: {  	_ =	shalt  }
0x50: {  	_ =	shalt  }
0x51: {  	_ =	shalt  }
0x52: {  	_ =	shalt  }
0x53: {  	_ =	shalt  }
0x54: {  	_ =	shalt  }
0x55: {  	_ =	shalt  }
0x56: {  	_ =	shalt  }
0x57: {  	_ =	shalt  }
0x58: {  	_ =	shalt  }
0x59: {  	_ =	shalt  }
0x5a: {  	_ =	shalt  }
0x5b: {  	_ =	shalt  }
0x5c: {  	_ =	shalt  }
0x5d: {  	_ =	shalt  }
0x5e: {  	_ =	shalt  }
0x5f: {  	_ =	shalt  }
0x60: {  	_ =	shalt  }
0x61: {  	_ =	shalt  }
0x62: {  	_ =	shalt  }
0x63: {  	_ =	shalt  }
0x64: {  	_ =	shalt  }
0x65: {  	_ =	shalt  }
0x66: {  	_ =	shalt  }
0x67: {  	_ =	shalt  }
0x68: {  	_ =	shalt  }
0x69: {  	_ =	shalt  }
0x6a: {  	_ =	shalt  }
0x6b: {  	_ =	shalt  }
0x6c: {  	_ =	shalt  }
0x6d: {  	_ =	shalt  }
0x6e: {  	_ =	shalt  }
0x6f: {  	_ =	shalt  }
0x70: {  	_ =	shalt  }
0x71: {  	_ =	shalt  }
0x72: {  	_ =	shalt  }
0x73: {  	_ =	shalt  }
0x74: {  	_ =	shalt  }
0x75: {  	_ =	shalt  }
0x76: {  	_ =	shalt  }
0x77: {  	_ =	shalt  }
0x78: {  	_ =	shalt  }
0x79: {  	_ =	shalt  }
0x7a: {  	_ =	shalt  }
0x7b: {  	_ =	shalt  }
0x7c: {  	_ =	shalt  }
0x7d: {  	_ =	shalt  }
0x7e: {  	_ =	shalt  }
0x7f: {  	_ =	shalt  }
0x80: {  	_ =	shalt  }
0x81: {  	_ =	shalt  }
0x82: {  	_ =	shalt  }
0x83: {  	_ =	shalt  }
0x84: {  	_ =	shalt  }
0x85: {  	_ =	shalt  }
0x86: {  	_ =	shalt  }
0x87: {  	_ =	shalt  }
.Lfunc_end0:
.L_simem_size_0:
called_computation_lowered:
.L_overlay_start_0:
0x88: {  	s2 =	sld [smem:$0x3FD9]  }
0x89: {  	s3 =	sld [smem:$0x3FFE];
	_ =	sdelay $0x1  }
0x8a: {  	s1 =	srdreg.scid  }
0x8b: {  	s0 =	sand.u32 $0x1, s1  }
0x8c: {  	s18 =	sshll.u32 s0, $0xA;
	s2 =	sadd.s32 s3, s2  }
0x8d: {  	s2 =	sadd.s32 s2, s18  }
0x8e: {  	[smem:$0x3FC6] =	sst s2  }
0x8f: {  	_ = 	snop  }
0x90: {  	s2 =	sld [smem:$0x3FC9]  }
0x91: {  	s19 =	sld [smem:$0x3FC8]  }
0x92: {  	s4 =	sld [smem:$0x3FD0];
	(tm) =	ssettm $0x1  }
0x93: {  	s5 =	sld [smem:$0x3FFB];
	_ =	sdelay $0x3  }
0x94: {  	_ =	strace s5  }
0x95: {  	s5 =	sld [smem:$0x3FFC];
	_ =	sdelay $0x3  }
0x96: {  	_ =	strace s5  }
0x97: {  	s5 =	sld [smem:$0x3FFD];
	_ =	sdelay $0x3  }
0x98: {  	_ =	strace s5  }
0x99: {  	_ =	strace $0x8FFFFFFF  }
0x9a: {  	s20 =	sld [smem:$0x3FDB];
	_ =	sdelay $0x1  }
0x9b: {  	s6 =	simm.s32 $_scs_section_size  }
0x9c: {  	s7 =	simm.s32 $_size__tile_overlayer_lowered;
	s8 =	simm.s32 $_tile_overlayer_lowered  }
0x9d: {  	s23 =	simm.s32 $0x1BFF;
	s22 =	sshll.u32 s8, $0x1;
	s5 =	sadd.s32 s6, s20  }
0x9e: {  	s9 =	simm.s32 $0x0;
	s21 =	sshll.u32 s7, $0x1;
	s7 =	sadd.s32 s22, s5  }
0x9f: {  	[timem:s9], [sflag:s23] =	dma.local [hbm:s7], s21  }
0xa0: {  	_ =	swait.ge [sflag:s23], s21  }
0xa1: {  	s6 =	ssub.s32 $0x0, s21;
	[sflag:s23] =	ssyncset.done $0x0  }
0xa2: {  	[sflag:s23] =	ssyncadd.s32 s6;
	_ =	sdelay $0x1  }
0xa3: {  	s24 =	simm.s32 $0x1B8B  }
0xa4: {  	_ =	swait.ge [sflag:s24], $0x1  }
0xa5: {  	[sflag:s24] =	ssyncset.done $0x0  }
0xa6: {  	s25 =	simm.s32 $0x1B8E;
	[sflag:s24] =	ssyncadd.s32 $0xFFFFFFFF  }
0xa7: {  	s26 =	simm.s32 $execute0_lowered;
	[smem:$0x3FD2] =	sst s25  }
0xa8: {  	s6 =	sshll.u32 s26, $0x1;
	_ =	strace $0x80000046;
	[dreg:$0x1] =	wrdreg $0xFFFFFFFF  }
0xa9: {  	s28 =	simm.s32 $_size_execute0_lowered;
	s5 =	sadd.s32 s5, s6;
	[dreg:$0x0] =	wrdreg $0x0  }
0xaa: {  	s6 =	sshll.u32 s28, $0x1;
	[dreg:$0x2] =	wrdreg s5  }
0xab: {  	[dreg:$0x3] =	wrdreg s6  }
0xac: {  	[dreg:$0x4] =	wrdreg $0xC0  }
0xad: {  	_ =	task [dreg:s9], $0x5FFFF  }
0xae: {  	[dreg:$0x1] =	wrdreg $0xFFFFFFFF  }
0xaf: {  	[dreg:$0x0] =	wrdreg $0x60  }
0xb0: {  	[dreg:$0x2] =	wrdreg s2  }
0xb1: {  	[dreg:$0x3] =	wrdreg s19  }
0xb2: {  	[dreg:$0x4] =	wrdreg s4  }
0xb3: {  	[dreg:$0x5] =	wrdreg $0x9  }
0xb4: {  	_ =	task.clear_ibuf [dreg:s9], $0x6FFFF;
	_ =	strace $0x90000046  }
0xb5: {  	s29 =	simm.s32 $0x9;
	_ =	strace $0x80000048  }
0xb6: {  	_ =	swait.ge [sflag:s29], $0x1  }
0xb7: {  	[sflag:s29] =	ssyncadd.s32 $0xFFFFFFFF  }
0xb8: {  	_ =	strace $0x90000048  }
0xb9: {  	_ =	sfence  }
0xba: {  	s30 =	sld [smem:$0x0];
	_ =	sdelay $0x2  }
0xbb: {  	s31 =	sshll.u32 s1, $0xD;
	s1 =	sshrl.u32 s1, $0x2  }
0xbc: {  	s3 =	sand.u32 $0x4000, s31;
	s1 =	sadd.s32 s1, s30  }
0xbd: {  	s0 =	sor.u32 s3, s0;
	s1 =	sshll.u32 s1, $0x11  }
0xbe: {  	s0 =	sor.u32 s1, s0  }
0xbf: {  	s0 =	sadd.s32 $0x8F2B, s0  }
0xc0: {  	[sflag:s0] =	ssyncadd.remote.s32 $0x1  }
0xc1: {  	_ =	sfence.sel $0xFFFF  }
0xc2: {  	[dreg:$0x0] =	wrdreg $0xFFFFFFFF;
	(pc) =	sbr.abs _section_cstart, $3  }
0xc3: {  	[dreg:$0x1] =	wrdreg $0xFFFFFFFF  }
0xc4: {  	_ =	task.clear_ibuf [dreg:s9], $0x2FFFF;
	_ =	strace $0x9FFFFFFF  }
0xc5: {  	(tm) =	ssettm $0x7FFFFFFF  }
tec
execute0_lowered:
.L_overlay_start_1:
0x0: {  	(tag) =	ssettag $0x1  }
0x1: {  	v0 =	vimm.s32 $0x1380;
	vm14 =	vcmask $0x300;
	vm13 =	vcmask $0x704  }
0x2: {  	vm12 =	vcmask $0xB08;
	vm11 =	vcmask $0xF0C;
	v1 =	vlaneseq.u32  }
0x3: {  	vm10 =	vcmask $0x1310;
	vm9 =	vcmask $0x1714;
	vm3 =	vcmask $0x1B18  }
0x4: {  	vm0 =	vcmask $0x1F1C;
	v3 =	vimm.s32 $0x3380;
	v4 =	vimm.s32 $0x1FF8  }
0x5: {  	vm1 =	vcmask $0x2320;
	vm2 =	vcmask $0x2724;
	vm4 =	vcmask $0x2B28  }
0x6: {  	vm5 =	vcmask $0x2F2C;
	vm6 =	vcmask $0x3330;
	vm7 =	vcmask $0x3734  }
0x7: {  	vm8 =	vcmask $0x3B38;
	v5 =	vimm.s32 $0x3FF8;
	v6 =	vimm.s32 $0x1FF9  }
0x8: {  	v7 =	vimm.s32 $0x3FF9;
	v8 =	vimm.s32 $0x1FFA;
	v9 =	vimm.s32 $0x3FFA  }
0x9: {  	v10 =	vimm.s32 $0x1FFB;
	v11 =	vimm.s32 $0x3FFB;
	v12 =	vimm.s32 $0x1FFC  }
0xa: {  	v13 =	vimm.s32 $0x3FFC;
	v14 =	vimm.s32 $0x1FFD;
	v15 =	vimm.s32 $0x3FFD  }
0xb: {  	v16 =	vimm.s32 $0x1FFE;
	v17 =	vimm.s32 $0x3FFE;
	v18 =	vimm.s32 $0x1FFF  }
0xc: {  	v19 =	vimm.s32 $0x3FFF;
	v0 =	vsel vm14, $0x0, v0;
	v3 =	vsel vm14, $0x2000, v3  }
0xd: {  	v4 =	vsel vm14, $0xC78, v4;
	v5 =	vsel vm14, $0x2C78, v5;
	v6 =	vsel vm14, $0xC79, v6  }
0xe: {  	v7 =	vsel vm14, $0x2C79, v7;
	v8 =	vsel vm14, $0xC7A, v8;
	v9 =	vsel vm14, $0x2C7A, v9  }
0xf: {  	v10 =	vsel vm14, $0xC7B, v10;
	v11 =	vsel vm14, $0x2C7B, v11;
	v12 =	vsel vm14, $0xC7C, v12  }
0x10: {  	v13 =	vsel vm14, $0x2C7C, v13;
	v14 =	vsel vm14, $0xC7D, v14;
	v15 =	vsel vm14, $0x2C7D, v15  }
0x11: {  	v16 =	vsel vm14, $0xC7E, v16;
	v17 =	vsel vm14, $0x2C7E, v17;
	v18 =	vsel vm14, $0xC7F, v18  }
0x12: {  	v19 =	vsel vm14, $0x2C7F, v19;
	v0 =	vsel vm13, $0x80, v0;
	v3 =	vsel vm13, $0x2080, v3  }
0x13: {  	v4 =	vsel vm13, $0xCF8, v4;
	v5 =	vsel vm13, $0x2CF8, v5;
	v6 =	vsel vm13, $0xCF9, v6  }
0x14: {  	v7 =	vsel vm13, $0x2CF9, v7;
	v8 =	vsel vm13, $0xCFA, v8;
	v9 =	vsel vm13, $0x2CFA, v9  }
0x15: {  	v10 =	vsel vm13, $0xCFB, v10;
	v11 =	vsel vm13, $0x2CFB, v11;
	v12 =	vsel vm13, $0xCFC, v12  }
0x16: {  	v13 =	vsel vm13, $0x2CFC, v13;
	v14 =	vsel vm13, $0xCFD, v14;
	v15 =	vsel vm13, $0x2CFD, v15  }
0x17: {  	v16 =	vsel vm13, $0xCFE, v16;
	v17 =	vsel vm13, $0x2CFE, v17;
	v18 =	vsel vm13, $0xCFF, v18  }
0x18: {  	v19 =	vsel vm13, $0x2CFF, v19;
	v0 =	vsel vm12, $0x100, v0;
	v3 =	vsel vm12, $0x2100, v3  }
0x19: {  	v4 =	vsel vm12, $0xD78, v4;
	v5 =	vsel vm12, $0x2D78, v5;
	v6 =	vsel vm12, $0xD79, v6  }
0x1a: {  	v7 =	vsel vm12, $0x2D79, v7;
	v8 =	vsel vm12, $0xD7A, v8;
	v9 =	vsel vm12, $0x2D7A, v9  }
0x1b: {  	v10 =	vsel vm12, $0xD7B, v10;
	v11 =	vsel vm12, $0x2D7B, v11;
	v12 =	vsel vm12, $0xD7C, v12  }
0x1c: {  	v13 =	vsel vm12, $0x2D7C, v13;
	v14 =	vsel vm12, $0xD7D, v14;
	v15 =	vsel vm12, $0x2D7D, v15  }
0x1d: {  	v16 =	vsel vm12, $0xD7E, v16;
	v17 =	vsel vm12, $0x2D7E, v17;
	v18 =	vsel vm12, $0xD7F, v18  }
0x1e: {  	v19 =	vsel vm12, $0x2D7F, v19;
	v2 =	vsel vm11, $0x180, v0;
	v0 =	vmul.u32 $0x80, v1  }
0x1f: {  	v3 =	vsel vm11, $0x2180, v3;
	v4 =	vsel vm11, $0xDF8, v4;
	v5 =	vsel vm11, $0x2DF8, v5  }
0x20: {  	v6 =	vsel vm11, $0xDF9, v6;
	v7 =	vsel vm11, $0x2DF9, v7;
	v8 =	vsel vm11, $0xDFA, v8  }
0x21: {  	v9 =	vsel vm11, $0x2DFA, v9;
	v10 =	vsel vm11, $0xDFB, v10;
	v11 =	vsel vm11, $0x2DFB, v11  }
0x22: {  	v12 =	vsel vm11, $0xDFC, v12;
	v13 =	vsel vm11, $0x2DFC, v13;
	v14 =	vsel vm11, $0xDFD, v14  }
0x23: {  	v15 =	vsel vm11, $0x2DFD, v15;
	v16 =	vsel vm11, $0xDFE, v16;
	v17 =	vsel vm11, $0x2DFE, v17  }
0x24: {  	v18 =	vsel vm11, $0xDFF, v18;
	v19 =	vsel vm11, $0x2DFF, v19;
	v1 =	vsel vm10, $0x200, v2  }
0x25: {  	v3 =	vsel vm10, $0x2200, v3;
	v4 =	vsel vm10, $0xE78, v4;
	v5 =	vsel vm10, $0x2E78, v5  }
0x26: {  	v6 =	vsel vm10, $0xE79, v6;
	v7 =	vsel vm10, $0x2E79, v7;
	v8 =	vsel vm10, $0xE7A, v8  }
0x27: {  	v9 =	vsel vm10, $0x2E7A, v9;
	v10 =	vsel vm10, $0xE7B, v10;
	v11 =	vsel vm10, $0x2E7B, v11  }
0x28: {  	v12 =	vsel vm10, $0xE7C, v12;
	v13 =	vsel vm10, $0x2E7C, v13;
	v14 =	vsel vm10, $0xE7D, v14  }
0x29: {  	v15 =	vsel vm10, $0x2E7D, v15;
	v16 =	vsel vm10, $0xE7E, v16;
	v17 =	vsel vm10, $0x2E7E, v17  }
0x2a: {  	v18 =	vsel vm10, $0xE7F, v18;
	v19 =	vsel vm10, $0x2E7F, v19;
	v2 =	vsel vm9, $0x280, v1  }
0x2b: {  	v1 =	vor.u32 $0x800, v0;
	v3 =	vsel vm9, $0x2280, v3;
	v4 =	vsel vm9, $0xEF8, v4  }
0x2c: {  	v5 =	vsel vm9, $0x2EF8, v5;
	v6 =	vsel vm9, $0xEF9, v6;
	v7 =	vsel vm9, $0x2EF9, v7  }
0x2d: {  	v8 =	vsel vm9, $0xEFA, v8;
	v9 =	vsel vm9, $0x2EFA, v9;
	v10 =	vsel vm9, $0xEFB, v10  }
0x2e: {  	v11 =	vsel vm9, $0x2EFB, v11;
	v12 =	vsel vm9, $0xEFC, v12;
	v13 =	vsel vm9, $0x2EFC, v13  }
0x2f: {  	v14 =	vsel vm9, $0xEFD, v14;
	v15 =	vsel vm9, $0x2EFD, v15;
	v16 =	vsel vm9, $0xEFE, v16  }
0x30: {  	v17 =	vsel vm9, $0x2EFE, v17;
	v18 =	vsel vm9, $0xEFF, v18;
	v19 =	vsel vm9, $0x2EFF, v19  }
0x31: {  	v2 =	vsel vm3, $0x300, v2;
	v3 =	vsel vm3, $0x2300, v3;
	v4 =	vsel vm3, $0xF78, v4  }
0x32: {  	v5 =	vsel vm3, $0x2F78, v5;
	v6 =	vsel vm3, $0xF79, v6;
	v7 =	vsel vm3, $0x2F79, v7  }
0x33: {  	v8 =	vsel vm3, $0xF7A, v8;
	v9 =	vsel vm3, $0x2F7A, v9;
	v10 =	vsel vm3, $0xF7B, v10  }
0x34: {  	v11 =	vsel vm3, $0x2F7B, v11;
	v12 =	vsel vm3, $0xF7C, v12;
	v13 =	vsel vm3, $0x2F7C, v13  }
0x35: {  	v14 =	vsel vm3, $0xF7D, v14;
	v15 =	vsel vm3, $0x2F7D, v15;
	v16 =	vsel vm3, $0xF7E, v16  }
0x36: {  	v17 =	vsel vm3, $0x2F7E, v17;
	v18 =	vsel vm3, $0xF7F, v18;
	v19 =	vsel vm3, $0x2F7F, v19  }
0x37: {  	v2 =	vsel vm0, $0x380, v2;
	v3 =	vsel vm0, $0x2380, v3;
	v4 =	vsel vm0, $0xFF8, v4  }
0x38: {  	v5 =	vsel vm0, $0x2FF8, v5;
	v6 =	vsel vm0, $0xFF9, v6;
	v7 =	vsel vm0, $0x2FF9, v7  }
0x39: {  	v8 =	vsel vm0, $0xFFA, v8;
	v9 =	vsel vm0, $0x2FFA, v9;
	v10 =	vsel vm0, $0xFFB, v10  }
0x3a: {  	v11 =	vsel vm0, $0x2FFB, v11;
	v12 =	vsel vm0, $0xFFC, v12;
	v13 =	vsel vm0, $0x2FFC, v13  }
0x3b: {  	v14 =	vsel vm0, $0xFFD, v14;
	v15 =	vsel vm0, $0x2FFD, v15;
	v16 =	vsel vm0, $0xFFE, v16  }
0x3c: {  	v17 =	vsel vm0, $0x2FFE, v17;
	v18 =	vsel vm0, $0xFFF, v18;
	v19 =	vsel vm0, $0x2FFF, v19  }
0x3d: {  	v2 =	vsel vm1, $0x1000, v2;
	v3 =	vsel vm1, $0x3000, v3;
	v4 =	vsel vm1, $0x1C78, v4  }
0x3e: {  	v5 =	vsel vm1, $0x3C78, v5;
	v6 =	vsel vm1, $0x1C79, v6;
	v7 =	vsel vm1, $0x3C79, v7  }
0x3f: {  	v8 =	vsel vm1, $0x1C7A, v8;
	v9 =	vsel vm1, $0x3C7A, v9;
	v10 =	vsel vm1, $0x1C7B, v10  }
0x40: {  	v11 =	vsel vm1, $0x3C7B, v11;
	v12 =	vsel vm1, $0x1C7C, v12;
	v13 =	vsel vm1, $0x3C7C, v13  }
0x41: {  	v14 =	vsel vm1, $0x1C7D, v14;
	v15 =	vsel vm1, $0x3C7D, v15;
	v16 =	vsel vm1, $0x1C7E, v16  }
0x42: {  	v17 =	vsel vm1, $0x3C7E, v17;
	v18 =	vsel vm1, $0x1C7F, v18;
	v19 =	vsel vm1, $0x3C7F, v19  }
0x43: {  	v2 =	vsel vm2, $0x1080, v2;
	v3 =	vsel vm2, $0x3080, v3;
	v4 =	vsel vm2, $0x1CF8, v4  }
0x44: {  	v5 =	vsel vm2, $0x3CF8, v5;
	v6 =	vsel vm2, $0x1CF9, v6;
	v7 =	vsel vm2, $0x3CF9, v7  }
0x45: {  	v8 =	vsel vm2, $0x1CFA, v8;
	v9 =	vsel vm2, $0x3CFA, v9;
	v10 =	vsel vm2, $0x1CFB, v10  }
0x46: {  	v11 =	vsel vm2, $0x3CFB, v11;
	v12 =	vsel vm2, $0x1CFC, v12;
	v13 =	vsel vm2, $0x3CFC, v13  }
0x47: {  	v14 =	vsel vm2, $0x1CFD, v14;
	v15 =	vsel vm2, $0x3CFD, v15;
	v16 =	vsel vm2, $0x1CFE, v16  }
0x48: {  	v17 =	vsel vm2, $0x3CFE, v17;
	v18 =	vsel vm2, $0x1CFF, v18;
	v19 =	vsel vm2, $0x3CFF, v19  }
0x49: {  	v2 =	vsel vm4, $0x1100, v2;
	v3 =	vsel vm4, $0x3100, v3;
	v4 =	vsel vm4, $0x1D78, v4  }
0x4a: {  	v5 =	vsel vm4, $0x3D78, v5;
	v6 =	vsel vm4, $0x1D79, v6;
	v7 =	vsel vm4, $0x3D79, v7  }
0x4b: {  	v8 =	vsel vm4, $0x1D7A, v8;
	v9 =	vsel vm4, $0x3D7A, v9;
	v10 =	vsel vm4, $0x1D7B, v10  }
0x4c: {  	v11 =	vsel vm4, $0x3D7B, v11;
	v12 =	vsel vm4, $0x1D7C, v12;
	v13 =	vsel vm4, $0x3D7C, v13  }
0x4d: {  	v14 =	vsel vm4, $0x1D7D, v14;
	v15 =	vsel vm4, $0x3D7D, v15;
	v16 =	vsel vm4, $0x1D7E, v16  }
0x4e: {  	v17 =	vsel vm4, $0x3D7E, v17;
	v18 =	vsel vm4, $0x1D7F, v18;
	v19 =	vsel vm4, $0x3D7F, v19  }
0x4f: {  	v2 =	vsel vm5, $0x1180, v2;
	v3 =	vsel vm5, $0x3180, v3;
	v4 =	vsel vm5, $0x1DF8, v4  }
0x50: {  	v5 =	vsel vm5, $0x3DF8, v5;
	v6 =	vsel vm5, $0x1DF9, v6;
	v7 =	vsel vm5, $0x3DF9, v7  }
0x51: {  	v8 =	vsel vm5, $0x1DFA, v8;
	v9 =	vsel vm5, $0x3DFA, v9;
	v10 =	vsel vm5, $0x1DFB, v10  }
0x52: {  	v11 =	vsel vm5, $0x3DFB, v11;
	v12 =	vsel vm5, $0x1DFC, v12;
	v13 =	vsel vm5, $0x3DFC, v13  }
0x53: {  	v14 =	vsel vm5, $0x1DFD, v14;
	v15 =	vsel vm5, $0x3DFD, v15;
	v16 =	vsel vm5, $0x1DFE, v16  }
0x54: {  	v17 =	vsel vm5, $0x3DFE, v17;
	v18 =	vsel vm5, $0x1DFF, v18;
	v19 =	vsel vm5, $0x3DFF, v19  }
0x55: {  	s1 =	rddreg [dreg:$0x0];
	v2 =	vsel vm6, $0x1200, v2;
	v3 =	vsel vm6, $0x3200, v3;
	v4 =	vsel vm6, $0x1E78, v4  }
0x56: {  	s0 =	rddreg [dreg:$0x1];
	s2 =	srdreg.scid;
	v5 =	vsel vm6, $0x3E78, v5;
	v6 =	vsel vm6, $0x1E79, v6;
	v7 =	vsel vm6, $0x3E79, v7  }
0x57: {  	s3 =	rddreg [dreg:$0x2];
	s4 =	stileid.u32;
	s6 =	simm.s32 $0x0;
	v8 =	vsel vm6, $0x1E7A, v8;
	v9 =	vsel vm6, $0x3E7A, v9;
	v10 =	vsel vm6, $0x1E7B, v10  }
0x58: {  	s7 =	simm.s32 $0x400;
	s20 =	simm.s32 $0x4;
	s9 =	simm.s32 $0x7A1400;
	v11 =	vsel vm6, $0x3E7B, v11;
	v12 =	vsel vm6, $0x1E7C, v12;
	v13 =	vsel vm6, $0x3E7C, v13  }
0x59: {  	s10 =	simm.s32 $0x280;
	s11 =	simm.s32 $0x1280;
	s12 =	simm.s32 $0x2280;
	v14 =	vsel vm6, $0x1E7D, v14;
	v15 =	vsel vm6, $0x3E7D, v15;
	v16 =	vsel vm6, $0x1E7E, v16  }
0x5a: {  	s13 =	simm.s32 $0x3280;
	s14 =	simm.s32 $0x4280;
	s15 =	simm.s32 $0x5280;
	v17 =	vsel vm6, $0x3E7E, v17;
	v18 =	vsel vm6, $0x1E7F, v18;
	v19 =	vsel vm6, $0x3E7F, v19  }
0x5b: {  	s16 =	simm.s32 $0x6280;
	s17 =	simm.s32 $0x7280;
	s21 =	simm.s32 $0x8280;
	v2 =	vsel vm7, $0x1280, v2;
	v3 =	vsel vm7, $0x3280, v3;
	v4 =	vsel vm7, $0x1EF8, v4  }
0x5c: {  	s22 =	simm.s32 $0x9280;
	s28 =	simm.s32 $0x11280;
	s29 =	simm.s32 $0x12280;
	v5 =	vsel vm7, $0x3EF8, v5;
	v6 =	vsel vm7, $0x1EF9, v6;
	v7 =	vsel vm7, $0x3EF9, v7  }
0x5d: {  	s30 =	simm.s32 $0x13280;
	s31 =	simm.s32 $0x14280;
	s8 =	simm.s32 $0x3;
	v8 =	vsel vm7, $0x1EFA, v8;
	v9 =	vsel vm7, $0x3EFA, v9;
	v10 =	vsel vm7, $0x1EFB, v10  }
0x5e: {  	s19 =	simm.s32 $0x0;
	s2 =	sand.u32 $0x1, s2;
	s4 =	sshll.u32 s4, $0xA;
	v11 =	vsel vm7, $0x3EFB, v11;
	v12 =	vsel vm7, $0x1EFC, v12;
	v13 =	vsel vm7, $0x3EFC, v13  }
0x5f: {  	[smem:$0x7FF] =	sst s6;
	s6 =	simm.s32 $0x2;
	s5 =	sshll.u32 s2, $0x9;
	v14 =	vsel vm7, $0x1EFD, v14;
	v15 =	vsel vm7, $0x3EFD, v15;
	v16 =	vsel vm7, $0x1EFE, v16  }
0x60: {  	s2 =	ssub.s32 $0x2, s2;
	_ =	strace $0x80000047;
	s4 =	sor.u32 s5, s4;
	v17 =	vsel vm7, $0x3EFE, v17;
	v18 =	vsel vm7, $0x1EFF, v18;
	v19 =	vsel vm7, $0x3EFF, v19  }
0x61: {  	s23 =	sshrl.u32 s2, $0x1;
	s5 =	simm.s32 $0x18280;
	s24 =	sshrl.u32 s4, $0x3;
	v2 =	vsel vm8, $0x1300, v2;
	v3 =	vsel vm8, $0x3300, v3;
	v4 =	vsel vm8, $0x1F78, v4  }
0x62: {  	s2 =	ssub.s32 s2, s23;
	s25 =	sadd.s32 s3, s4;
	s23 =	simm.s32 $0xA280;
	v5 =	vsel vm8, $0x3F78, v5;
	v6 =	vsel vm8, $0x1F79, v6;
	v7 =	vsel vm8, $0x3F79, v7  }
0x63: {  	s3 =	simm.s32 $0x17280;
	s4 =	simm.s32 $0x1;
	s1 =	sadd.s32 s1, s24;
	v8 =	vsel vm8, $0x1F7A, v8;
	v9 =	vsel vm8, $0x3F7A, v9;
	v10 =	vsel vm8, $0x1F7B, v10  }
0x64: {  	[dreg:$0x5] =	wrdreg s25;
	s26 =	smax.u32 s2, $0x1;
	s2 =	simm.s32 $0x15280;
	v11 =	vsel vm8, $0x3F7B, v11;
	v12 =	vsel vm8, $0x1F7C, v12;
	v13 =	vsel vm8, $0x3F7C, v13  }
0x65: {  	s25 =	simm.s32 $0xE280;
	s24 =	simm.s32 $0xF280;
	[dreg:$0x4] =	wrdreg s1;
	v14 =	vsel vm8, $0x1F7D, v14;
	v15 =	vsel vm8, $0x3F7D, v15;
	v16 =	vsel vm8, $0x1F7E, v16  }
0x66: {  	[dreg:$0x6] =	wrdreg s26;
	s26 =	simm.s32 $0x10280;
	s1 =	simm.s32 $0x16280;
	v17 =	vsel vm8, $0x3F7E, v17;
	v18 =	vsel vm8, $0x1F7F, v18;
	v19 =	vsel vm8, $0x3F7F, v19  }
.LBB2_1:
0x67: {  	[dreg:$0x7] =	wrdreg s19  }
0x68: {  	s18 =	simm.s32 $0x0;
	s19 =	rddreg [dreg:$0x4]  }
0x69: {  	[tilespmem:s18], [sflag:$0x4] =	stream.linear.gather [hbm4b:s19+s18], $0x200, $0x38;
	[tilespmem:$0x1C280] =	vst v63  }
0x6a: {  	_ =	swait.ge [sflag:s20], $0x200  }
0x6b: {  	[sflag:s20] =	ssyncset.done $0x0  }
0x6c: {  	[sflag:s20] =	ssyncadd.s32 $0xFFFFFE00  }
0x6d: {  	v20 =	vld [tilespmem:$0x0];
	_ =	sdelay $0x4  }
0x6e: {  	(v2sf) =	vpush v20, $0x0;
	_ =	sdelay $0x1  }
0x6f: {  	(v2sf) =	vpush v20, $0x1;
	_ =	sdelay $0x1  }
0x70: {  	(v2sf) =	vpush v20, $0x2;
	_ =	sdelay $0x5  }
0x71: {  	(v2sf) =	vpush v20, $0x3;
	_ =	sdelay $0x4  }
0x72: {  	s19 =	spop (v2sf);
	(v2sf) =	vpush v20, $0x4;
	_ =	sdelay $0x1  }
0x73: {  	s20 =	spop (v2sf);
	(v2sf) =	vpush v20, $0x5  }
0x74: {  	s18 =	sand.u32 $0xFFFFF80, s19  }
0x75: {  	s18 =	sadd.s32 s0, s18;
	s19 =	spop (v2sf)  }
0x76: {  	(v2sf) =	vpush v20, $0x6;
	[tilespmem:s10], [sflag:$0x1] =	stream.strided.gather [hbm4b:s18+s7], $0x1000, s9, s7, $0x38;
	[tilespmem:$0x1C280] =	vst v63  }
0x77: {  	s18 =	sand.u32 $0xFFFFF80, s20  }
0x78: {  	s18 =	sadd.s32 s0, s18  }
0x79: {  	(v2sf) =	vpush v20, $0x7;
	[tilespmem:s11], [sflag:$0x1] =	stream.strided.gather [hbm4b:s18+s7], $0x1000, s9, s7, $0x38;
	[tilespmem:$0x1C280] =	vst v63  }
0x7a: {  	s18 =	sand.u32 $0xFFFFF80, s19  }
0x7b: {  	s20 =	spop (v2sf);
	s18 =	sadd.s32 s0, s18  }
0x7c: {  	[tilespmem:s12], [sflag:$0x1] =	stream.strided.gather [hbm4b:s18+s7], $0x1000, s9, s7, $0x38;
	[tilespmem:$0x1C280] =	vst v63  }
0x7d: {  	s18 =	sand.u32 $0xFFFFF80, s20  }
0x7e: {  	s18 =	sadd.s32 s0, s18  }
0x7f: {  	[tilespmem:s13], [sflag:$0x1] =	stream.strided.gather [hbm4b:s18+s7], $0x1000, s9, s7, $0x38;
	[tilespmem:$0x1C280] =	vst v63  }
0x80: {  	s19 =	spop (v2sf)  }
0x81: {  	s18 =	sand.u32 $0xFFFFF80, s19  }
0x82: {  	s20 =	spop (v2sf);
	s18 =	sadd.s32 s0, s18  }
0x83: {  	[tilespmem:s14], [sflag:$0x1] =	stream.strided.gather [hbm4b:s18+s7], $0x1000, s9, s7, $0x38;
	[tilespmem:$0x1C280] =	vst v63  }
0x84: {  	s18 =	sand.u32 $0xFFFFF80, s20  }
0x85: {  	s19 =	spop (v2sf);
	s18 =	sadd.s32 s0, s18  }
0x86: {  	[tilespmem:s15], [sflag:$0x1] =	stream.strided.gather [hbm4b:s18+s7], $0x1000, s9, s7, $0x38;
	[tilespmem:$0x1C280] =	vst v63  }
0x87: {  	s18 =	sand.u32 $0xFFFFF80, s19  }
0x88: {  	s20 =	spop (v2sf);
	s18 =	sadd.s32 s0, s18  }
0x89: {  	[tilespmem:s16], [sflag:$0x1] =	stream.strided.gather [hbm4b:s18+s7], $0x1000, s9, s7, $0x38;
	[tilespmem:$0x1C280] =	vst v63  }
0x8a: {  	s18 =	sand.u32 $0xFFFFF80, s20  }
0x8b: {  	s18 =	sadd.s32 s0, s18  }
0x8c: {  	[tilespmem:s17], [sflag:$0x1] =	stream.strided.gather [hbm4b:s18+s7], $0x1000, s9, s7, $0x38;
	[tilespmem:$0x1C280] =	vst v63  }
0x8d: {  	v20 =	vld [tilespmem:$0x8];
	_ =	sdelay $0x4  }
0x8e: {  	(v2sf) =	vpush v20, $0x0  }
0x8f: {  	(v2sf) =	vpush v20, $0x1;
	_ =	sdelay $0x2  }
0x90: {  	(v2sf) =	vpush v20, $0x2;
	_ =	sdelay $0x2  }
0x91: {  	(v2sf) =	vpush v20, $0x3;
	_ =	sdelay $0x2  }
0x92: {  	(v2sf) =	vpush v20, $0x4;
	_ =	sdelay $0x4  }
0x93: {  	s19 =	spop (v2sf);
	(v2sf) =	vpush v20, $0x5  }
0x94: {  	s18 =	sand.u32 $0xFFFFF80, s19;
	s20 =	spop (v2sf);
	(v2sf) =	vpush v20, $0x6  }
0x95: {  	s18 =	sadd.s32 s0, s18  }
0x96: {  	[tilespmem:s21], [sflag:$0x2] =	stream.strided.gather [hbm4b:s18+s7], $0x1000, s9, s7, $0x38;
	[tilespmem:$0x1C280] =	vst v63  }
0x97: {  	s19 =	spop (v2sf);
	(v2sf) =	vpush v20, $0x7;
	s18 =	sand.u32 $0xFFFFF80, s20  }
0x98: {  	s18 =	sadd.s32 s0, s18  }
0x99: {  	[tilespmem:s22], [sflag:$0x2] =	stream.strided.gather [hbm4b:s18+s7], $0x1000, s9, s7, $0x38;
	[tilespmem:$0x1C280] =	vst v63  }
0x9a: {  	s20 =	spop (v2sf);
	s18 =	sand.u32 $0xFFFFF80, s19  }
0x9b: {  	s20 =	sand.u32 $0xFFFFF80, s20;
	s18 =	sadd.s32 s0, s18  }
0x9c: {  	[tilespmem:s23], [sflag:$0x2] =	stream.strided.gather [hbm4b:s18+s7], $0x1000, s9, s7, $0x38;
	[tilespmem:$0x1C280] =	vst v63  }
0x9d: {  	s19 =	spop (v2sf);
	s18 =	sadd.s32 s0, s20;
	s20 =	simm.s32 $0xB280  }
0x9e: {  	[tilespmem:s20], [sflag:$0x2] =	stream.strided.gather [hbm4b:s18+s7], $0x1000, s9, s7, $0x38;
	[tilespmem:$0x1C280] =	vst v63  }
0x9f: {  	s20 =	sand.u32 $0xFFFFF80, s19  }
0xa0: {  	s18 =	sadd.s32 s0, s20;
	s20 =	simm.s32 $0xC280  }
0xa1: {  	[tilespmem:s20], [sflag:$0x2] =	stream.strided.gather [hbm4b:s18+s7], $0x1000, s9, s7, $0x38;
	[tilespmem:$0x1C280] =	vst v63  }
0xa2: {  	s19 =	spop (v2sf)  }
0xa3: {  	s20 =	sand.u32 $0xFFFFF80, s19;
	s19 =	spop (v2sf)  }
0xa4: {  	s18 =	sadd.s32 s0, s20;
	s20 =	simm.s32 $0xD280;
	s19 =	sand.u32 $0xFFFFF80, s19  }
0xa5: {  	[tilespmem:s20], [sflag:$0x2] =	stream.strided.gather [hbm4b:s18+s7], $0x1000, s9, s7, $0x38;
	[tilespmem:$0x1C280] =	vst v63  }
0xa6: {  	s18 =	sadd.s32 s0, s19;
	s20 =	spop (v2sf)  }
0xa7: {  	[tilespmem:s25], [sflag:$0x2] =	stream.strided.gather [hbm4b:s18+s7], $0x1000, s9, s7, $0x38;
	[tilespmem:$0x1C280] =	vst v63  }
0xa8: {  	s18 =	sand.u32 $0xFFFFF80, s20  }
0xa9: {  	s18 =	sadd.s32 s0, s18  }
0xaa: {  	[tilespmem:s24], [sflag:$0x2] =	stream.strided.gather [hbm4b:s18+s7], $0x1000, s9, s7, $0x38;
	[tilespmem:$0x1C280] =	vst v63  }
0xab: {  	s19 =	simm.s32 $0x0;
	s18 =	simm.s32 $0x10  }
.LBB2_2:
0xac: {  	v20 =	vld [tilespmem:s18+$0x0];
	_ =	sdelay $0x4  }
0xad: {  	(v2sf) =	vpush v20, $0x0;
	_ =	sdelay $0x3  }
0xae: {  	(v2sf) =	vpush v20, $0x1;
	_ =	sdelay $0x3  }
0xaf: {  	(v2sf) =	vpush v20, $0x2;
	_ =	sdelay $0x3  }
0xb0: {  	(v2sf) =	vpush v20, $0x3;
	_ =	sdelay $0x2  }
0xb1: {  	s20 =	spop (v2sf)  }
0xb2: {  	(v2sf) =	vpush v20, $0x4;
	s20 =	sand.u32 $0xFFFFF80, s20  }
0xb3: {  	s20 =	sadd.s32 s0, s20  }
0xb4: {  	[tilespmem:s26], [sflag:$0x3] =	stream.strided.gather [hbm4b:s20+s7], $0x1000, s9, s7, $0x38;
	[tilespmem:$0x1C280] =	vst v63  }
0xb5: {  	s20 =	spop (v2sf)  }
0xb6: {  	(v2sf) =	vpush v20, $0x5;
	s20 =	sand.u32 $0xFFFFF80, s20  }
0xb7: {  	s20 =	sadd.s32 s0, s20  }
0xb8: {  	[tilespmem:s28], [sflag:$0x3] =	stream.strided.gather [hbm4b:s20+s7], $0x1000, s9, s7, $0x38;
	[tilespmem:$0x1C280] =	vst v63  }
0xb9: {  	s20 =	spop (v2sf)  }
0xba: {  	(v2sf) =	vpush v20, $0x6;
	s20 =	sand.u32 $0xFFFFF80, s20  }
0xbb: {  	s20 =	sadd.s32 s0, s20  }
0xbc: {  	[tilespmem:s29], [sflag:$0x3] =	stream.strided.gather [hbm4b:s20+s7], $0x1000, s9, s7, $0x38;
	[tilespmem:$0x1C280] =	vst v63  }
0xbd: {  	s20 =	spop (v2sf)  }
0xbe: {  	(v2sf) =	vpush v20, $0x7;
	s20 =	sand.u32 $0xFFFFF80, s20  }
0xbf: {  	s20 =	sadd.s32 s0, s20  }
0xc0: {  	[tilespmem:s30], [sflag:$0x3] =	stream.strided.gather [hbm4b:s20+s7], $0x1000, s9, s7, $0x38;
	[tilespmem:$0x1C280] =	vst v63  }
0xc1: {  	s20 =	spop (v2sf)  }
0xc2: {  	s20 =	sand.u32 $0xFFFFF80, s20  }
0xc3: {  	s20 =	sadd.s32 s0, s20  }
0xc4: {  	[tilespmem:s31], [sflag:$0x3] =	stream.strided.gather [hbm4b:s20+s7], $0x1000, s9, s7, $0x38;
	[tilespmem:$0x1C280] =	vst v63  }
0xc5: {  	s20 =	spop (v2sf)  }
0xc6: {  	s20 =	sand.u32 $0xFFFFF80, s20  }
0xc7: {  	s20 =	sadd.s32 s0, s20  }
0xc8: {  	[tilespmem:s2], [sflag:$0x3] =	stream.strided.gather [hbm4b:s20+s7], $0x1000, s9, s7, $0x38;
	[tilespmem:$0x1C280] =	vst v63  }
0xc9: {  	s20 =	spop (v2sf)  }
0xca: {  	s20 =	sand.u32 $0xFFFFF80, s20  }
0xcb: {  	s20 =	sadd.s32 s0, s20  }
0xcc: {  	[tilespmem:s1], [sflag:$0x3] =	stream.strided.gather [hbm4b:s20+s7], $0x1000, s9, s7, $0x38;
	[tilespmem:$0x1C280] =	vst v63  }
0xcd: {  	s20 =	spop (v2sf)  }
0xce: {  	s20 =	sand.u32 $0xFFFFF80, s20  }
0xcf: {  	s20 =	sadd.s32 s0, s20  }
0xd0: {  	[tilespmem:s3], [sflag:$0x3] =	stream.strided.gather [hbm4b:s20+s7], $0x1000, s9, s7, $0x38;
	[tilespmem:$0x1C280] =	vst v63  }
0xd1: {  	_ =	swait.ge [sflag:s4], $0x1000  }
0xd2: {  	[sflag:s4] =	ssyncset.done $0x0  }
0xd3: {  	[sflag:s4] =	ssyncadd.s32 $0xFFFFF000  }
0xd4: {  	_ =	swait.ge [sflag:s4], $0x1000  }
0xd5: {  	[sflag:s4] =	ssyncset.done $0x0  }
0xd6: {  	[sflag:s4] =	ssyncadd.s32 $0xFFFFF000  }
0xd7: {  	_ =	swait.ge [sflag:s4], $0x1000  }
0xd8: {  	[sflag:s4] =	ssyncset.done $0x0  }
0xd9: {  	[sflag:s4] =	ssyncadd.s32 $0xFFFFF000  }
0xda: {  	_ =	swait.ge [sflag:s4], $0x1000  }
0xdb: {  	[sflag:s4] =	ssyncset.done $0x0  }
0xdc: {  	[sflag:s4] =	ssyncadd.s32 $0xFFFFF000  }
0xdd: {  	_ =	swait.ge [sflag:s4], $0x1000  }
0xde: {  	[sflag:s4] =	ssyncset.done $0x0  }
0xdf: {  	[sflag:s4] =	ssyncadd.s32 $0xFFFFF000  }
0xe0: {  	_ =	swait.ge [sflag:s4], $0x1000  }
0xe1: {  	[sflag:s4] =	ssyncset.done $0x0  }
0xe2: {  	[sflag:s4] =	ssyncadd.s32 $0xFFFFF000  }
0xe3: {  	_ =	swait.ge [sflag:s4], $0x1000  }
0xe4: {  	[sflag:s4] =	ssyncset.done $0x0  }
0xe5: {  	[sflag:s4] =	ssyncadd.s32 $0xFFFFF000  }
0xe6: {  	_ =	swait.ge [sflag:s4], $0x1000  }
0xe7: {  	[sflag:s4] =	ssyncset.done $0x0  }
0xe8: {  	[sflag:s4] =	ssyncadd.s32 $0xFFFFF000  }
0xe9: {  	v20 =	vld [tilespmem:s18+$0xFFFFFFF0];
	_ =	sdelay $0x4  }
0xea: {  	v20 =	vand.u32 $0x7F, v20  }
0xeb: {  	v21 =	vbroadcast v20, $0x0;
	_ =	sdelay $0x1  }
0xec: {  	v22 =	vor.u32 v0, v21  }
0xed: {  	v23 =	vmov s19;
	v21 =	vor.u32 v1, v21  }
0xee: {  	v24 =	vshll.u32 v23, $0x3  }
0xef: {  	v23 =	vand.u32 $0x78, v23;
	v24 =	vand.u32 $0x1C00, v24  }
0xf0: {  	v23 =	vor.u32 v23, v24  }
0xf1: {  	v24 =	vadd.s32 v2, v23;
	v25 =	vbroadcast v20, $0x1;
	v22 =	vld.idx.msk [tilespmem:v22+s10+$0x0], $0xffff  }
0xf2: {  	v23 =	vadd.s32 v3, v23;
	v21 =	vld.idx.msk [tilespmem:v21+s10+$0x0], $0xffff  }
0xf3: {  	s20 =	sadd.s32 $0x1, s19;
	v26 =	vor.u32 v0, v25  }
0xf4: {  	v27 =	vmov s20;
	v25 =	vor.u32 v1, v25  }
0xf5: {  	v28 =	vshll.u32 v27, $0x3  }
0xf6: {  	v59 =	vand.u32 $0x79, v27;
	v60 =	vand.u32 $0x1C00, v28;
	[tilespmem:v24+s5+$0x0] =	vst.idx.msk $0xffff, v22  }
0xf7: {  	v61 =	vor.u32 v59, v60;
	[tilespmem:v23+s5+$0x0] =	vst.idx.msk $0xffff, v21  }
0xf8: {  	v63 =	vadd.s32 v2, v61;
	v32 =	vbroadcast v20, $0x2;
	v62 =	vld.idx.msk [tilespmem:v26+s11+$0x0], $0xffff  }
0xf9: {  	v21 =	vadd.s32 v3, v61;
	v25 =	vld.idx.msk [tilespmem:v25+s11+$0x0], $0xffff  }
0xfa: {  	s20 =	sadd.s32 $0x2, s19;
	v33 =	vor.u32 v0, v32  }
0xfb: {  	v34 =	vmov s20;
	v24 =	vor.u32 v1, v32  }
0xfc: {  	v35 =	vshll.u32 v34, $0x3  }
0xfd: {  	v36 =	vand.u32 $0x7A, v34;
	v37 =	vand.u32 $0x1C00, v35;
	[tilespmem:v63+s5+$0x0] =	vst.idx.msk $0xffff, v62  }
0xfe: {  	v38 =	vor.u32 v36, v37;
	[tilespmem:v21+s5+$0x0] =	vst.idx.msk $0xffff, v25  }
0xff: {  	v40 =	vbroadcast v20, $0x3;
	v23 =	vadd.s32 v2, v38;
	v39 =	vld.idx.msk [tilespmem:v33+s12+$0x0], $0xffff  }
0x100: {  	v21 =	vadd.s32 v3, v38;
	v24 =	vld.idx.msk [tilespmem:v24+s12+$0x0], $0xffff  }
0x101: {  	s20 =	sadd.s32 $0x3, s19;
	v41 =	vor.u32 v0, v40  }
0x102: {  	v42 =	vmov s20;
	v25 =	vor.u32 v1, v40  }
0x103: {  	v43 =	vshll.u32 v42, $0x3  }
0x104: {  	v44 =	vand.u32 $0x7B, v42;
	v45 =	vand.u32 $0x1C00, v43;
	[tilespmem:v23+s5+$0x0] =	vst.idx.msk $0xffff, v39  }
0x105: {  	v46 =	vor.u32 v44, v45;
	[tilespmem:v21+s5+$0x0] =	vst.idx.msk $0xffff, v24  }
0x106: {  	v48 =	vbroadcast v20, $0x4;
	v23 =	vadd.s32 v2, v46;
	v47 =	vld.idx.msk [tilespmem:v41+s13+$0x0], $0xffff  }
0x107: {  	v21 =	vadd.s32 v3, v46;
	v25 =	vld.idx.msk [tilespmem:v25+s13+$0x0], $0xffff  }
0x108: {  	s20 =	sadd.s32 $0x4, s19;
	v49 =	vor.u32 v0, v48  }
0x109: {  	v50 =	vmov s20;
	v24 =	vor.u32 v1, v48  }
0x10a: {  	v51 =	vshll.u32 v50, $0x3  }
0x10b: {  	v52 =	vand.u32 $0x7C, v50;
	v53 =	vand.u32 $0x1C00, v51;
	[tilespmem:v23+s5+$0x0] =	vst.idx.msk $0xffff, v47  }
0x10c: {  	v54 =	vor.u32 v52, v53;
	[tilespmem:v21+s5+$0x0] =	vst.idx.msk $0xffff, v25  }
0x10d: {  	v56 =	vbroadcast v20, $0x5;
	v23 =	vadd.s32 v2, v54;
	v55 =	vld.idx.msk [tilespmem:v49+s14+$0x0], $0xffff  }
0x10e: {  	v21 =	vadd.s32 v3, v54;
	v24 =	vld.idx.msk [tilespmem:v24+s14+$0x0], $0xffff  }
0x10f: {  	s20 =	sadd.s32 $0x5, s19;
	v57 =	vor.u32 v0, v56  }
0x110: {  	v58 =	vmov s20;
	v25 =	vor.u32 v1, v56  }
0x111: {  	v59 =	vshll.u32 v58, $0x3  }
0x112: {  	v60 =	vand.u32 $0x7D, v58;
	v61 =	vand.u32 $0x1C00, v59;
	[tilespmem:v23+s5+$0x0] =	vst.idx.msk $0xffff, v55  }
0x113: {  	v62 =	vor.u32 v60, v61;
	[tilespmem:v21+s5+$0x0] =	vst.idx.msk $0xffff, v24  }
0x114: {  	v32 =	vbroadcast v20, $0x6;
	v23 =	vadd.s32 v2, v62;
	v63 =	vld.idx.msk [tilespmem:v57+s15+$0x0], $0xffff  }
0x115: {  	v21 =	vadd.s32 v3, v62;
	v25 =	vld.idx.msk [tilespmem:v25+s15+$0x0], $0xffff  }
0x116: {  	s20 =	sadd.s32 $0x6, s19;
	v33 =	vor.u32 v0, v32  }
0x117: {  	v34 =	vmov s20;
	v24 =	vor.u32 v1, v32  }
0x118: {  	v35 =	vshll.u32 v34, $0x3  }
0x119: {  	v36 =	vand.u32 $0x7E, v34;
	v37 =	vand.u32 $0x1C00, v35;
	[tilespmem:v23+s5+$0x0] =	vst.idx.msk $0xffff, v63  }
0x11a: {  	v38 =	vor.u32 v36, v37;
	[tilespmem:v21+s5+$0x0] =	vst.idx.msk $0xffff, v25  }
0x11b: {  	v20 =	vbroadcast v20, $0x7;
	v23 =	vadd.s32 v2, v38;
	v39 =	vld.idx.msk [tilespmem:v33+s16+$0x0], $0xffff  }
0x11c: {  	v21 =	vadd.s32 v3, v38;
	v24 =	vld.idx.msk [tilespmem:v24+s16+$0x0], $0xffff  }
0x11d: {  	s20 =	sadd.s32 $0x7, s19;
	v40 =	vor.u32 v0, v20  }
0x11e: {  	v20 =	vor.u32 v1, v20;
	v41 =	vmov s20  }
0x11f: {  	v42 =	vshll.u32 v41, $0x3  }
0x120: {  	v43 =	vand.u32 $0x7F, v41;
	v44 =	vand.u32 $0x1C00, v42;
	[tilespmem:v23+s5+$0x0] =	vst.idx.msk $0xffff, v39  }
0x121: {  	v45 =	vor.u32 v43, v44;
	[tilespmem:v21+s5+$0x0] =	vst.idx.msk $0xffff, v24  }
0x122: {  	v23 =	vadd.s32 v2, v45;
	v46 =	vld.idx.msk [tilespmem:v40+s17+$0x0], $0xffff  }
0x123: {  	v21 =	vadd.s32 v3, v45;
	v20 =	vld.idx.msk [tilespmem:v20+s17+$0x0], $0xffff;
	_ =	sdelay $0x3  }
0x124: {  	[tilespmem:v23+s5+$0x0] =	vst.idx.msk $0xffff, v46  }
0x125: {  	[tilespmem:v21+s5+$0x0] =	vst.idx.msk $0xffff, v20  }
0x126: {  	v20 =	vld [tilespmem:s18+$0x8];
	_ =	sdelay $0x4  }
0x127: {  	(v2sf) =	vpush v20, $0x0;
	_ =	sdelay $0x3  }
0x128: {  	(v2sf) =	vpush v20, $0x1;
	_ =	sdelay $0x3  }
0x129: {  	(v2sf) =	vpush v20, $0x2;
	_ =	sdelay $0x3  }
0x12a: {  	(v2sf) =	vpush v20, $0x3;
	_ =	sdelay $0x2  }
0x12b: {  	s20 =	spop (v2sf)  }
0x12c: {  	(v2sf) =	vpush v20, $0x4;
	s20 =	sand.u32 $0xFFFFF80, s20  }
0x12d: {  	s20 =	sadd.s32 s0, s20  }
0x12e: {  	[tilespmem:s10], [sflag:$0x1] =	stream.strided.gather [hbm4b:s20+s7], $0x1000, s9, s7, $0x38;
	[tilespmem:$0x1C280] =	vst v63  }
0x12f: {  	s20 =	spop (v2sf)  }
0x130: {  	(v2sf) =	vpush v20, $0x5;
	s20 =	sand.u32 $0xFFFFF80, s20  }
0x131: {  	s20 =	sadd.s32 s0, s20  }
0x132: {  	[tilespmem:s11], [sflag:$0x1] =	stream.strided.gather [hbm4b:s20+s7], $0x1000, s9, s7, $0x38;
	[tilespmem:$0x1C280] =	vst v63  }
0x133: {  	s20 =	spop (v2sf)  }
0x134: {  	(v2sf) =	vpush v20, $0x6;
	s20 =	sand.u32 $0xFFFFF80, s20  }
0x135: {  	s20 =	sadd.s32 s0, s20  }
0x136: {  	[tilespmem:s12], [sflag:$0x1] =	stream.strided.gather [hbm4b:s20+s7], $0x1000, s9, s7, $0x38;
	[tilespmem:$0x1C280] =	vst v63  }
0x137: {  	s20 =	spop (v2sf)  }
0x138: {  	(v2sf) =	vpush v20, $0x7;
	s20 =	sand.u32 $0xFFFFF80, s20  }
0x139: {  	s20 =	sadd.s32 s0, s20  }
0x13a: {  	[tilespmem:s13], [sflag:$0x1] =	stream.strided.gather [hbm4b:s20+s7], $0x1000, s9, s7, $0x38;
	[tilespmem:$0x1C280] =	vst v63  }
0x13b: {  	s20 =	spop (v2sf)  }
0x13c: {  	s20 =	sand.u32 $0xFFFFF80, s20  }
0x13d: {  	s20 =	sadd.s32 s0, s20  }
0x13e: {  	[tilespmem:s14], [sflag:$0x1] =	stream.strided.gather [hbm4b:s20+s7], $0x1000, s9, s7, $0x38;
	[tilespmem:$0x1C280] =	vst v63  }
0x13f: {  	s20 =	spop (v2sf)  }
0x140: {  	s20 =	sand.u32 $0xFFFFF80, s20  }
0x141: {  	s20 =	sadd.s32 s0, s20  }
0x142: {  	[tilespmem:s15], [sflag:$0x1] =	stream.strided.gather [hbm4b:s20+s7], $0x1000, s9, s7, $0x38;
	[tilespmem:$0x1C280] =	vst v63  }
0x143: {  	s20 =	spop (v2sf)  }
0x144: {  	s20 =	sand.u32 $0xFFFFF80, s20  }
0x145: {  	s20 =	sadd.s32 s0, s20  }
0x146: {  	[tilespmem:s16], [sflag:$0x1] =	stream.strided.gather [hbm4b:s20+s7], $0x1000, s9, s7, $0x38;
	[tilespmem:$0x1C280] =	vst v63  }
0x147: {  	s20 =	spop (v2sf)  }
0x148: {  	s20 =	sand.u32 $0xFFFFF80, s20  }
0x149: {  	s20 =	sadd.s32 s0, s20  }
0x14a: {  	[tilespmem:s17], [sflag:$0x1] =	stream.strided.gather [hbm4b:s20+s7], $0x1000, s9, s7, $0x38;
	[tilespmem:$0x1C280] =	vst v63  }
0x14b: {  	_ =	swait.ge [sflag:s6], $0x1000  }
0x14c: {  	[sflag:s6] =	ssyncset.done $0x0  }
0x14d: {  	[sflag:s6] =	ssyncadd.s32 $0xFFFFF000  }
0x14e: {  	_ =	swait.ge [sflag:s6], $0x1000  }
0x14f: {  	[sflag:s6] =	ssyncset.done $0x0  }
0x150: {  	[sflag:s6] =	ssyncadd.s32 $0xFFFFF000  }
0x151: {  	_ =	swait.ge [sflag:s6], $0x1000  }
0x152: {  	[sflag:s6] =	ssyncset.done $0x0  }
0x153: {  	[sflag:s6] =	ssyncadd.s32 $0xFFFFF000  }
0x154: {  	_ =	swait.ge [sflag:s6], $0x1000  }
0x155: {  	[sflag:s6] =	ssyncset.done $0x0  }
0x156: {  	[sflag:s6] =	ssyncadd.s32 $0xFFFFF000  }
0x157: {  	_ =	swait.ge [sflag:s6], $0x1000  }
0x158: {  	[sflag:s6] =	ssyncset.done $0x0  }
0x159: {  	[sflag:s6] =	ssyncadd.s32 $0xFFFFF000  }
0x15a: {  	_ =	swait.ge [sflag:s6], $0x1000  }
0x15b: {  	[sflag:s6] =	ssyncset.done $0x0  }
0x15c: {  	[sflag:s6] =	ssyncadd.s32 $0xFFFFF000  }
0x15d: {  	_ =	swait.ge [sflag:s6], $0x1000  }
0x15e: {  	[sflag:s6] =	ssyncset.done $0x0  }
0x15f: {  	[sflag:s6] =	ssyncadd.s32 $0xFFFFF000  }
0x160: {  	_ =	swait.ge [sflag:s6], $0x1000  }
0x161: {  	[sflag:s6] =	ssyncset.done $0x0  }
0x162: {  	[sflag:s6] =	ssyncadd.s32 $0xFFFFF000  }
0x163: {  	v20 =	vld [tilespmem:s18+$0xFFFFFFF8];
	_ =	sdelay $0x4  }
0x164: {  	v20 =	vand.u32 $0x7F, v20  }
0x165: {  	v47 =	vbroadcast v20, $0x0;
	_ =	sdelay $0x1  }
0x166: {  	s20 =	sadd.s32 $0x8, s19;
	v48 =	vor.u32 v0, v47  }
0x167: {  	v49 =	vmov s20;
	v21 =	vor.u32 v1, v47  }
0x168: {  	v50 =	vshll.u32 v49, $0x3  }
0x169: {  	v23 =	vand.u32 $0x78, v49;
	v24 =	vand.u32 $0x3C00, v50  }
0x16a: {  	v23 =	vor.u32 v23, v24  }
0x16b: {  	v24 =	vadd.s32 v2, v23;
	v51 =	vbroadcast v20, $0x1;
	v22 =	vld.idx.msk [tilespmem:v48+s21+$0x0], $0xffff  }
0x16c: {  	v23 =	vadd.s32 v3, v23;
	v21 =	vld.idx.msk [tilespmem:v21+s21+$0x0], $0xffff  }
0x16d: {  	v52 =	vor.u32 v0, v51;
	s21 =	sadd.s32 $0x9, s19  }
0x16e: {  	v25 =	vor.u32 v1, v51;
	v53 =	vmov s21  }
0x16f: {  	v54 =	vshll.u32 v53, $0x3  }
0x170: {  	v55 =	vand.u32 $0x79, v53;
	v56 =	vand.u32 $0x3C00, v54;
	[tilespmem:v24+s5+$0x0] =	vst.idx.msk $0xffff, v22  }
0x171: {  	v57 =	vor.u32 v55, v56;
	[tilespmem:v23+s5+$0x0] =	vst.idx.msk $0xffff, v21  }
0x172: {  	v60 =	vbroadcast v20, $0x2;
	v59 =	vadd.s32 v2, v57;
	v58 =	vld.idx.msk [tilespmem:v52+s22+$0x0], $0xffff  }
0x173: {  	v21 =	vadd.s32 v3, v57;
	v25 =	vld.idx.msk [tilespmem:v25+s22+$0x0], $0xffff  }
0x174: {  	v61 =	vor.u32 v0, v60;
	s21 =	sadd.s32 $0xA, s19  }
0x175: {  	v62 =	vmov s21;
	v24 =	vor.u32 v1, v60  }
0x176: {  	v63 =	vshll.u32 v62, $0x3  }
0x177: {  	v32 =	vand.u32 $0x7A, v62;
	v33 =	vand.u32 $0x3C00, v63;
	[tilespmem:v59+s5+$0x0] =	vst.idx.msk $0xffff, v58  }
0x178: {  	v34 =	vor.u32 v32, v33;
	[tilespmem:v21+s5+$0x0] =	vst.idx.msk $0xffff, v25  }
0x179: {  	v36 =	vbroadcast v20, $0x3;
	v23 =	vadd.s32 v2, v34;
	v35 =	vld.idx.msk [tilespmem:v61+s23+$0x0], $0xffff  }
0x17a: {  	v21 =	vadd.s32 v3, v34;
	v24 =	vld.idx.msk [tilespmem:v24+s23+$0x0], $0xffff  }
0x17b: {  	v37 =	vor.u32 v0, v36;
	s22 =	sadd.s32 $0xB, s19  }
0x17c: {  	v38 =	vmov s22;
	v25 =	vor.u32 v1, v36  }
0x17d: {  	v39 =	vshll.u32 v38, $0x3  }
0x17e: {  	v40 =	vand.u32 $0x7B, v38;
	v41 =	vand.u32 $0x3C00, v39;
	[tilespmem:v23+s5+$0x0] =	vst.idx.msk $0xffff, v35  }
0x17f: {  	v42 =	vor.u32 v40, v41;
	s23 =	simm.s32 $0xB280;
	[tilespmem:v21+s5+$0x0] =	vst.idx.msk $0xffff, v24  }
0x180: {  	v44 =	vbroadcast v20, $0x4;
	v23 =	vadd.s32 v2, v42;
	v43 =	vld.idx.msk [tilespmem:v37+s23+$0x0], $0xffff  }
0x181: {  	v21 =	vadd.s32 v3, v42;
	v25 =	vld.idx.msk [tilespmem:v25+s23+$0x0], $0xffff  }
0x182: {  	v45 =	vor.u32 v0, v44;
	s21 =	sadd.s32 $0xC, s19  }
0x183: {  	v46 =	vmov s21;
	v24 =	vor.u32 v1, v44  }
0x184: {  	v47 =	vshll.u32 v46, $0x3  }
0x185: {  	v48 =	vand.u32 $0x7C, v46;
	v49 =	vand.u32 $0x3C00, v47;
	[tilespmem:v23+s5+$0x0] =	vst.idx.msk $0xffff, v43  }
0x186: {  	v50 =	vor.u32 v48, v49;
	s22 =	simm.s32 $0xC280;
	[tilespmem:v21+s5+$0x0] =	vst.idx.msk $0xffff, v25  }
0x187: {  	v52 =	vbroadcast v20, $0x5;
	v23 =	vadd.s32 v2, v50;
	v51 =	vld.idx.msk [tilespmem:v45+s22+$0x0], $0xffff  }
0x188: {  	v21 =	vadd.s32 v3, v50;
	v24 =	vld.idx.msk [tilespmem:v24+s22+$0x0], $0xffff  }
0x189: {  	v53 =	vor.u32 v0, v52;
	s23 =	sadd.s32 $0xD, s19  }
0x18a: {  	v54 =	vmov s23;
	v25 =	vor.u32 v1, v52  }
0x18b: {  	v55 =	vshll.u32 v54, $0x3  }
0x18c: {  	v56 =	vand.u32 $0x7D, v54;
	v57 =	vand.u32 $0x3C00, v55;
	[tilespmem:v23+s5+$0x0] =	vst.idx.msk $0xffff, v51  }
0x18d: {  	s21 =	simm.s32 $0xD280;
	v58 =	vor.u32 v56, v57;
	[tilespmem:v21+s5+$0x0] =	vst.idx.msk $0xffff, v24  }
0x18e: {  	v60 =	vbroadcast v20, $0x6;
	v23 =	vadd.s32 v2, v58;
	v59 =	vld.idx.msk [tilespmem:v53+s21+$0x0], $0xffff  }
0x18f: {  	v21 =	vadd.s32 v3, v58;
	v25 =	vld.idx.msk [tilespmem:v25+s21+$0x0], $0xffff  }
0x190: {  	v61 =	vor.u32 v0, v60;
	s22 =	sadd.s32 $0xE, s19  }
0x191: {  	v62 =	vmov s22;
	v24 =	vor.u32 v1, v60  }
0x192: {  	v63 =	vshll.u32 v62, $0x3  }
0x193: {  	v27 =	vand.u32 $0x7E, v62;
	v29 =	vand.u32 $0x3C00, v63;
	[tilespmem:v23+s5+$0x0] =	vst.idx.msk $0xffff, v59  }
0x194: {  	v30 =	vor.u32 v27, v29;
	[tilespmem:v21+s5+$0x0] =	vst.idx.msk $0xffff, v25  }
0x195: {  	v20 =	vbroadcast v20, $0x7;
	v23 =	vadd.s32 v2, v30;
	v31 =	vld.idx.msk [tilespmem:v61+s25+$0x0], $0xffff  }
0x196: {  	v21 =	vadd.s32 v3, v30;
	v24 =	vld.idx.msk [tilespmem:v24+s25+$0x0], $0xffff  }
0x197: {  	v32 =	vor.u32 v0, v20;
	s23 =	sadd.s32 $0xF, s19  }
0x198: {  	v20 =	vor.u32 v1, v20;
	v33 =	vmov s23  }
0x199: {  	v34 =	vshll.u32 v33, $0x3  }
0x19a: {  	v35 =	vand.u32 $0x7F, v33;
	v36 =	vand.u32 $0x3C00, v34;
	[tilespmem:v23+s5+$0x0] =	vst.idx.msk $0xffff, v31  }
0x19b: {  	v37 =	vor.u32 v35, v36;
	[tilespmem:v21+s5+$0x0] =	vst.idx.msk $0xffff, v24  }
0x19c: {  	v23 =	vadd.s32 v2, v37;
	v38 =	vld.idx.msk [tilespmem:v32+s24+$0x0], $0xffff  }
0x19d: {  	v21 =	vadd.s32 v3, v37;
	v20 =	vld.idx.msk [tilespmem:v20+s24+$0x0], $0xffff;
	_ =	sdelay $0x3  }
0x19e: {  	[tilespmem:v23+s5+$0x0] =	vst.idx.msk $0xffff, v38  }
0x19f: {  	p0 =	seq.s32 s19, $0x1E0;
	[tilespmem:v21+s5+$0x0] =	vst.idx.msk $0xffff, v20  }
0x1a0: {  	v20 =	vld @!p0 [tilespmem:s18+$0x10];
	_ =	sdelay $0x4  }
0x1a1: {  	(v2sf) =	vpush @!p0 v20, $0x0;
	_ =	sdelay $0x3  }
0x1a2: {  	(v2sf) =	vpush @!p0 v20, $0x1;
	_ =	sdelay $0x3  }
0x1a3: {  	(v2sf) =	vpush @!p0 v20, $0x2;
	_ =	sdelay $0x3  }
0x1a4: {  	(v2sf) =	vpush @!p0 v20, $0x3;
	_ =	sdelay $0x2  }
0x1a5: {  	s20 =	spop @!p0 (v2sf)  }
0x1a6: {  	s23 =	simm.s32 @!p0 $0x8280;
	(v2sf) =	vpush @!p0 v20, $0x4;
	s20 =	sand.u32 @!p0 $0xFFFFF80, s20  }
0x1a7: {  	s22 =	simm.s32 @!p0 $0x7A1400;
	s21 =	simm.s32 @!p0 $0x400;
	s20 =	sadd.s32 @!p0 s0, s20  }
0x1a8: {  	[tilespmem:s23], [sflag:$0x2] =	stream.strided.gather @!p0 [hbm4b:s20+s21], $0x1000, s22, s21, $0x38;
	[tilespmem:$0x1C280] =	vst v63  }
0x1a9: {  	s20 =	spop @!p0 (v2sf)  }
0x1aa: {  	(v2sf) =	vpush @!p0 v20, $0x5;
	s20 =	sand.u32 @!p0 $0xFFFFF80, s20  }
0x1ab: {  	s23 =	simm.s32 @!p0 $0x9280;
	s20 =	sadd.s32 @!p0 s0, s20  }
0x1ac: {  	[tilespmem:s23], [sflag:$0x2] =	stream.strided.gather @!p0 [hbm4b:s20+s21], $0x1000, s22, s21, $0x38;
	[tilespmem:$0x1C280] =	vst v63  }
0x1ad: {  	s20 =	spop @!p0 (v2sf)  }
0x1ae: {  	(v2sf) =	vpush @!p0 v20, $0x6;
	s20 =	sand.u32 @!p0 $0xFFFFF80, s20  }
0x1af: {  	s23 =	simm.s32 @!p0 $0xA280;
	s20 =	sadd.s32 @!p0 s0, s20  }
0x1b0: {  	[tilespmem:s23], [sflag:$0x2] =	stream.strided.gather @!p0 [hbm4b:s20+s21], $0x1000, s22, s21, $0x38;
	[tilespmem:$0x1C280] =	vst v63  }
0x1b1: {  	s20 =	spop @!p0 (v2sf)  }
0x1b2: {  	(v2sf) =	vpush @!p0 v20, $0x7;
	s20 =	sand.u32 @!p0 $0xFFFFF80, s20  }
0x1b3: {  	s23 =	simm.s32 @!p0 $0xB280;
	s20 =	sadd.s32 @!p0 s0, s20  }
0x1b4: {  	[tilespmem:s23], [sflag:$0x2] =	stream.strided.gather @!p0 [hbm4b:s20+s21], $0x1000, s22, s21, $0x38;
	[tilespmem:$0x1C280] =	vst v63  }
0x1b5: {  	s20 =	spop @!p0 (v2sf)  }
0x1b6: {  	s20 =	sand.u32 @!p0 $0xFFFFF80, s20  }
0x1b7: {  	s23 =	simm.s32 @!p0 $0xC280;
	s20 =	sadd.s32 @!p0 s0, s20  }
0x1b8: {  	[tilespmem:s23], [sflag:$0x2] =	stream.strided.gather @!p0 [hbm4b:s20+s21], $0x1000, s22, s21, $0x38;
	[tilespmem:$0x1C280] =	vst v63  }
0x1b9: {  	s20 =	spop @!p0 (v2sf)  }
0x1ba: {  	s20 =	sand.u32 @!p0 $0xFFFFF80, s20  }
0x1bb: {  	s23 =	simm.s32 @!p0 $0xD280;
	s20 =	sadd.s32 @!p0 s0, s20  }
0x1bc: {  	[tilespmem:s23], [sflag:$0x2] =	stream.strided.gather @!p0 [hbm4b:s20+s21], $0x1000, s22, s21, $0x38;
	[tilespmem:$0x1C280] =	vst v63  }
0x1bd: {  	s20 =	spop @!p0 (v2sf)  }
0x1be: {  	s20 =	sand.u32 @!p0 $0xFFFFF80, s20  }
0x1bf: {  	s23 =	simm.s32 @!p0 $0xE280;
	s20 =	sadd.s32 @!p0 s0, s20  }
0x1c0: {  	[tilespmem:s23], [sflag:$0x2] =	stream.strided.gather @!p0 [hbm4b:s20+s21], $0x1000, s22, s21, $0x38;
	[tilespmem:$0x1C280] =	vst v63  }
0x1c1: {  	s20 =	spop @!p0 (v2sf)  }
0x1c2: {  	s20 =	sand.u32 @!p0 $0xFFFFF80, s20  }
0x1c3: {  	s23 =	simm.s32 @!p0 $0xF280;
	s20 =	sadd.s32 @!p0 s0, s20  }
0x1c4: {  	[tilespmem:s23], [sflag:$0x2] =	stream.strided.gather @!p0 [hbm4b:s20+s21], $0x1000, s22, s21, $0x38;
	[tilespmem:$0x1C280] =	vst v63  }
0x1c5: {  	_ =	swait.ge [sflag:s8], $0x1000  }
0x1c6: {  	[sflag:s8] =	ssyncset.done $0x0  }
0x1c7: {  	[sflag:s8] =	ssyncadd.s32 $0xFFFFF000  }
0x1c8: {  	_ =	swait.ge [sflag:s8], $0x1000  }
0x1c9: {  	[sflag:s8] =	ssyncset.done $0x0  }
0x1ca: {  	[sflag:s8] =	ssyncadd.s32 $0xFFFFF000  }
0x1cb: {  	_ =	swait.ge [sflag:s8], $0x1000  }
0x1cc: {  	[sflag:s8] =	ssyncset.done $0x0  }
0x1cd: {  	[sflag:s8] =	ssyncadd.s32 $0xFFFFF000  }
0x1ce: {  	_ =	swait.ge [sflag:s8], $0x1000  }
0x1cf: {  	[sflag:s8] =	ssyncset.done $0x0  }
0x1d0: {  	[sflag:s8] =	ssyncadd.s32 $0xFFFFF000  }
0x1d1: {  	_ =	swait.ge [sflag:s8], $0x1000  }
0x1d2: {  	[sflag:s8] =	ssyncset.done $0x0  }
0x1d3: {  	[sflag:s8] =	ssyncadd.s32 $0xFFFFF000  }
0x1d4: {  	_ =	swait.ge [sflag:s8], $0x1000  }
0x1d5: {  	[sflag:s8] =	ssyncset.done $0x0  }
0x1d6: {  	[sflag:s8] =	ssyncadd.s32 $0xFFFFF000  }
0x1d7: {  	_ =	swait.ge [sflag:s8], $0x1000  }
0x1d8: {  	[sflag:s8] =	ssyncset.done $0x0  }
0x1d9: {  	[sflag:s8] =	ssyncadd.s32 $0xFFFFF000  }
0x1da: {  	_ =	swait.ge [sflag:s8], $0x1000  }
0x1db: {  	[sflag:s8] =	ssyncset.done $0x0  }
0x1dc: {  	[sflag:s8] =	ssyncadd.s32 $0xFFFFF000  }
0x1dd: {  	v20 =	vld [tilespmem:s18+$0x0];
	_ =	sdelay $0x4  }
0x1de: {  	v20 =	vand.u32 $0x7F, v20  }
0x1df: {  	v39 =	vbroadcast v20, $0x0;
	_ =	sdelay $0x1  }
0x1e0: {  	s20 =	sadd.s32 $0x10, s19;
	v40 =	vor.u32 v0, v39  }
0x1e1: {  	v41 =	vmov s20;
	v21 =	vor.u32 v1, v39  }
0x1e2: {  	v42 =	vshll.u32 v41, $0x3  }
0x1e3: {  	v23 =	vand.u32 $0x78, v41;
	v24 =	vand.u32 $0x7FFFFC00, v42  }
0x1e4: {  	v23 =	vor.u32 v23, v24  }
0x1e5: {  	v24 =	vadd.s32 v2, v23;
	v43 =	vbroadcast v20, $0x1;
	v22 =	vld.idx.msk [tilespmem:v40+s26+$0x0], $0xffff  }
0x1e6: {  	v23 =	vadd.s32 v3, v23;
	v21 =	vld.idx.msk [tilespmem:v21+s26+$0x0], $0xffff  }
0x1e7: {  	s20 =	sadd.s32 $0x11, s19;
	v44 =	vor.u32 v0, v43  }
0x1e8: {  	v45 =	vmov s20;
	v25 =	vor.u32 v1, v43  }
0x1e9: {  	v46 =	vshll.u32 v45, $0x3  }
0x1ea: {  	v47 =	vand.u32 $0x79, v45;
	v48 =	vand.u32 $0x7FFFFC00, v46;
	[tilespmem:v24+s5+$0x0] =	vst.idx.msk $0xffff, v22  }
0x1eb: {  	v49 =	vor.u32 v47, v48;
	[tilespmem:v23+s5+$0x0] =	vst.idx.msk $0xffff, v21  }
0x1ec: {  	v51 =	vadd.s32 v2, v49;
	v52 =	vbroadcast v20, $0x2;
	v50 =	vld.idx.msk [tilespmem:v44+s28+$0x0], $0xffff  }
0x1ed: {  	v21 =	vadd.s32 v3, v49;
	v25 =	vld.idx.msk [tilespmem:v25+s28+$0x0], $0xffff  }
0x1ee: {  	s20 =	sadd.s32 $0x12, s19;
	v53 =	vor.u32 v0, v52  }
0x1ef: {  	v54 =	vmov s20;
	v24 =	vor.u32 v1, v52  }
0x1f0: {  	v55 =	vshll.u32 v54, $0x3  }
0x1f1: {  	v56 =	vand.u32 $0x7A, v54;
	v57 =	vand.u32 $0x7FFFFC00, v55;
	[tilespmem:v51+s5+$0x0] =	vst.idx.msk $0xffff, v50  }
0x1f2: {  	v58 =	vor.u32 v56, v57;
	[tilespmem:v21+s5+$0x0] =	vst.idx.msk $0xffff, v25  }
0x1f3: {  	v60 =	vbroadcast v20, $0x3;
	v23 =	vadd.s32 v2, v58;
	v59 =	vld.idx.msk [tilespmem:v53+s29+$0x0], $0xffff  }
0x1f4: {  	v21 =	vadd.s32 v3, v58;
	v24 =	vld.idx.msk [tilespmem:v24+s29+$0x0], $0xffff  }
0x1f5: {  	s20 =	sadd.s32 $0x13, s19;
	v61 =	vor.u32 v0, v60  }
0x1f6: {  	v62 =	vmov s20;
	v25 =	vor.u32 v1, v60  }
0x1f7: {  	v63 =	vshll.u32 v62, $0x3  }
0x1f8: {  	v29 =	vand.u32 $0x7B, v62;
	v30 =	vand.u32 $0x7FFFFC00, v63;
	[tilespmem:v23+s5+$0x0] =	vst.idx.msk $0xffff, v59  }
0x1f9: {  	v31 =	vor.u32 v29, v30;
	[tilespmem:v21+s5+$0x0] =	vst.idx.msk $0xffff, v24  }
0x1fa: {  	v33 =	vbroadcast v20, $0x4;
	v23 =	vadd.s32 v2, v31;
	v32 =	vld.idx.msk [tilespmem:v61+s30+$0x0], $0xffff  }
0x1fb: {  	v21 =	vadd.s32 v3, v31;
	v25 =	vld.idx.msk [tilespmem:v25+s30+$0x0], $0xffff  }
0x1fc: {  	s20 =	sadd.s32 $0x14, s19;
	v34 =	vor.u32 v0, v33  }
0x1fd: {  	v35 =	vmov s20;
	v24 =	vor.u32 v1, v33  }
0x1fe: {  	v36 =	vshll.u32 v35, $0x3  }
0x1ff: {  	v37 =	vand.u32 $0x7C, v35;
	v38 =	vand.u32 $0x7FFFFC00, v36;
	[tilespmem:v23+s5+$0x0] =	vst.idx.msk $0xffff, v32  }
0x200: {  	v39 =	vor.u32 v37, v38;
	[tilespmem:v21+s5+$0x0] =	vst.idx.msk $0xffff, v25  }
0x201: {  	v41 =	vbroadcast v20, $0x5;
	v23 =	vadd.s32 v2, v39;
	v40 =	vld.idx.msk [tilespmem:v34+s31+$0x0], $0xffff  }
0x202: {  	v21 =	vadd.s32 v3, v39;
	v24 =	vld.idx.msk [tilespmem:v24+s31+$0x0], $0xffff  }
0x203: {  	s20 =	sadd.s32 $0x15, s19;
	v42 =	vor.u32 v0, v41  }
0x204: {  	v43 =	vmov s20;
	v25 =	vor.u32 v1, v41  }
0x205: {  	v44 =	vshll.u32 v43, $0x3  }
0x206: {  	v45 =	vand.u32 $0x7D, v43;
	v46 =	vand.u32 $0x7FFFFC00, v44;
	[tilespmem:v23+s5+$0x0] =	vst.idx.msk $0xffff, v40  }
0x207: {  	v47 =	vor.u32 v45, v46;
	[tilespmem:v21+s5+$0x0] =	vst.idx.msk $0xffff, v24  }
0x208: {  	v49 =	vbroadcast v20, $0x6;
	v23 =	vadd.s32 v2, v47;
	v48 =	vld.idx.msk [tilespmem:v42+s2+$0x0], $0xffff  }
0x209: {  	v21 =	vadd.s32 v3, v47;
	v25 =	vld.idx.msk [tilespmem:v25+s2+$0x0], $0xffff  }
0x20a: {  	s20 =	sadd.s32 $0x16, s19;
	v50 =	vor.u32 v0, v49  }
0x20b: {  	v51 =	vmov s20;
	v24 =	vor.u32 v1, v49  }
0x20c: {  	v52 =	vshll.u32 v51, $0x3  }
0x20d: {  	v53 =	vand.u32 $0x7E, v51;
	v54 =	vand.u32 $0x7FFFFC00, v52;
	[tilespmem:v23+s5+$0x0] =	vst.idx.msk $0xffff, v48  }
0x20e: {  	v55 =	vor.u32 v53, v54;
	[tilespmem:v21+s5+$0x0] =	vst.idx.msk $0xffff, v25  }
0x20f: {  	v20 =	vbroadcast v20, $0x7;
	v23 =	vadd.s32 v2, v55;
	v56 =	vld.idx.msk [tilespmem:v50+s1+$0x0], $0xffff  }
0x210: {  	v21 =	vadd.s32 v3, v55;
	v24 =	vld.idx.msk [tilespmem:v24+s1+$0x0], $0xffff  }
0x211: {  	v57 =	vor.u32 v0, v20;
	s20 =	sadd.s32 $0x17, s19  }
0x212: {  	v20 =	vor.u32 v1, v20;
	v58 =	vmov s20  }
0x213: {  	v59 =	vshll.u32 v58, $0x3  }
0x214: {  	v60 =	vand.u32 $0x7F, v58;
	v61 =	vand.u32 $0x7FFFFC00, v59;
	[tilespmem:v23+s5+$0x0] =	vst.idx.msk $0xffff, v56  }
0x215: {  	v62 =	vor.u32 v60, v61;
	[tilespmem:v21+s5+$0x0] =	vst.idx.msk $0xffff, v24  }
0x216: {  	s19 =	sadd.s32 $0x18, s19;
	v23 =	vadd.s32 v2, v62;
	v63 =	vld.idx.msk [tilespmem:v57+s3+$0x0], $0xffff  }
0x217: {  	p0 =	sne.s32 s19, $0x1F8;
	v21 =	vadd.s32 v3, v62;
	v20 =	vld.idx.msk [tilespmem:v20+s3+$0x0], $0xffff  }
.Ltmp0:
0x218: {  	_ = 	snop;
	(pc) =	sbr.rel @p0 .LBB2_2-.Ltmp0, $3  }
0x219: {  	_ =	sdelay $0x1  }
0x21a: {  	s23 =	simm.s32 $0xA280;
	[tilespmem:v23+s5+$0x0] =	vst.idx.msk $0xffff, v63  }
0x21b: {  	s22 =	simm.s32 $0x9280;
	s21 =	simm.s32 $0x8280;
	s18 =	sadd.s32 $0x18, s18;
	[tilespmem:v21+s5+$0x0] =	vst.idx.msk $0xffff, v20  }
0x21c: {  	_ =	swait.ge [sflag:s4], $0x1000  }
0x21d: {  	[sflag:s4] =	ssyncset.done $0x0  }
0x21e: {  	[sflag:s4] =	ssyncadd.s32 $0xFFFFF000  }
0x21f: {  	_ =	swait.ge [sflag:s4], $0x1000  }
0x220: {  	[sflag:s4] =	ssyncset.done $0x0  }
0x221: {  	[sflag:s4] =	ssyncadd.s32 $0xFFFFF000  }
0x222: {  	_ =	swait.ge [sflag:s4], $0x1000  }
0x223: {  	[sflag:s4] =	ssyncset.done $0x0  }
0x224: {  	[sflag:s4] =	ssyncadd.s32 $0xFFFFF000  }
0x225: {  	_ =	swait.ge [sflag:s4], $0x1000  }
0x226: {  	[sflag:s4] =	ssyncset.done $0x0  }
0x227: {  	[sflag:s4] =	ssyncadd.s32 $0xFFFFF000  }
0x228: {  	_ =	swait.ge [sflag:s4], $0x1000  }
0x229: {  	[sflag:s4] =	ssyncset.done $0x0  }
0x22a: {  	[sflag:s4] =	ssyncadd.s32 $0xFFFFF000  }
0x22b: {  	_ =	swait.ge [sflag:s4], $0x1000  }
0x22c: {  	[sflag:s4] =	ssyncset.done $0x0  }
0x22d: {  	[sflag:s4] =	ssyncadd.s32 $0xFFFFF000  }
0x22e: {  	_ =	swait.ge [sflag:s4], $0x1000  }
0x22f: {  	[sflag:s4] =	ssyncset.done $0x0  }
0x230: {  	[sflag:s4] =	ssyncadd.s32 $0xFFFFF000  }
0x231: {  	_ =	swait.ge [sflag:s4], $0x1000  }
0x232: {  	[sflag:s4] =	ssyncset.done $0x0  }
0x233: {  	[sflag:s4] =	ssyncadd.s32 $0xFFFFF000  }
0x234: {  	v20 =	vld [tilespmem:$0x1F8];
	_ =	sdelay $0x4  }
0x235: {  	v20 =	vand.u32 $0x7F, v20  }
0x236: {  	v21 =	vbroadcast v20, $0x0;
	_ =	sdelay $0x1  }
0x237: {  	v22 =	vor.u32 v0, v21  }
0x238: {  	v21 =	vor.u32 v1, v21;
	_ =	sdelay $0x3  }
0x239: {  	v23 =	vbroadcast v20, $0x1;
	v22 =	vld.idx.msk [tilespmem:v22+s10+$0x0], $0xffff  }
0x23a: {  	v21 =	vld.idx.msk [tilespmem:v21+s10+$0x0], $0xffff  }
0x23b: {  	v24 =	vor.u32 v0, v23  }
0x23c: {  	v23 =	vor.u32 v1, v23;
	_ =	sdelay $0x1  }
0x23d: {  	[tilespmem:v4+s5+$0x0] =	vst.idx.msk $0xffff, v22  }
0x23e: {  	[tilespmem:v5+s5+$0x0] =	vst.idx.msk $0xffff, v21  }
0x23f: {  	v53 =	vbroadcast v20, $0x2;
	v21 =	vld.idx.msk [tilespmem:v24+s11+$0x0], $0xffff  }
0x240: {  	v23 =	vld.idx.msk [tilespmem:v23+s11+$0x0], $0xffff  }
0x241: {  	v54 =	vor.u32 v0, v53  }
0x242: {  	v22 =	vor.u32 v1, v53;
	_ =	sdelay $0x1  }
0x243: {  	[tilespmem:v6+s5+$0x0] =	vst.idx.msk $0xffff, v21  }
0x244: {  	[tilespmem:v7+s5+$0x0] =	vst.idx.msk $0xffff, v23  }
0x245: {  	v55 =	vbroadcast v20, $0x3;
	v21 =	vld.idx.msk [tilespmem:v54+s12+$0x0], $0xffff  }
0x246: {  	v22 =	vld.idx.msk [tilespmem:v22+s12+$0x0], $0xffff  }
0x247: {  	v56 =	vor.u32 v0, v55  }
0x248: {  	v23 =	vor.u32 v1, v55;
	_ =	sdelay $0x1  }
0x249: {  	[tilespmem:v8+s5+$0x0] =	vst.idx.msk $0xffff, v21  }
0x24a: {  	[tilespmem:v9+s5+$0x0] =	vst.idx.msk $0xffff, v22  }
0x24b: {  	v57 =	vbroadcast v20, $0x4;
	v21 =	vld.idx.msk [tilespmem:v56+s13+$0x0], $0xffff  }
0x24c: {  	v23 =	vld.idx.msk [tilespmem:v23+s13+$0x0], $0xffff  }
0x24d: {  	v58 =	vor.u32 v0, v57  }
0x24e: {  	v22 =	vor.u32 v1, v57;
	_ =	sdelay $0x1  }
0x24f: {  	[tilespmem:v10+s5+$0x0] =	vst.idx.msk $0xffff, v21  }
0x250: {  	[tilespmem:v11+s5+$0x0] =	vst.idx.msk $0xffff, v23  }
0x251: {  	v59 =	vbroadcast v20, $0x5;
	v21 =	vld.idx.msk [tilespmem:v58+s14+$0x0], $0xffff  }
0x252: {  	v22 =	vld.idx.msk [tilespmem:v22+s14+$0x0], $0xffff  }
0x253: {  	v60 =	vor.u32 v0, v59  }
0x254: {  	v23 =	vor.u32 v1, v59;
	_ =	sdelay $0x1  }
0x255: {  	[tilespmem:v12+s5+$0x0] =	vst.idx.msk $0xffff, v21  }
0x256: {  	[tilespmem:v13+s5+$0x0] =	vst.idx.msk $0xffff, v22  }
0x257: {  	v61 =	vbroadcast v20, $0x6;
	v21 =	vld.idx.msk [tilespmem:v60+s15+$0x0], $0xffff  }
0x258: {  	v23 =	vld.idx.msk [tilespmem:v23+s15+$0x0], $0xffff  }
0x259: {  	v62 =	vor.u32 v0, v61  }
0x25a: {  	v22 =	vor.u32 v1, v61;
	_ =	sdelay $0x1  }
0x25b: {  	[tilespmem:v14+s5+$0x0] =	vst.idx.msk $0xffff, v21  }
0x25c: {  	[tilespmem:v15+s5+$0x0] =	vst.idx.msk $0xffff, v23  }
0x25d: {  	v20 =	vbroadcast v20, $0x7;
	v21 =	vld.idx.msk [tilespmem:v62+s16+$0x0], $0xffff  }
0x25e: {  	v22 =	vld.idx.msk [tilespmem:v22+s16+$0x0], $0xffff  }
0x25f: {  	v63 =	vor.u32 v0, v20  }
0x260: {  	v20 =	vor.u32 v1, v20;
	_ =	sdelay $0x1  }
0x261: {  	[tilespmem:v16+s5+$0x0] =	vst.idx.msk $0xffff, v21  }
0x262: {  	[tilespmem:v17+s5+$0x0] =	vst.idx.msk $0xffff, v22  }
0x263: {  	v21 =	vld.idx.msk [tilespmem:v63+s17+$0x0], $0xffff  }
0x264: {  	v20 =	vld.idx.msk [tilespmem:v20+s17+$0x0], $0xffff;
	_ =	sdelay $0x3  }
0x265: {  	[tilespmem:v18+s5+$0x0] =	vst.idx.msk $0xffff, v21  }
0x266: {  	s19 =	simm.s32 $0x1000;
	s20 =	simm.s32 $0x20000;
	s18 =	rddreg [dreg:$0x5];
	[tilespmem:v19+s5+$0x0] =	vst.idx.msk $0xffff, v20  }
0x267: {  	[hbm4b:s18+s19] =	stream.strided.scatter [tilespmem:s5], [sflag:$0x4], $0x4000, s20, s19, $0x38;
	[tilespmem:$0x1C280] =	vst v63  }
0x268: {  	s20 =	simm.s32 $0x4  }
0x269: {  	_ =	swait.ge [sflag:s20], $0x4000  }
0x26a: {  	s18 =	rddreg [dreg:$0x7]  }
0x26b: {  	s19 =	sadd.s32 $0x1, s18;
	s18 =	rddreg [dreg:$0x6]  }
0x26c: {  	p0 =	sne.s32 s19, s18  }
.Ltmp1:
0x26d: {  	_ = 	snop;
	(pc) =	sbr.rel @p0 .LBB2_1-.Ltmp1, $3  }
0x26e: {  	_ =	sdelay $0x1  }
0x26f: {  	[sflag:s20] =	ssyncset.done $0x0  }
0x270: {  	[sflag:s20] =	ssyncadd.s32 $0xFFFFC000  }
0x271: {  	_ =	sfence.sel $0x180000  }
0x272: {  	[bflag:$0x0] =	sbarrier.arrive $0xFFFF  }
0x273: {  	_ =	strace $0x90000047  }
0x274: {  	s0 =	stileid.u32;
	[bflag:$0x2] =	sbarrier.arrive $0xFFFF  }
0x275: {  	p0 =	sne.s32 s0, $0x0;
	s0 =	rddreg [dreg:$0x3]  }
0x276: {  	s0 =	sadd.s32 @!p0 $0x100000, s0  }
0x277: {  	[sflag:s0] =	ssyncadd.tile.s32 @!p0 $0x1;
	_ =	shalt  }
.Lfunc_end2:
_tile_overlayer_lowered:
.L_overlay_start_2:
0x278: {  	(tag) =	ssettag $0x2  }
0x279: {  	s0 =	rddreg [dreg:$0x0];
	s2 =	stileid.u32  }
0x27a: {  	s1 =	rddreg [dreg:$0x1];
	p0 =	sne.s32 s2, $0x0  }
0x27b: {  	s3 =	rddreg [dreg:$0x2];
	[bflag:$0x3] =	sbarrier.arrive $0xFFFF;
	s2 =	simm.s32 @!p0 $0x1C04  }
0x27c: {  	[timem:s3], [sflag:s2] =	dma.local @!p0 [hbm:s0], s1  }
0x27d: {  	s0 =	simm.s32 @!p0 $0x4  }
0x27e: {  	_ =	swait.ge @!p0 [sflag:s0], s1  }
0x27f: {  	s1 =	ssub.s32 @!p0 $0x0, s1;
	[sflag:s0] =	ssyncset.done @!p0 $0x0  }
0x280: {  	[sflag:s0] =	ssyncadd.s32 @!p0 s1  }
0x281: {  	[bflag:$0x3] =	sbarrier.arrive $0xFFFF  }
0x282: {  	_ =	shalt  }

</sc_bundles>
